<compile_context>
chip_gen: v7x
topology: tpu7x:2x2x1
jax: 0.10.2.dev20260603
libtpu: 0.0.44.dev20260713+nightly
codegen_flags: <defaults>
</compile_context>

<pallas_src>
import functools

import jax
import jax.numpy as jnp
from jax import lax
from jax.experimental import pallas as pl
from jax.experimental.pallas import tpu as pltpu, tpu_sc as plsc

_BEAM = 20
_PRE = 30
_PAD = 32
_L = 16
_NEG = float("-inf")


@functools.cache
def _build():
    return functools.partial(
        pl.kernel,
        mesh=plsc.VectorSubcoreMesh(
            core_axis_name="c", subcore_axis_name="s", num_cores=1),
        out_type=[
            jax.ShapeDtypeStruct((_BEAM,), jnp.int32),
            jax.ShapeDtypeStruct((_BEAM,), jnp.int32),
        ],
        scratch_types=[
            pltpu.VMEM((_PAD,), jnp.int32),
            pltpu.VMEM((_PAD,), jnp.float32),
            pltpu.VMEM((_BEAM,), jnp.int32),
            pltpu.VMEM((_BEAM,), jnp.int32),
            pltpu.SemaphoreType.DMA,
            pltpu.SemaphoreType.DMA,
        ],
        compiler_params=pltpu.CompilerParams(needs_layout_passes=False),
    )(_beam_topk)


def _beam_topk(ws_hbm, ids_hbm, top_hbm, local_hbm,
               idx_v, vals_v, ot_v, ol_v, sem, sem2):
    is_worker = jnp.logical_and(
        lax.axis_index("c") == 0, lax.axis_index("s") == 0)

    @pl.when(is_worker)
    def _():
        idx_v[pl.ds(_L, _L)] = jnp.zeros((_L,), jnp.int32)
        pltpu.sync_copy(ids_hbm, idx_v.at[pl.ds(0, _PRE)])
        pltpu.async_copy(ws_hbm.at[idx_v], vals_v, sem).wait()

        lane = lax.iota(jnp.int32, _L)
        g0 = idx_v[pl.ds(0, _L)]
        g1 = idx_v[pl.ds(_L, _L)]
        v0 = vals_v[pl.ds(0, _L)]
        v1 = jnp.where(lane < _PRE - _L, vals_v[pl.ds(_L, _L)], _NEG)

        def bcast(a0, a1, j):
            src = a0 if j < _L else a1
            return jnp.take(src, jnp.full((_L,), j % _L, jnp.int32))

        false_v = jnp.zeros((_L,), jnp.bool_)
        dup0, dup1 = false_v, false_v
        for j in range(_PRE - 1):
            bg = bcast(g0, g1, j)
            if j < _L:
                dup0 = jnp.logical_or(
                    dup0, jnp.logical_and(g0 == bg, lane > j))
                dup1 = jnp.logical_or(dup1, g1 == bg)
            else:
                dup1 = jnp.logical_or(
                    dup1, jnp.logical_and(g1 == bg, lane > j - _L))
        neg = jnp.full((_L,), _NEG, jnp.float32)
        dval0 = jnp.where(dup0, neg, v0)
        dval1 = jnp.where(dup1, neg, v1)

        zero_v = jnp.zeros((_L,), jnp.int32)
        lrank0, lrank1 = zero_v, zero_v
        trank0, trank1 = zero_v, zero_v
        for j in range(_PRE):
            bv = bcast(v0, v1, j)
            bdv = bcast(dval0, dval1, j)
            bg = bcast(g0, g1, j)

            if j < _L:
                m0 = jnp.logical_or(
                    bv > v0, jnp.logical_and(bv == v0, lane > j))
                m1 = jnp.logical_or(bv > v1, bv == v1)
            else:
                m0 = bv > v0
                m1 = jnp.logical_or(
                    bv > v1, jnp.logical_and(bv == v1, lane > j - _L))
            lrank0 = lrank0 + m0.astype(jnp.int32)
            lrank1 = lrank1 + m1.astype(jnp.int32)

            t0 = jnp.logical_or(
                bdv > dval0, jnp.logical_and(bdv == dval0, bg < g0))
            t1 = jnp.logical_or(
                bdv > dval1, jnp.logical_and(bdv == dval1, bg < g1))
            trank0 = trank0 + t0.astype(jnp.int32)
            trank1 = trank1 + t1.astype(jnp.int32)

        beam1 = jnp.full((_L,), _BEAM - 1, jnp.int32)
        plsc.store_scatter(
            ot_v, [jnp.minimum(trank0, beam1)], g0, mask=trank0 < _BEAM)
        plsc.store_scatter(
            ot_v, [jnp.minimum(trank1, beam1)], g1, mask=trank1 < _BEAM)
        plsc.store_scatter(
            ol_v, [jnp.minimum(lrank0, beam1)], lane, mask=lrank0 < _BEAM)
        plsc.store_scatter(
            ol_v, [jnp.minimum(lrank1, beam1)], lane + _L,
            mask=lrank1 < _BEAM)

        c1 = pltpu.async_copy(ot_v, top_hbm, sem)
        c2 = pltpu.async_copy(ol_v, local_hbm, sem2)
        c1.wait()
        c2.wait()


def kernel(weighted_scores, ids):
    top_ids, local_ids = _build()(weighted_scores, ids)
    return top_ids, local_ids

# --- scband reference (transcript-rebuilt; emitter-appended) ---
"""Pipeline reference for scband-beam-search-73907797229732 (READ-ONLY COPY).

The authoritative reference and input builder live on the scoring server;
editing this copy changes nothing except your own understanding.
"""

import jax, jax.numpy as jnp
import numpy as np

BEAM_SIZE = 20
N_VOCAB = 1000000
PRE_BEAM = 30


def setup_inputs(seed: int = 0) -> dict:
    key = jax.random.key(seed)
    k1, k2 = jax.random.split(key)
    weighted_scores = jax.random.normal(k1, (N_VOCAB,), dtype=jnp.float32)
    ids = jax.random.randint(k2, (PRE_BEAM,), 0, N_VOCAB, dtype=jnp.int32)
    return {"weighted_scores": weighted_scores, "ids": ids}


def reference(weighted_scores, ids):
    # Faithful port of BeamSearch.main_beam
    n_vocab = weighted_scores.shape[0]
    if ids.shape[0] == n_vocab:
        _, top_ids = jax.lax.top_k(weighted_scores, BEAM_SIZE)
        return top_ids, top_ids
    # tmp = weighted_scores[ids]; weighted_scores[:] = -inf; weighted_scores[ids] = tmp
    tmp = jnp.take(weighted_scores, ids, axis=0)
    masked = jnp.full(weighted_scores.shape, -jnp.inf, dtype=weighted_scores.dtype)
    masked = masked.at[ids].set(tmp)
    _, top_ids = jax.lax.top_k(masked, BEAM_SIZE)
    _, local_ids = jax.lax.top_k(jnp.take(masked, ids, axis=0), BEAM_SIZE)
    return top_ids, local_ids

if __name__ == "__main__":
    import jax
    _d = setup_inputs()
    print(jax.jit(kernel)(*tuple(_d.values())))

</pallas_src>

<mosaic_0001>
#map = affine_map<(d0, d1) -> (0)>
module attributes {stable_mosaic.version = 14 : i64} {
  func.func @_beam_topk(%arg0: i32, %arg1: i32, %arg2: memref<1000000xf32, #tpu.memory_space<hbm>>, %arg3: memref<30xi32, #tpu.memory_space<hbm>>, %arg4: memref<20xi32, #tpu.memory_space<hbm>>, %arg5: memref<20xi32, #tpu.memory_space<hbm>>, %arg6: memref<32xi32, #tpu.memory_space<vmem>>, %arg7: memref<32xf32, #tpu.memory_space<vmem>>, %arg8: memref<20xi32, #tpu.memory_space<vmem>>, %arg9: memref<20xi32, #tpu.memory_space<vmem>>, %arg10: memref<!tpu.dma_semaphore, #tpu.memory_space<semaphore_mem>>, %arg11: memref<!tpu.dma_semaphore, #tpu.memory_space<semaphore_mem>>) attributes {dimension_semantics = [#tpu.dimension_semantics<core_parallel>, #tpu.dimension_semantics<subcore_parallel>], iteration_bounds = array<i64: 1, 16>, scalar_prefetch = 0 : i64, scratch_operands = 6 : i64, tpu.core_type = #tpu.core_type<sc_vector_subcore>, window_params = [{transform_indices = #map}, {transform_indices = #map}, {transform_indices = #map}, {transform_indices = #map}]} {
    %eq3A = arith.constant 0 : i32
    %eq3A_0 = arith.cmpi eq, %arg0, %eq3A : i32
    %eq3A_1 = arith.constant 0 : i32
    %eq3A_2 = arith.cmpi eq, %arg1, %eq3A_1 : i32
    %and3A = arith.andi %eq3A_0, %eq3A_2 : i1
    %convert_element_type3A = arith.extui %and3A : i1 to i32
    %cond3A = arith.constant 0 : i32
    %cond3A_3 = arith.cmpi ne, %convert_element_type3A, %cond3A : i32
    scf.if %cond3A_3 {
      %broadcast_in_dim3A = arith.constant 0 : i32
      %broadcast_in_dim3A_4 = vector.broadcast %broadcast_in_dim3A : i32 to vector<16xi32>
      %swap3A = arith.constant 16 : index
      %swap3A_5 = tpu.vector_load %arg6[%swap3A] {strides = array<i32>} : memref<32xi32, #tpu.memory_space<vmem>>, vector<16xi32>,
      tpu.vector_store %arg6[%swap3A], %broadcast_in_dim3A_4 {strides = array<i32>} : memref<32xi32, #tpu.memory_space<vmem>>, vector<16xi32>,
      "tpu.region"() ({
        %run_scoped3A = tpu.sem_alloc : memref<!tpu.dma_semaphore, #tpu.memory_space<semaphore_mem>>
        %dma_start3A_2488 = arith.constant 0 : i32
        %dma_start3A_2489 = tpu.memref_slice %arg6[%dma_start3A_2488] : memref<32xi32, #tpu.memory_space<vmem>> -> memref<30xi32, #tpu.memory_space<vmem>>
        %dma_start3A_2490 = arith.constant 0 : i32
        %dma_start3A_2491 = tpu.memref_slice %arg6[%dma_start3A_2490] : memref<32xi32, #tpu.memory_space<vmem>> -> memref<30xi32, #tpu.memory_space<vmem>>
        tpu.enqueue_dma source(%arg3 : memref<30xi32, #tpu.memory_space<hbm>>) target(%dma_start3A_2491 : memref<30xi32, #tpu.memory_space<vmem>>) target_semaphore(%run_scoped3A : memref<!tpu.dma_semaphore, #tpu.memory_space<semaphore_mem>>)
        %dma_wait3A_2492 = arith.constant 0 : i32
        %dma_wait3A_2493 = tpu.memref_slice %arg6[%dma_wait3A_2492] : memref<32xi32, #tpu.memory_space<vmem>> -> memref<30xi32, #tpu.memory_space<vmem>>
        %dma_wait3A_2494 = arith.constant 0 : i32
        %dma_wait3A_2495 = tpu.memref_slice %arg6[%dma_wait3A_2494] : memref<32xi32, #tpu.memory_space<vmem>> -> memref<30xi32, #tpu.memory_space<vmem>>
        tpu.wait_dma2 semaphore(%run_scoped3A : memref<!tpu.dma_semaphore, #tpu.memory_space<semaphore_mem>>) src(%arg3 : memref<30xi32, #tpu.memory_space<hbm>>) dst(%dma_wait3A_2495 : memref<30xi32, #tpu.memory_space<vmem>>)
        tpu.yield
      }) : () -> ()
      %dma_start3A = arith.constant 0 : i32
      %dma_start3A_6 = tpu.memref_slice %arg2[%dma_start3A] : memref<1000000xf32, #tpu.memory_space<hbm>> -> memref<1000000xf32, #tpu.memory_space<hbm>>
      tpu.enqueue_indirect_dma source(%dma_start3A_6 : memref<1000000xf32, #tpu.memory_space<hbm>>) target(%arg7 : memref<32xf32, #tpu.memory_space<vmem>>) offsets(%arg6 : memref<32xi32, #tpu.memory_space<vmem>>) semaphore(%arg10 : memref<!tpu.dma_semaphore, #tpu.memory_space<semaphore_mem>>)
      %dma_wait3A = arith.constant 0 : i32
      %dma_wait3A_7 = tpu.memref_slice %arg2[%dma_wait3A] : memref<1000000xf32, #tpu.memory_space<hbm>> -> memref<1000000xf32, #tpu.memory_space<hbm>>
      tpu.wait_indirect_dma semaphore(%arg10 : memref<!tpu.dma_semaphore, #tpu.memory_space<semaphore_mem>>) src(%dma_wait3A_7 : memref<1000000xf32, #tpu.memory_space<hbm>>) dst(%arg7 : memref<32xf32, #tpu.memory_space<vmem>>)
      %iota3A = tpu.iota {dimensions = array<i32: 0>} : vector<16xi32>
      %get3A = arith.constant 0 : index
      %get3A_8 = tpu.vector_load %arg6[%get3A] {strides = array<i32>} : memref<32xi32, #tpu.memory_space<vmem>>, vector<16xi32>,
      %get3A_9 = arith.constant 16 : index
      %get3A_10 = tpu.vector_load %arg6[%get3A_9] {strides = array<i32>} : memref<32xi32, #tpu.memory_space<vmem>>, vector<16xi32>,
      %get3A_11 = arith.constant 0 : index
      %get3A_12 = tpu.vector_load %arg7[%get3A_11] {strides = array<i32>} : memref<32xf32, #tpu.memory_space<vmem>>, vector<16xf32>,
      %lt3A = arith.constant 14 : i32
      %lt3A_13 = vector.broadcast %lt3A : i32 to vector<16xi32>
      %lt3A_14 = arith.cmpi slt, %iota3A, %lt3A_13 : vector<16xi32>
      %get3A_15 = arith.constant 16 : index
      %get3A_16 = tpu.vector_load %arg7[%get3A_15] {strides = array<i32>} : memref<32xf32, #tpu.memory_space<vmem>>, vector<16xf32>,
      %jit3A = arith.constant 0xFF800000 : f32
      %broadcast_in_dim3A_17 = vector.broadcast %jit3A : f32 to vector<16xf32>
      %select_n3A = arith.select %lt3A_14, %get3A_16, %broadcast_in_dim3A_17 : vector<16xi1>, vector<16xf32>
      %broadcast_in_dim3A_18 = arith.constant false
      %broadcast_in_dim3A_19 = vector.broadcast %broadcast_in_dim3A_18 : i1 to vector<16xi1>
      %broadcast_in_dim3A_20 = arith.constant 0 : i32
      %broadcast_in_dim3A_21 = vector.broadcast %broadcast_in_dim3A_20 : i32 to vector<16xi32>
      %lt3A_22 = arith.constant 0 : i32
      %lt3A_23 = vector.broadcast %lt3A_22 : i32 to vector<16xi32>
      %lt3A_24 = arith.cmpi slt, %broadcast_in_dim3A_21, %lt3A_23 : vector<16xi32>
      %add3A = arith.constant 16 : i32
      %add3A_25 = vector.broadcast %add3A : i32 to vector<16xi32>
      %add3A_26 = arith.addi %broadcast_in_dim3A_21, %add3A_25 : vector<16xi32>
      %select_n3A_27 = arith.select %lt3A_24, %add3A_26, %broadcast_in_dim3A_21 : vector<16xi1>, vector<16xi32>
      %broadcast_in_dim3A_28 = vector.shape_cast %select_n3A_27 : vector<16xi32> to vector<16x1xi32>
      %gather3A = vector.shape_cast %broadcast_in_dim3A_28 : vector<16x1xi32> to vector<16xi32>
      %gather3A_29 = tpu.dynamic_gather %get3A_8[%gather3A] in [0] : vector<16xi32>, vector<16xi32> -> vector<16xi32>
      %eq3A_30 = arith.cmpi eq, %get3A_8, %gather3A_29 : vector<16xi32>
      %gt3A = arith.constant 0 : i32
      %gt3A_31 = vector.broadcast %gt3A : i32 to vector<16xi32>
      %gt3A_32 = arith.cmpi sgt, %iota3A, %gt3A_31 : vector<16xi32>
      %and3A_33 = arith.andi %eq3A_30, %gt3A_32 : vector<16xi1>
      %or3A = arith.ori %broadcast_in_dim3A_19, %and3A_33 : vector<16xi1>
      %eq3A_34 = arith.cmpi eq, %get3A_10, %gather3A_29 : vector<16xi32>
      %or3A_35 = arith.ori %broadcast_in_dim3A_19, %eq3A_34 : vector<16xi1>
      %broadcast_in_dim3A_36 = arith.constant 1 : i32
      %broadcast_in_dim3A_37 = vector.broadcast %broadcast_in_dim3A_36 : i32 to vector<16xi32>
      %lt3A_38 = arith.constant 0 : i32
      %lt3A_39 = vector.broadcast %lt3A_38 : i32 to vector<16xi32>
      %lt3A_40 = arith.cmpi slt, %broadcast_in_dim3A_37, %lt3A_39 : vector<16xi32>
      %add3A_41 = arith.constant 16 : i32
      %add3A_42 = vector.broadcast %add3A_41 : i32 to vector<16xi32>
      %add3A_43 = arith.addi %broadcast_in_dim3A_37, %add3A_42 : vector<16xi32>
      %select_n3A_44 = arith.select %lt3A_40, %add3A_43, %broadcast_in_dim3A_37 : vector<16xi1>, vector<16xi32>
      %broadcast_in_dim3A_45 = vector.shape_cast %select_n3A_44 : vector<16xi32> to vector<16x1xi32>
      %gather3A_46 = vector.shape_cast %broadcast_in_dim3A_45 : vector<16x1xi32> to vector<16xi32>
      %gather3A_47 = tpu.dynamic_gather %get3A_8[%gather3A_46] in [0] : vector<16xi32>, vector<16xi32> -> vector<16xi32>
      %eq3A_48 = arith.cmpi eq, %get3A_8, %gather3A_47 : vector<16xi32>
      %gt3A_49 = arith.constant 1 : i32
      %gt3A_50 = vector.broadcast %gt3A_49 : i32 to vector<16xi32>
      %gt3A_51 = arith.cmpi sgt, %iota3A, %gt3A_50 : vector<16xi32>
      %and3A_52 = arith.andi %eq3A_48, %gt3A_51 : vector<16xi1>
      %or3A_53 = arith.ori %or3A, %and3A_52 : vector<16xi1>
      %eq3A_54 = arith.cmpi eq, %get3A_10, %gather3A_47 : vector<16xi32>
      %or3A_55 = arith.ori %or3A_35, %eq3A_54 : vector<16xi1>
      %broadcast_in_dim3A_56 = arith.constant 2 : i32
      %broadcast_in_dim3A_57 = vector.broadcast %broadcast_in_dim3A_56 : i32 to vector<16xi32>
      %lt3A_58 = arith.constant 0 : i32
      %lt3A_59 = vector.broadcast %lt3A_58 : i32 to vector<16xi32>
      %lt3A_60 = arith.cmpi slt, %broadcast_in_dim3A_57, %lt3A_59 : vector<16xi32>
      %add3A_61 = arith.constant 16 : i32
      %add3A_62 = vector.broadcast %add3A_61 : i32 to vector<16xi32>
      %add3A_63 = arith.addi %broadcast_in_dim3A_57, %add3A_62 : vector<16xi32>
      %select_n3A_64 = arith.select %lt3A_60, %add3A_63, %broadcast_in_dim3A_57 : vector<16xi1>, vector<16xi32>
      %broadcast_in_dim3A_65 = vector.shape_cast %select_n3A_64 : vector<16xi32> to vector<16x1xi32>
      %gather3A_66 = vector.shape_cast %broadcast_in_dim3A_65 : vector<16x1xi32> to vector<16xi32>
      %gather3A_67 = tpu.dynamic_gather %get3A_8[%gather3A_66] in [0] : vector<16xi32>, vector<16xi32> -> vector<16xi32>
      %eq3A_68 = arith.cmpi eq, %get3A_8, %gather3A_67 : vector<16xi32>
      %gt3A_69 = arith.constant 2 : i32
      %gt3A_70 = vector.broadcast %gt3A_69 : i32 to vector<16xi32>
      %gt3A_71 = arith.cmpi sgt, %iota3A, %gt3A_70 : vector<16xi32>
      %and3A_72 = arith.andi %eq3A_68, %gt3A_71 : vector<16xi1>
      %or3A_73 = arith.ori %or3A_53, %and3A_72 : vector<16xi1>
      %eq3A_74 = arith.cmpi eq, %get3A_10, %gather3A_67 : vector<16xi32>
      %or3A_75 = arith.ori %or3A_55, %eq3A_74 : vector<16xi1>
      %broadcast_in_dim3A_76 = arith.constant 3 : i32
      %broadcast_in_dim3A_77 = vector.broadcast %broadcast_in_dim3A_76 : i32 to vector<16xi32>
      %lt3A_78 = arith.constant 0 : i32
      %lt3A_79 = vector.broadcast %lt3A_78 : i32 to vector<16xi32>
      %lt3A_80 = arith.cmpi slt, %broadcast_in_dim3A_77, %lt3A_79 : vector<16xi32>
      %add3A_81 = arith.constant 16 : i32
      %add3A_82 = vector.broadcast %add3A_81 : i32 to vector<16xi32>
      %add3A_83 = arith.addi %broadcast_in_dim3A_77, %add3A_82 : vector<16xi32>
      %select_n3A_84 = arith.select %lt3A_80, %add3A_83, %broadcast_in_dim3A_77 : vector<16xi1>, vector<16xi32>
      %broadcast_in_dim3A_85 = vector.shape_cast %select_n3A_84 : vector<16xi32> to vector<16x1xi32>
      %gather3A_86 = vector.shape_cast %broadcast_in_dim3A_85 : vector<16x1xi32> to vector<16xi32>
      %gather3A_87 = tpu.dynamic_gather %get3A_8[%gather3A_86] in [0] : vector<16xi32>, vector<16xi32> -> vector<16xi32>
      %eq3A_88 = arith.cmpi eq, %get3A_8, %gather3A_87 : vector<16xi32>
      %gt3A_89 = arith.constant 3 : i32
      %gt3A_90 = vector.broadcast %gt3A_89 : i32 to vector<16xi32>
      %gt3A_91 = arith.cmpi sgt, %iota3A, %gt3A_90 : vector<16xi32>
      %and3A_92 = arith.andi %eq3A_88, %gt3A_91 : vector<16xi1>
      %or3A_93 = arith.ori %or3A_73, %and3A_92 : vector<16xi1>
      %eq3A_94 = arith.cmpi eq, %get3A_10, %gather3A_87 : vector<16xi32>
      %or3A_95 = arith.ori %or3A_75, %eq3A_94 : vector<16xi1>
      %broadcast_in_dim3A_96 = arith.constant 4 : i32
      %broadcast_in_dim3A_97 = vector.broadcast %broadcast_in_dim3A_96 : i32 to vector<16xi32>
      %lt3A_98 = arith.constant 0 : i32
      %lt3A_99 = vector.broadcast %lt3A_98 : i32 to vector<16xi32>
      %lt3A_100 = arith.cmpi slt, %broadcast_in_dim3A_97, %lt3A_99 : vector<16xi32>
      %add3A_101 = arith.constant 16 : i32
      %add3A_102 = vector.broadcast %add3A_101 : i32 to vector<16xi32>
      %add3A_103 = arith.addi %broadcast_in_dim3A_97, %add3A_102 : vector<16xi32>
      %select_n3A_104 = arith.select %lt3A_100, %add3A_103, %broadcast_in_dim3A_97 : vector<16xi1>, vector<16xi32>
      %broadcast_in_dim3A_105 = vector.shape_cast %select_n3A_104 : vector<16xi32> to vector<16x1xi32>
      %gather3A_106 = vector.shape_cast %broadcast_in_dim3A_105 : vector<16x1xi32> to vector<16xi32>
      %gather3A_107 = tpu.dynamic_gather %get3A_8[%gather3A_106] in [0] : vector<16xi32>, vector<16xi32> -> vector<16xi32>
      %eq3A_108 = arith.cmpi eq, %get3A_8, %gather3A_107 : vector<16xi32>
      %gt3A_109 = arith.constant 4 : i32
      %gt3A_110 = vector.broadcast %gt3A_109 : i32 to vector<16xi32>
      %gt3A_111 = arith.cmpi sgt, %iota3A, %gt3A_110 : vector<16xi32>
      %and3A_112 = arith.andi %eq3A_108, %gt3A_111 : vector<16xi1>
      %or3A_113 = arith.ori %or3A_93, %and3A_112 : vector<16xi1>
      %eq3A_114 = arith.cmpi eq, %get3A_10, %gather3A_107 : vector<16xi32>
      %or3A_115 = arith.ori %or3A_95, %eq3A_114 : vector<16xi1>
      %broadcast_in_dim3A_116 = arith.constant 5 : i32
      %broadcast_in_dim3A_117 = vector.broadcast %broadcast_in_dim3A_116 : i32 to vector<16xi32>
      %lt3A_118 = arith.constant 0 : i32
      %lt3A_119 = vector.broadcast %lt3A_118 : i32 to vector<16xi32>
      %lt3A_120 = arith.cmpi slt, %broadcast_in_dim3A_117, %lt3A_119 : vector<16xi32>
      %add3A_121 = arith.constant 16 : i32
      %add3A_122 = vector.broadcast %add3A_121 : i32 to vector<16xi32>
      %add3A_123 = arith.addi %broadcast_in_dim3A_117, %add3A_122 : vector<16xi32>
      %select_n3A_124 = arith.select %lt3A_120, %add3A_123, %broadcast_in_dim3A_117 : vector<16xi1>, vector<16xi32>
      %broadcast_in_dim3A_125 = vector.shape_cast %select_n3A_124 : vector<16xi32> to vector<16x1xi32>
      %gather3A_126 = vector.shape_cast %broadcast_in_dim3A_125 : vector<16x1xi32> to vector<16xi32>
      %gather3A_127 = tpu.dynamic_gather %get3A_8[%gather3A_126] in [0] : vector<16xi32>, vector<16xi32> -> vector<16xi32>
      %eq3A_128 = arith.cmpi eq, %get3A_8, %gather3A_127 : vector<16xi32>
      %gt3A_129 = arith.constant 5 : i32
      %gt3A_130 = vector.broadcast %gt3A_129 : i32 to vector<16xi32>
      %gt3A_131 = arith.cmpi sgt, %iota3A, %gt3A_130 : vector<16xi32>
      %and3A_132 = arith.andi %eq3A_128, %gt3A_131 : vector<16xi1>
      %or3A_133 = arith.ori %or3A_113, %and3A_132 : vector<16xi1>
      %eq3A_134 = arith.cmpi eq, %get3A_10, %gather3A_127 : vector<16xi32>
      %or3A_135 = arith.ori %or3A_115, %eq3A_134 : vector<16xi1>
      %broadcast_in_dim3A_136 = arith.constant 6 : i32
      %broadcast_in_dim3A_137 = vector.broadcast %broadcast_in_dim3A_136 : i32 to vector<16xi32>
      %lt3A_138 = arith.constant 0 : i32
      %lt3A_139 = vector.broadcast %lt3A_138 : i32 to vector<16xi32>
      %lt3A_140 = arith.cmpi slt, %broadcast_in_dim3A_137, %lt3A_139 : vector<16xi32>
      %add3A_141 = arith.constant 16 : i32
      %add3A_142 = vector.broadcast %add3A_141 : i32 to vector<16xi32>
      %add3A_143 = arith.addi %broadcast_in_dim3A_137, %add3A_142 : vector<16xi32>
      %select_n3A_144 = arith.select %lt3A_140, %add3A_143, %broadcast_in_dim3A_137 : vector<16xi1>, vector<16xi32>
      %broadcast_in_dim3A_145 = vector.shape_cast %select_n3A_144 : vector<16xi32> to vector<16x1xi32>
      %gather3A_146 = vector.shape_cast %broadcast_in_dim3A_145 : vector<16x1xi32> to vector<16xi32>
      %gather3A_147 = tpu.dynamic_gather %get3A_8[%gather3A_146] in [0] : vector<16xi32>, vector<16xi32> -> vector<16xi32>
      %eq3A_148 = arith.cmpi eq, %get3A_8, %gather3A_147 : vector<16xi32>
      %gt3A_149 = arith.constant 6 : i32
      %gt3A_150 = vector.broadcast %gt3A_149 : i32 to vector<16xi32>
      %gt3A_151 = arith.cmpi sgt, %iota3A, %gt3A_150 : vector<16xi32>
      %and3A_152 = arith.andi %eq3A_148, %gt3A_151 : vector<16xi1>
      %or3A_153 = arith.ori %or3A_133, %and3A_152 : vector<16xi1>
      %eq3A_154 = arith.cmpi eq, %get3A_10, %gather3A_147 : vector<16xi32>
      %or3A_155 = arith.ori %or3A_135, %eq3A_154 : vector<16xi1>
      %broadcast_in_dim3A_156 = arith.constant 7 : i32
      %broadcast_in_dim3A_157 = vector.broadcast %broadcast_in_dim3A_156 : i32 to vector<16xi32>
      %lt3A_158 = arith.constant 0 : i32
      %lt3A_159 = vector.broadcast %lt3A_158 : i32 to vector<16xi32>
      %lt3A_160 = arith.cmpi slt, %broadcast_in_dim3A_157, %lt3A_159 : vector<16xi32>
      %add3A_161 = arith.constant 16 : i32
      %add3A_162 = vector.broadcast %add3A_161 : i32 to vector<16xi32>
      %add3A_163 = arith.addi %broadcast_in_dim3A_157, %add3A_162 : vector<16xi32>
      %select_n3A_164 = arith.select %lt3A_160, %add3A_163, %broadcast_in_dim3A_157 : vector<16xi1>, vector<16xi32>
      %broadcast_in_dim3A_165 = vector.shape_cast %select_n3A_164 : vector<16xi32> to vector<16x1xi32>
      %gather3A_166 = vector.shape_cast %broadcast_in_dim3A_165 : vector<16x1xi32> to vector<16xi32>
      %gather3A_167 = tpu.dynamic_gather %get3A_8[%gather3A_166] in [0] : vector<16xi32>, vector<16xi32> -> vector<16xi32>
      %eq3A_168 = arith.cmpi eq, %get3A_8, %gather3A_167 : vector<16xi32>
      %gt3A_169 = arith.constant 7 : i32
      %gt3A_170 = vector.broadcast %gt3A_169 : i32 to vector<16xi32>
      %gt3A_171 = arith.cmpi sgt, %iota3A, %gt3A_170 : vector<16xi32>
      %and3A_172 = arith.andi %eq3A_168, %gt3A_171 : vector<16xi1>
      %or3A_173 = arith.ori %or3A_153, %and3A_172 : vector<16xi1>
      %eq3A_174 = arith.cmpi eq, %get3A_10, %gather3A_167 : vector<16xi32>
      %or3A_175 = arith.ori %or3A_155, %eq3A_174 : vector<16xi1>
      %broadcast_in_dim3A_176 = arith.constant 8 : i32
      %broadcast_in_dim3A_177 = vector.broadcast %broadcast_in_dim3A_176 : i32 to vector<16xi32>
      %lt3A_178 = arith.constant 0 : i32
      %lt3A_179 = vector.broadcast %lt3A_178 : i32 to vector<16xi32>
      %lt3A_180 = arith.cmpi slt, %broadcast_in_dim3A_177, %lt3A_179 : vector<16xi32>
      %add3A_181 = arith.constant 16 : i32
      %add3A_182 = vector.broadcast %add3A_181 : i32 to vector<16xi32>
      %add3A_183 = arith.addi %broadcast_in_dim3A_177, %add3A_182 : vector<16xi32>
      %select_n3A_184 = arith.select %lt3A_180, %add3A_183, %broadcast_in_dim3A_177 : vector<16xi1>, vector<16xi32>
      %broadcast_in_dim3A_185 = vector.shape_cast %select_n3A_184 : vector<16xi32> to vector<16x1xi32>
      %gather3A_186 = vector.shape_cast %broadcast_in_dim3A_185 : vector<16x1xi32> to vector<16xi32>
      %gather3A_187 = tpu.dynamic_gather %get3A_8[%gather3A_186] in [0] : vector<16xi32>, vector<16xi32> -> vector<16xi32>
      %eq3A_188 = arith.cmpi eq, %get3A_8, %gather3A_187 : vector<16xi32>
      %gt3A_189 = arith.constant 8 : i32
      %gt3A_190 = vector.broadcast %gt3A_189 : i32 to vector<16xi32>
      %gt3A_191 = arith.cmpi sgt, %iota3A, %gt3A_190 : vector<16xi32>
      %and3A_192 = arith.andi %eq3A_188, %gt3A_191 : vector<16xi1>
      %or3A_193 = arith.ori %or3A_173, %and3A_192 : vector<16xi1>
      %eq3A_194 = arith.cmpi eq, %get3A_10, %gather3A_187 : vector<16xi32>
      %or3A_195 = arith.ori %or3A_175, %eq3A_194 : vector<16xi1>
      %broadcast_in_dim3A_196 = arith.constant 9 : i32
      %broadcast_in_dim3A_197 = vector.broadcast %broadcast_in_dim3A_196 : i32 to vector<16xi32>
      %lt3A_198 = arith.constant 0 : i32
      %lt3A_199 = vector.broadcast %lt3A_198 : i32 to vector<16xi32>
      %lt3A_200 = arith.cmpi slt, %broadcast_in_dim3A_197, %lt3A_199 : vector<16xi32>
      %add3A_201 = arith.constant 16 : i32
      %add3A_202 = vector.broadcast %add3A_201 : i32 to vector<16xi32>
      %add3A_203 = arith.addi %broadcast_in_dim3A_197, %add3A_202 : vector<16xi32>
      %select_n3A_204 = arith.select %lt3A_200, %add3A_203, %broadcast_in_dim3A_197 : vector<16xi1>, vector<16xi32>
      %broadcast_in_dim3A_205 = vector.shape_cast %select_n3A_204 : vector<16xi32> to vector<16x1xi32>
      %gather3A_206 = vector.shape_cast %broadcast_in_dim3A_205 : vector<16x1xi32> to vector<16xi32>
      %gather3A_207 = tpu.dynamic_gather %get3A_8[%gather3A_206] in [0] : vector<16xi32>, vector<16xi32> -> vector<16xi32>
      %eq3A_208 = arith.cmpi eq, %get3A_8, %gather3A_207 : vector<16xi32>
      %gt3A_209 = arith.constant 9 : i32
      %gt3A_210 = vector.broadcast %gt3A_209 : i32 to vector<16xi32>
      %gt3A_211 = arith.cmpi sgt, %iota3A, %gt3A_210 : vector<16xi32>
      %and3A_212 = arith.andi %eq3A_208, %gt3A_211 : vector<16xi1>
      %or3A_213 = arith.ori %or3A_193, %and3A_212 : vector<16xi1>
      %eq3A_214 = arith.cmpi eq, %get3A_10, %gather3A_207 : vector<16xi32>
      %or3A_215 = arith.ori %or3A_195, %eq3A_214 : vector<16xi1>
      %broadcast_in_dim3A_216 = arith.constant 10 : i32
      %broadcast_in_dim3A_217 = vector.broadcast %broadcast_in_dim3A_216 : i32 to vector<16xi32>
      %lt3A_218 = arith.constant 0 : i32
      %lt3A_219 = vector.broadcast %lt3A_218 : i32 to vector<16xi32>
      %lt3A_220 = arith.cmpi slt, %broadcast_in_dim3A_217, %lt3A_219 : vector<16xi32>
      %add3A_221 = arith.constant 16 : i32
      %add3A_222 = vector.broadcast %add3A_221 : i32 to vector<16xi32>
      %add3A_223 = arith.addi %broadcast_in_dim3A_217, %add3A_222 : vector<16xi32>
      %select_n3A_224 = arith.select %lt3A_220, %add3A_223, %broadcast_in_dim3A_217 : vector<16xi1>, vector<16xi32>
      %broadcast_in_dim3A_225 = vector.shape_cast %select_n3A_224 : vector<16xi32> to vector<16x1xi32>
      %gather3A_226 = vector.shape_cast %broadcast_in_dim3A_225 : vector<16x1xi32> to vector<16xi32>
      %gather3A_227 = tpu.dynamic_gather %get3A_8[%gather3A_226] in [0] : vector<16xi32>, vector<16xi32> -> vector<16xi32>
      %eq3A_228 = arith.cmpi eq, %get3A_8, %gather3A_227 : vector<16xi32>
      %gt3A_229 = arith.constant 10 : i32
      %gt3A_230 = vector.broadcast %gt3A_229 : i32 to vector<16xi32>
      %gt3A_231 = arith.cmpi sgt, %iota3A, %gt3A_230 : vector<16xi32>
      %and3A_232 = arith.andi %eq3A_228, %gt3A_231 : vector<16xi1>
      %or3A_233 = arith.ori %or3A_213, %and3A_232 : vector<16xi1>
      %eq3A_234 = arith.cmpi eq, %get3A_10, %gather3A_227 : vector<16xi32>
      %or3A_235 = arith.ori %or3A_215, %eq3A_234 : vector<16xi1>
      %broadcast_in_dim3A_236 = arith.constant 11 : i32
      %broadcast_in_dim3A_237 = vector.broadcast %broadcast_in_dim3A_236 : i32 to vector<16xi32>
      %lt3A_238 = arith.constant 0 : i32
      %lt3A_239 = vector.broadcast %lt3A_238 : i32 to vector<16xi32>
      %lt3A_240 = arith.cmpi slt, %broadcast_in_dim3A_237, %lt3A_239 : vector<16xi32>
      %add3A_241 = arith.constant 16 : i32
      %add3A_242 = vector.broadcast %add3A_241 : i32 to vector<16xi32>
      %add3A_243 = arith.addi %broadcast_in_dim3A_237, %add3A_242 : vector<16xi32>
      %select_n3A_244 = arith.select %lt3A_240, %add3A_243, %broadcast_in_dim3A_237 : vector<16xi1>, vector<16xi32>
      %broadcast_in_dim3A_245 = vector.shape_cast %select_n3A_244 : vector<16xi32> to vector<16x1xi32>
      %gather3A_246 = vector.shape_cast %broadcast_in_dim3A_245 : vector<16x1xi32> to vector<16xi32>
      %gather3A_247 = tpu.dynamic_gather %get3A_8[%gather3A_246] in [0] : vector<16xi32>, vector<16xi32> -> vector<16xi32>
      %eq3A_248 = arith.cmpi eq, %get3A_8, %gather3A_247 : vector<16xi32>
      %gt3A_249 = arith.constant 11 : i32
      %gt3A_250 = vector.broadcast %gt3A_249 : i32 to vector<16xi32>
      %gt3A_251 = arith.cmpi sgt, %iota3A, %gt3A_250 : vector<16xi32>
      %and3A_252 = arith.andi %eq3A_248, %gt3A_251 : vector<16xi1>
      %or3A_253 = arith.ori %or3A_233, %and3A_252 : vector<16xi1>
      %eq3A_254 = arith.cmpi eq, %get3A_10, %gather3A_247 : vector<16xi32>
      %or3A_255 = arith.ori %or3A_235, %eq3A_254 : vector<16xi1>
      %broadcast_in_dim3A_256 = arith.constant 12 : i32
      %broadcast_in_dim3A_257 = vector.broadcast %broadcast_in_dim3A_256 : i32 to vector<16xi32>
      %lt3A_258 = arith.constant 0 : i32
      %lt3A_259 = vector.broadcast %lt3A_258 : i32 to vector<16xi32>
      %lt3A_260 = arith.cmpi slt, %broadcast_in_dim3A_257, %lt3A_259 : vector<16xi32>
      %add3A_261 = arith.constant 16 : i32
      %add3A_262 = vector.broadcast %add3A_261 : i32 to vector<16xi32>
      %add3A_263 = arith.addi %broadcast_in_dim3A_257, %add3A_262 : vector<16xi32>
      %select_n3A_264 = arith.select %lt3A_260, %add3A_263, %broadcast_in_dim3A_257 : vector<16xi1>, vector<16xi32>
      %broadcast_in_dim3A_265 = vector.shape_cast %select_n3A_264 : vector<16xi32> to vector<16x1xi32>
      %gather3A_266 = vector.shape_cast %broadcast_in_dim3A_265 : vector<16x1xi32> to vector<16xi32>
      %gather3A_267 = tpu.dynamic_gather %get3A_8[%gather3A_266] in [0] : vector<16xi32>, vector<16xi32> -> vector<16xi32>
      %eq3A_268 = arith.cmpi eq, %get3A_8, %gather3A_267 : vector<16xi32>
      %gt3A_269 = arith.constant 12 : i32
      %gt3A_270 = vector.broadcast %gt3A_269 : i32 to vector<16xi32>
      %gt3A_271 = arith.cmpi sgt, %iota3A, %gt3A_270 : vector<16xi32>
      %and3A_272 = arith.andi %eq3A_268, %gt3A_271 : vector<16xi1>
      %or3A_273 = arith.ori %or3A_253, %and3A_272 : vector<16xi1>
      %eq3A_274 = arith.cmpi eq, %get3A_10, %gather3A_267 : vector<16xi32>
      %or3A_275 = arith.ori %or3A_255, %eq3A_274 : vector<16xi1>
      %broadcast_in_dim3A_276 = arith.constant 13 : i32
      %broadcast_in_dim3A_277 = vector.broadcast %broadcast_in_dim3A_276 : i32 to vector<16xi32>
      %lt3A_278 = arith.constant 0 : i32
      %lt3A_279 = vector.broadcast %lt3A_278 : i32 to vector<16xi32>
      %lt3A_280 = arith.cmpi slt, %broadcast_in_dim3A_277, %lt3A_279 : vector<16xi32>
      %add3A_281 = arith.constant 16 : i32
      %add3A_282 = vector.broadcast %add3A_281 : i32 to vector<16xi32>
      %add3A_283 = arith.addi %broadcast_in_dim3A_277, %add3A_282 : vector<16xi32>
      %select_n3A_284 = arith.select %lt3A_280, %add3A_283, %broadcast_in_dim3A_277 : vector<16xi1>, vector<16xi32>
      %broadcast_in_dim3A_285 = vector.shape_cast %select_n3A_284 : vector<16xi32> to vector<16x1xi32>
      %gather3A_286 = vector.shape_cast %broadcast_in_dim3A_285 : vector<16x1xi32> to vector<16xi32>
      %gather3A_287 = tpu.dynamic_gather %get3A_8[%gather3A_286] in [0] : vector<16xi32>, vector<16xi32> -> vector<16xi32>
      %eq3A_288 = arith.cmpi eq, %get3A_8, %gather3A_287 : vector<16xi32>
      %gt3A_289 = arith.constant 13 : i32
      %gt3A_290 = vector.broadcast %gt3A_289 : i32 to vector<16xi32>
      %gt3A_291 = arith.cmpi sgt, %iota3A, %gt3A_290 : vector<16xi32>
      %and3A_292 = arith.andi %eq3A_288, %gt3A_291 : vector<16xi1>
      %or3A_293 = arith.ori %or3A_273, %and3A_292 : vector<16xi1>
      %eq3A_294 = arith.cmpi eq, %get3A_10, %gather3A_287 : vector<16xi32>
      %or3A_295 = arith.ori %or3A_275, %eq3A_294 : vector<16xi1>
      %broadcast_in_dim3A_296 = arith.constant 14 : i32
      %broadcast_in_dim3A_297 = vector.broadcast %broadcast_in_dim3A_296 : i32 to vector<16xi32>
      %lt3A_298 = arith.constant 0 : i32
      %lt3A_299 = vector.broadcast %lt3A_298 : i32 to vector<16xi32>
      %lt3A_300 = arith.cmpi slt, %broadcast_in_dim3A_297, %lt3A_299 : vector<16xi32>
      %add3A_301 = arith.constant 16 : i32
      %add3A_302 = vector.broadcast %add3A_301 : i32 to vector<16xi32>
      %add3A_303 = arith.addi %broadcast_in_dim3A_297, %add3A_302 : vector<16xi32>
      %select_n3A_304 = arith.select %lt3A_300, %add3A_303, %broadcast_in_dim3A_297 : vector<16xi1>, vector<16xi32>
      %broadcast_in_dim3A_305 = vector.shape_cast %select_n3A_304 : vector<16xi32> to vector<16x1xi32>
      %gather3A_306 = vector.shape_cast %broadcast_in_dim3A_305 : vector<16x1xi32> to vector<16xi32>
      %gather3A_307 = tpu.dynamic_gather %get3A_8[%gather3A_306] in [0] : vector<16xi32>, vector<16xi32> -> vector<16xi32>
      %eq3A_308 = arith.cmpi eq, %get3A_8, %gather3A_307 : vector<16xi32>
      %gt3A_309 = arith.constant 14 : i32
      %gt3A_310 = vector.broadcast %gt3A_309 : i32 to vector<16xi32>
      %gt3A_311 = arith.cmpi sgt, %iota3A, %gt3A_310 : vector<16xi32>
      %and3A_312 = arith.andi %eq3A_308, %gt3A_311 : vector<16xi1>
      %or3A_313 = arith.ori %or3A_293, %and3A_312 : vector<16xi1>
      %eq3A_314 = arith.cmpi eq, %get3A_10, %gather3A_307 : vector<16xi32>
      %or3A_315 = arith.ori %or3A_295, %eq3A_314 : vector<16xi1>
      %broadcast_in_dim3A_316 = arith.constant 15 : i32
      %broadcast_in_dim3A_317 = vector.broadcast %broadcast_in_dim3A_316 : i32 to vector<16xi32>
      %lt3A_318 = arith.constant 0 : i32
      %lt3A_319 = vector.broadcast %lt3A_318 : i32 to vector<16xi32>
      %lt3A_320 = arith.cmpi slt, %broadcast_in_dim3A_317, %lt3A_319 : vector<16xi32>
      %add3A_321 = arith.constant 16 : i32
      %add3A_322 = vector.broadcast %add3A_321 : i32 to vector<16xi32>
      %add3A_323 = arith.addi %broadcast_in_dim3A_317, %add3A_322 : vector<16xi32>
      %select_n3A_324 = arith.select %lt3A_320, %add3A_323, %broadcast_in_dim3A_317 : vector<16xi1>, vector<16xi32>
      %broadcast_in_dim3A_325 = vector.shape_cast %select_n3A_324 : vector<16xi32> to vector<16x1xi32>
      %gather3A_326 = vector.shape_cast %broadcast_in_dim3A_325 : vector<16x1xi32> to vector<16xi32>
      %gather3A_327 = tpu.dynamic_gather %get3A_8[%gather3A_326] in [0] : vector<16xi32>, vector<16xi32> -> vector<16xi32>
      %eq3A_328 = arith.cmpi eq, %get3A_8, %gather3A_327 : vector<16xi32>
      %gt3A_329 = arith.constant 15 : i32
      %gt3A_330 = vector.broadcast %gt3A_329 : i32 to vector<16xi32>
      %gt3A_331 = arith.cmpi sgt, %iota3A, %gt3A_330 : vector<16xi32>
      %and3A_332 = arith.andi %eq3A_328, %gt3A_331 : vector<16xi1>
      %or3A_333 = arith.ori %or3A_313, %and3A_332 : vector<16xi1>
      %eq3A_334 = arith.cmpi eq, %get3A_10, %gather3A_327 : vector<16xi32>
      %or3A_335 = arith.ori %or3A_315, %eq3A_334 : vector<16xi1>
      %broadcast_in_dim3A_336 = arith.constant 0 : i32
      %broadcast_in_dim3A_337 = vector.broadcast %broadcast_in_dim3A_336 : i32 to vector<16xi32>
      %lt3A_338 = arith.constant 0 : i32
      %lt3A_339 = vector.broadcast %lt3A_338 : i32 to vector<16xi32>
      %lt3A_340 = arith.cmpi slt, %broadcast_in_dim3A_337, %lt3A_339 : vector<16xi32>
      %add3A_341 = arith.constant 16 : i32
      %add3A_342 = vector.broadcast %add3A_341 : i32 to vector<16xi32>
      %add3A_343 = arith.addi %broadcast_in_dim3A_337, %add3A_342 : vector<16xi32>
      %select_n3A_344 = arith.select %lt3A_340, %add3A_343, %broadcast_in_dim3A_337 : vector<16xi1>, vector<16xi32>
      %broadcast_in_dim3A_345 = vector.shape_cast %select_n3A_344 : vector<16xi32> to vector<16x1xi32>
      %gather3A_346 = vector.shape_cast %broadcast_in_dim3A_345 : vector<16x1xi32> to vector<16xi32>
      %gather3A_347 = tpu.dynamic_gather %get3A_10[%gather3A_346] in [0] : vector<16xi32>, vector<16xi32> -> vector<16xi32>
      %eq3A_348 = arith.cmpi eq, %get3A_10, %gather3A_347 : vector<16xi32>
      %gt3A_349 = arith.constant 0 : i32
      %gt3A_350 = vector.broadcast %gt3A_349 : i32 to vector<16xi32>
      %gt3A_351 = arith.cmpi sgt, %iota3A, %gt3A_350 : vector<16xi32>
      %and3A_352 = arith.andi %eq3A_348, %gt3A_351 : vector<16xi1>
      %or3A_353 = arith.ori %or3A_335, %and3A_352 : vector<16xi1>
      %broadcast_in_dim3A_354 = arith.constant 1 : i32
      %broadcast_in_dim3A_355 = vector.broadcast %broadcast_in_dim3A_354 : i32 to vector<16xi32>
      %lt3A_356 = arith.constant 0 : i32
      %lt3A_357 = vector.broadcast %lt3A_356 : i32 to vector<16xi32>
      %lt3A_358 = arith.cmpi slt, %broadcast_in_dim3A_355, %lt3A_357 : vector<16xi32>
      %add3A_359 = arith.constant 16 : i32
      %add3A_360 = vector.broadcast %add3A_359 : i32 to vector<16xi32>
      %add3A_361 = arith.addi %broadcast_in_dim3A_355, %add3A_360 : vector<16xi32>
      %select_n3A_362 = arith.select %lt3A_358, %add3A_361, %broadcast_in_dim3A_355 : vector<16xi1>, vector<16xi32>
      %broadcast_in_dim3A_363 = vector.shape_cast %select_n3A_362 : vector<16xi32> to vector<16x1xi32>
      %gather3A_364 = vector.shape_cast %broadcast_in_dim3A_363 : vector<16x1xi32> to vector<16xi32>
      %gather3A_365 = tpu.dynamic_gather %get3A_10[%gather3A_364] in [0] : vector<16xi32>, vector<16xi32> -> vector<16xi32>
      %eq3A_366 = arith.cmpi eq, %get3A_10, %gather3A_365 : vector<16xi32>
      %gt3A_367 = arith.constant 1 : i32
      %gt3A_368 = vector.broadcast %gt3A_367 : i32 to vector<16xi32>
      %gt3A_369 = arith.cmpi sgt, %iota3A, %gt3A_368 : vector<16xi32>
      %and3A_370 = arith.andi %eq3A_366, %gt3A_369 : vector<16xi1>
      %or3A_371 = arith.ori %or3A_353, %and3A_370 : vector<16xi1>
      %broadcast_in_dim3A_372 = arith.constant 2 : i32
      %broadcast_in_dim3A_373 = vector.broadcast %broadcast_in_dim3A_372 : i32 to vector<16xi32>
      %lt3A_374 = arith.constant 0 : i32
      %lt3A_375 = vector.broadcast %lt3A_374 : i32 to vector<16xi32>
      %lt3A_376 = arith.cmpi slt, %broadcast_in_dim3A_373, %lt3A_375 : vector<16xi32>
      %add3A_377 = arith.constant 16 : i32
      %add3A_378 = vector.broadcast %add3A_377 : i32 to vector<16xi32>
      %add3A_379 = arith.addi %broadcast_in_dim3A_373, %add3A_378 : vector<16xi32>
      %select_n3A_380 = arith.select %lt3A_376, %add3A_379, %broadcast_in_dim3A_373 : vector<16xi1>, vector<16xi32>
      %broadcast_in_dim3A_381 = vector.shape_cast %select_n3A_380 : vector<16xi32> to vector<16x1xi32>
      %gather3A_382 = vector.shape_cast %broadcast_in_dim3A_381 : vector<16x1xi32> to vector<16xi32>
      %gather3A_383 = tpu.dynamic_gather %get3A_10[%gather3A_382] in [0] : vector<16xi32>, vector<16xi32> -> vector<16xi32>
      %eq3A_384 = arith.cmpi eq, %get3A_10, %gather3A_383 : vector<16xi32>
      %gt3A_385 = arith.constant 2 : i32
      %gt3A_386 = vector.broadcast %gt3A_385 : i32 to vector<16xi32>
      %gt3A_387 = arith.cmpi sgt, %iota3A, %gt3A_386 : vector<16xi32>
      %and3A_388 = arith.andi %eq3A_384, %gt3A_387 : vector<16xi1>
      %or3A_389 = arith.ori %or3A_371, %and3A_388 : vector<16xi1>
      %broadcast_in_dim3A_390 = arith.constant 3 : i32
      %broadcast_in_dim3A_391 = vector.broadcast %broadcast_in_dim3A_390 : i32 to vector<16xi32>
      %lt3A_392 = arith.constant 0 : i32
      %lt3A_393 = vector.broadcast %lt3A_392 : i32 to vector<16xi32>
      %lt3A_394 = arith.cmpi slt, %broadcast_in_dim3A_391, %lt3A_393 : vector<16xi32>
      %add3A_395 = arith.constant 16 : i32
      %add3A_396 = vector.broadcast %add3A_395 : i32 to vector<16xi32>
      %add3A_397 = arith.addi %broadcast_in_dim3A_391, %add3A_396 : vector<16xi32>
      %select_n3A_398 = arith.select %lt3A_394, %add3A_397, %broadcast_in_dim3A_391 : vector<16xi1>, vector<16xi32>
      %broadcast_in_dim3A_399 = vector.shape_cast %select_n3A_398 : vector<16xi32> to vector<16x1xi32>
      %gather3A_400 = vector.shape_cast %broadcast_in_dim3A_399 : vector<16x1xi32> to vector<16xi32>
      %gather3A_401 = tpu.dynamic_gather %get3A_10[%gather3A_400] in [0] : vector<16xi32>, vector<16xi32> -> vector<16xi32>
      %eq3A_402 = arith.cmpi eq, %get3A_10, %gather3A_401 : vector<16xi32>
      %gt3A_403 = arith.constant 3 : i32
      %gt3A_404 = vector.broadcast %gt3A_403 : i32 to vector<16xi32>
      %gt3A_405 = arith.cmpi sgt, %iota3A, %gt3A_404 : vector<16xi32>
      %and3A_406 = arith.andi %eq3A_402, %gt3A_405 : vector<16xi1>
      %or3A_407 = arith.ori %or3A_389, %and3A_406 : vector<16xi1>
      %broadcast_in_dim3A_408 = arith.constant 4 : i32
      %broadcast_in_dim3A_409 = vector.broadcast %broadcast_in_dim3A_408 : i32 to vector<16xi32>
      %lt3A_410 = arith.constant 0 : i32
      %lt3A_411 = vector.broadcast %lt3A_410 : i32 to vector<16xi32>
      %lt3A_412 = arith.cmpi slt, %broadcast_in_dim3A_409, %lt3A_411 : vector<16xi32>
      %add3A_413 = arith.constant 16 : i32
      %add3A_414 = vector.broadcast %add3A_413 : i32 to vector<16xi32>
      %add3A_415 = arith.addi %broadcast_in_dim3A_409, %add3A_414 : vector<16xi32>
      %select_n3A_416 = arith.select %lt3A_412, %add3A_415, %broadcast_in_dim3A_409 : vector<16xi1>, vector<16xi32>
      %broadcast_in_dim3A_417 = vector.shape_cast %select_n3A_416 : vector<16xi32> to vector<16x1xi32>
      %gather3A_418 = vector.shape_cast %broadcast_in_dim3A_417 : vector<16x1xi32> to vector<16xi32>
      %gather3A_419 = tpu.dynamic_gather %get3A_10[%gather3A_418] in [0] : vector<16xi32>, vector<16xi32> -> vector<16xi32>
      %eq3A_420 = arith.cmpi eq, %get3A_10, %gather3A_419 : vector<16xi32>
      %gt3A_421 = arith.constant 4 : i32
      %gt3A_422 = vector.broadcast %gt3A_421 : i32 to vector<16xi32>
      %gt3A_423 = arith.cmpi sgt, %iota3A, %gt3A_422 : vector<16xi32>
      %and3A_424 = arith.andi %eq3A_420, %gt3A_423 : vector<16xi1>
      %or3A_425 = arith.ori %or3A_407, %and3A_424 : vector<16xi1>
      %broadcast_in_dim3A_426 = arith.constant 5 : i32
      %broadcast_in_dim3A_427 = vector.broadcast %broadcast_in_dim3A_426 : i32 to vector<16xi32>
      %lt3A_428 = arith.constant 0 : i32
      %lt3A_429 = vector.broadcast %lt3A_428 : i32 to vector<16xi32>
      %lt3A_430 = arith.cmpi slt, %broadcast_in_dim3A_427, %lt3A_429 : vector<16xi32>
      %add3A_431 = arith.constant 16 : i32
      %add3A_432 = vector.broadcast %add3A_431 : i32 to vector<16xi32>
      %add3A_433 = arith.addi %broadcast_in_dim3A_427, %add3A_432 : vector<16xi32>
      %select_n3A_434 = arith.select %lt3A_430, %add3A_433, %broadcast_in_dim3A_427 : vector<16xi1>, vector<16xi32>
      %broadcast_in_dim3A_435 = vector.shape_cast %select_n3A_434 : vector<16xi32> to vector<16x1xi32>
      %gather3A_436 = vector.shape_cast %broadcast_in_dim3A_435 : vector<16x1xi32> to vector<16xi32>
      %gather3A_437 = tpu.dynamic_gather %get3A_10[%gather3A_436] in [0] : vector<16xi32>, vector<16xi32> -> vector<16xi32>
      %eq3A_438 = arith.cmpi eq, %get3A_10, %gather3A_437 : vector<16xi32>
      %gt3A_439 = arith.constant 5 : i32
      %gt3A_440 = vector.broadcast %gt3A_439 : i32 to vector<16xi32>
      %gt3A_441 = arith.cmpi sgt, %iota3A, %gt3A_440 : vector<16xi32>
      %and3A_442 = arith.andi %eq3A_438, %gt3A_441 : vector<16xi1>
      %or3A_443 = arith.ori %or3A_425, %and3A_442 : vector<16xi1>
      %broadcast_in_dim3A_444 = arith.constant 6 : i32
      %broadcast_in_dim3A_445 = vector.broadcast %broadcast_in_dim3A_444 : i32 to vector<16xi32>
      %lt3A_446 = arith.constant 0 : i32
      %lt3A_447 = vector.broadcast %lt3A_446 : i32 to vector<16xi32>
      %lt3A_448 = arith.cmpi slt, %broadcast_in_dim3A_445, %lt3A_447 : vector<16xi32>
      %add3A_449 = arith.constant 16 : i32
      %add3A_450 = vector.broadcast %add3A_449 : i32 to vector<16xi32>
      %add3A_451 = arith.addi %broadcast_in_dim3A_445, %add3A_450 : vector<16xi32>
      %select_n3A_452 = arith.select %lt3A_448, %add3A_451, %broadcast_in_dim3A_445 : vector<16xi1>, vector<16xi32>
      %broadcast_in_dim3A_453 = vector.shape_cast %select_n3A_452 : vector<16xi32> to vector<16x1xi32>
      %gather3A_454 = vector.shape_cast %broadcast_in_dim3A_453 : vector<16x1xi32> to vector<16xi32>
      %gather3A_455 = tpu.dynamic_gather %get3A_10[%gather3A_454] in [0] : vector<16xi32>, vector<16xi32> -> vector<16xi32>
      %eq3A_456 = arith.cmpi eq, %get3A_10, %gather3A_455 : vector<16xi32>
      %gt3A_457 = arith.constant 6 : i32
      %gt3A_458 = vector.broadcast %gt3A_457 : i32 to vector<16xi32>
      %gt3A_459 = arith.cmpi sgt, %iota3A, %gt3A_458 : vector<16xi32>
      %and3A_460 = arith.andi %eq3A_456, %gt3A_459 : vector<16xi1>
      %or3A_461 = arith.ori %or3A_443, %and3A_460 : vector<16xi1>
      %broadcast_in_dim3A_462 = arith.constant 7 : i32
      %broadcast_in_dim3A_463 = vector.broadcast %broadcast_in_dim3A_462 : i32 to vector<16xi32>
      %lt3A_464 = arith.constant 0 : i32
      %lt3A_465 = vector.broadcast %lt3A_464 : i32 to vector<16xi32>
      %lt3A_466 = arith.cmpi slt, %broadcast_in_dim3A_463, %lt3A_465 : vector<16xi32>
      %add3A_467 = arith.constant 16 : i32
      %add3A_468 = vector.broadcast %add3A_467 : i32 to vector<16xi32>
      %add3A_469 = arith.addi %broadcast_in_dim3A_463, %add3A_468 : vector<16xi32>
      %select_n3A_470 = arith.select %lt3A_466, %add3A_469, %broadcast_in_dim3A_463 : vector<16xi1>, vector<16xi32>
      %broadcast_in_dim3A_471 = vector.shape_cast %select_n3A_470 : vector<16xi32> to vector<16x1xi32>
      %gather3A_472 = vector.shape_cast %broadcast_in_dim3A_471 : vector<16x1xi32> to vector<16xi32>
      %gather3A_473 = tpu.dynamic_gather %get3A_10[%gather3A_472] in [0] : vector<16xi32>, vector<16xi32> -> vector<16xi32>
      %eq3A_474 = arith.cmpi eq, %get3A_10, %gather3A_473 : vector<16xi32>
      %gt3A_475 = arith.constant 7 : i32
      %gt3A_476 = vector.broadcast %gt3A_475 : i32 to vector<16xi32>
      %gt3A_477 = arith.cmpi sgt, %iota3A, %gt3A_476 : vector<16xi32>
      %and3A_478 = arith.andi %eq3A_474, %gt3A_477 : vector<16xi1>
      %or3A_479 = arith.ori %or3A_461, %and3A_478 : vector<16xi1>
      %broadcast_in_dim3A_480 = arith.constant 8 : i32
      %broadcast_in_dim3A_481 = vector.broadcast %broadcast_in_dim3A_480 : i32 to vector<16xi32>
      %lt3A_482 = arith.constant 0 : i32
      %lt3A_483 = vector.broadcast %lt3A_482 : i32 to vector<16xi32>
      %lt3A_484 = arith.cmpi slt, %broadcast_in_dim3A_481, %lt3A_483 : vector<16xi32>
      %add3A_485 = arith.constant 16 : i32
      %add3A_486 = vector.broadcast %add3A_485 : i32 to vector<16xi32>
      %add3A_487 = arith.addi %broadcast_in_dim3A_481, %add3A_486 : vector<16xi32>
      %select_n3A_488 = arith.select %lt3A_484, %add3A_487, %broadcast_in_dim3A_481 : vector<16xi1>, vector<16xi32>
      %broadcast_in_dim3A_489 = vector.shape_cast %select_n3A_488 : vector<16xi32> to vector<16x1xi32>
      %gather3A_490 = vector.shape_cast %broadcast_in_dim3A_489 : vector<16x1xi32> to vector<16xi32>
      %gather3A_491 = tpu.dynamic_gather %get3A_10[%gather3A_490] in [0] : vector<16xi32>, vector<16xi32> -> vector<16xi32>
      %eq3A_492 = arith.cmpi eq, %get3A_10, %gather3A_491 : vector<16xi32>
      %gt3A_493 = arith.constant 8 : i32
      %gt3A_494 = vector.broadcast %gt3A_493 : i32 to vector<16xi32>
      %gt3A_495 = arith.cmpi sgt, %iota3A, %gt3A_494 : vector<16xi32>
      %and3A_496 = arith.andi %eq3A_492, %gt3A_495 : vector<16xi1>
      %or3A_497 = arith.ori %or3A_479, %and3A_496 : vector<16xi1>
      %broadcast_in_dim3A_498 = arith.constant 9 : i32
      %broadcast_in_dim3A_499 = vector.broadcast %broadcast_in_dim3A_498 : i32 to vector<16xi32>
      %lt3A_500 = arith.constant 0 : i32
      %lt3A_501 = vector.broadcast %lt3A_500 : i32 to vector<16xi32>
      %lt3A_502 = arith.cmpi slt, %broadcast_in_dim3A_499, %lt3A_501 : vector<16xi32>
      %add3A_503 = arith.constant 16 : i32
      %add3A_504 = vector.broadcast %add3A_503 : i32 to vector<16xi32>
      %add3A_505 = arith.addi %broadcast_in_dim3A_499, %add3A_504 : vector<16xi32>
      %select_n3A_506 = arith.select %lt3A_502, %add3A_505, %broadcast_in_dim3A_499 : vector<16xi1>, vector<16xi32>
      %broadcast_in_dim3A_507 = vector.shape_cast %select_n3A_506 : vector<16xi32> to vector<16x1xi32>
      %gather3A_508 = vector.shape_cast %broadcast_in_dim3A_507 : vector<16x1xi32> to vector<16xi32>
      %gather3A_509 = tpu.dynamic_gather %get3A_10[%gather3A_508] in [0] : vector<16xi32>, vector<16xi32> -> vector<16xi32>
      %eq3A_510 = arith.cmpi eq, %get3A_10, %gather3A_509 : vector<16xi32>
      %gt3A_511 = arith.constant 9 : i32
      %gt3A_512 = vector.broadcast %gt3A_511 : i32 to vector<16xi32>
      %gt3A_513 = arith.cmpi sgt, %iota3A, %gt3A_512 : vector<16xi32>
      %and3A_514 = arith.andi %eq3A_510, %gt3A_513 : vector<16xi1>
      %or3A_515 = arith.ori %or3A_497, %and3A_514 : vector<16xi1>
      %broadcast_in_dim3A_516 = arith.constant 10 : i32
      %broadcast_in_dim3A_517 = vector.broadcast %broadcast_in_dim3A_516 : i32 to vector<16xi32>
      %lt3A_518 = arith.constant 0 : i32
      %lt3A_519 = vector.broadcast %lt3A_518 : i32 to vector<16xi32>
      %lt3A_520 = arith.cmpi slt, %broadcast_in_dim3A_517, %lt3A_519 : vector<16xi32>
      %add3A_521 = arith.constant 16 : i32
      %add3A_522 = vector.broadcast %add3A_521 : i32 to vector<16xi32>
      %add3A_523 = arith.addi %broadcast_in_dim3A_517, %add3A_522 : vector<16xi32>
      %select_n3A_524 = arith.select %lt3A_520, %add3A_523, %broadcast_in_dim3A_517 : vector<16xi1>, vector<16xi32>
      %broadcast_in_dim3A_525 = vector.shape_cast %select_n3A_524 : vector<16xi32> to vector<16x1xi32>
      %gather3A_526 = vector.shape_cast %broadcast_in_dim3A_525 : vector<16x1xi32> to vector<16xi32>
      %gather3A_527 = tpu.dynamic_gather %get3A_10[%gather3A_526] in [0] : vector<16xi32>, vector<16xi32> -> vector<16xi32>
      %eq3A_528 = arith.cmpi eq, %get3A_10, %gather3A_527 : vector<16xi32>
      %gt3A_529 = arith.constant 10 : i32
      %gt3A_530 = vector.broadcast %gt3A_529 : i32 to vector<16xi32>
      %gt3A_531 = arith.cmpi sgt, %iota3A, %gt3A_530 : vector<16xi32>
      %and3A_532 = arith.andi %eq3A_528, %gt3A_531 : vector<16xi1>
      %or3A_533 = arith.ori %or3A_515, %and3A_532 : vector<16xi1>
      %broadcast_in_dim3A_534 = arith.constant 11 : i32
      %broadcast_in_dim3A_535 = vector.broadcast %broadcast_in_dim3A_534 : i32 to vector<16xi32>
      %lt3A_536 = arith.constant 0 : i32
      %lt3A_537 = vector.broadcast %lt3A_536 : i32 to vector<16xi32>
      %lt3A_538 = arith.cmpi slt, %broadcast_in_dim3A_535, %lt3A_537 : vector<16xi32>
      %add3A_539 = arith.constant 16 : i32
      %add3A_540 = vector.broadcast %add3A_539 : i32 to vector<16xi32>
      %add3A_541 = arith.addi %broadcast_in_dim3A_535, %add3A_540 : vector<16xi32>
      %select_n3A_542 = arith.select %lt3A_538, %add3A_541, %broadcast_in_dim3A_535 : vector<16xi1>, vector<16xi32>
      %broadcast_in_dim3A_543 = vector.shape_cast %select_n3A_542 : vector<16xi32> to vector<16x1xi32>
      %gather3A_544 = vector.shape_cast %broadcast_in_dim3A_543 : vector<16x1xi32> to vector<16xi32>
      %gather3A_545 = tpu.dynamic_gather %get3A_10[%gather3A_544] in [0] : vector<16xi32>, vector<16xi32> -> vector<16xi32>
      %eq3A_546 = arith.cmpi eq, %get3A_10, %gather3A_545 : vector<16xi32>
      %gt3A_547 = arith.constant 11 : i32
      %gt3A_548 = vector.broadcast %gt3A_547 : i32 to vector<16xi32>
      %gt3A_549 = arith.cmpi sgt, %iota3A, %gt3A_548 : vector<16xi32>
      %and3A_550 = arith.andi %eq3A_546, %gt3A_549 : vector<16xi1>
      %or3A_551 = arith.ori %or3A_533, %and3A_550 : vector<16xi1>
      %broadcast_in_dim3A_552 = arith.constant 12 : i32
      %broadcast_in_dim3A_553 = vector.broadcast %broadcast_in_dim3A_552 : i32 to vector<16xi32>
      %lt3A_554 = arith.constant 0 : i32
      %lt3A_555 = vector.broadcast %lt3A_554 : i32 to vector<16xi32>
      %lt3A_556 = arith.cmpi slt, %broadcast_in_dim3A_553, %lt3A_555 : vector<16xi32>
      %add3A_557 = arith.constant 16 : i32
      %add3A_558 = vector.broadcast %add3A_557 : i32 to vector<16xi32>
      %add3A_559 = arith.addi %broadcast_in_dim3A_553, %add3A_558 : vector<16xi32>
      %select_n3A_560 = arith.select %lt3A_556, %add3A_559, %broadcast_in_dim3A_553 : vector<16xi1>, vector<16xi32>
      %broadcast_in_dim3A_561 = vector.shape_cast %select_n3A_560 : vector<16xi32> to vector<16x1xi32>
      %gather3A_562 = vector.shape_cast %broadcast_in_dim3A_561 : vector<16x1xi32> to vector<16xi32>
      %gather3A_563 = tpu.dynamic_gather %get3A_10[%gather3A_562] in [0] : vector<16xi32>, vector<16xi32> -> vector<16xi32>
      %eq3A_564 = arith.cmpi eq, %get3A_10, %gather3A_563 : vector<16xi32>
      %gt3A_565 = arith.constant 12 : i32
      %gt3A_566 = vector.broadcast %gt3A_565 : i32 to vector<16xi32>
      %gt3A_567 = arith.cmpi sgt, %iota3A, %gt3A_566 : vector<16xi32>
      %and3A_568 = arith.andi %eq3A_564, %gt3A_567 : vector<16xi1>
      %or3A_569 = arith.ori %or3A_551, %and3A_568 : vector<16xi1>
      %broadcast_in_dim3A_570 = arith.constant 0xFF800000 : f32
      %broadcast_in_dim3A_571 = vector.broadcast %broadcast_in_dim3A_570 : f32 to vector<16xf32>
      %select_n3A_572 = arith.select %or3A_333, %broadcast_in_dim3A_571, %get3A_12 : vector<16xi1>, vector<16xf32>
      %select_n3A_573 = arith.select %or3A_569, %broadcast_in_dim3A_571, %select_n3A : vector<16xi1>, vector<16xf32>
      %broadcast_in_dim3A_574 = arith.constant 0 : i32
      %broadcast_in_dim3A_575 = vector.broadcast %broadcast_in_dim3A_574 : i32 to vector<16xi32>
      %broadcast_in_dim3A_576 = arith.constant 0 : i32
      %broadcast_in_dim3A_577 = vector.broadcast %broadcast_in_dim3A_576 : i32 to vector<16xi32>
      %lt3A_578 = arith.constant 0 : i32
      %lt3A_579 = vector.broadcast %lt3A_578 : i32 to vector<16xi32>
      %lt3A_580 = arith.cmpi slt, %broadcast_in_dim3A_577, %lt3A_579 : vector<16xi32>
      %add3A_581 = arith.constant 16 : i32
      %add3A_582 = vector.broadcast %add3A_581 : i32 to vector<16xi32>
      %add3A_583 = arith.addi %broadcast_in_dim3A_577, %add3A_582 : vector<16xi32>
      %select_n3A_584 = arith.select %lt3A_580, %add3A_583, %broadcast_in_dim3A_577 : vector<16xi1>, vector<16xi32>
      %broadcast_in_dim3A_585 = vector.shape_cast %select_n3A_584 : vector<16xi32> to vector<16x1xi32>
      %gather3A_586 = vector.shape_cast %broadcast_in_dim3A_585 : vector<16x1xi32> to vector<16xi32>
      %gather3A_587 = tpu.dynamic_gather %get3A_12[%gather3A_586] in [0] : vector<16xf32>, vector<16xi32> -> vector<16xf32>
      %broadcast_in_dim3A_588 = arith.constant 0 : i32
      %broadcast_in_dim3A_589 = vector.broadcast %broadcast_in_dim3A_588 : i32 to vector<16xi32>
      %lt3A_590 = arith.constant 0 : i32
      %lt3A_591 = vector.broadcast %lt3A_590 : i32 to vector<16xi32>
      %lt3A_592 = arith.cmpi slt, %broadcast_in_dim3A_589, %lt3A_591 : vector<16xi32>
      %add3A_593 = arith.constant 16 : i32
      %add3A_594 = vector.broadcast %add3A_593 : i32 to vector<16xi32>
      %add3A_595 = arith.addi %broadcast_in_dim3A_589, %add3A_594 : vector<16xi32>
      %select_n3A_596 = arith.select %lt3A_592, %add3A_595, %broadcast_in_dim3A_589 : vector<16xi1>, vector<16xi32>
      %broadcast_in_dim3A_597 = vector.shape_cast %select_n3A_596 : vector<16xi32> to vector<16x1xi32>
      %gather3A_598 = vector.shape_cast %broadcast_in_dim3A_597 : vector<16x1xi32> to vector<16xi32>
      %gather3A_599 = tpu.dynamic_gather %select_n3A_572[%gather3A_598] in [0] : vector<16xf32>, vector<16xi32> -> vector<16xf32>
      %broadcast_in_dim3A_600 = arith.constant 0 : i32
      %broadcast_in_dim3A_601 = vector.broadcast %broadcast_in_dim3A_600 : i32 to vector<16xi32>
      %lt3A_602 = arith.constant 0 : i32
      %lt3A_603 = vector.broadcast %lt3A_602 : i32 to vector<16xi32>
      %lt3A_604 = arith.cmpi slt, %broadcast_in_dim3A_601, %lt3A_603 : vector<16xi32>
      %add3A_605 = arith.constant 16 : i32
      %add3A_606 = vector.broadcast %add3A_605 : i32 to vector<16xi32>
      %add3A_607 = arith.addi %broadcast_in_dim3A_601, %add3A_606 : vector<16xi32>
      %select_n3A_608 = arith.select %lt3A_604, %add3A_607, %broadcast_in_dim3A_601 : vector<16xi1>, vector<16xi32>
      %broadcast_in_dim3A_609 = vector.shape_cast %select_n3A_608 : vector<16xi32> to vector<16x1xi32>
      %gather3A_610 = vector.shape_cast %broadcast_in_dim3A_609 : vector<16x1xi32> to vector<16xi32>
      %gather3A_611 = tpu.dynamic_gather %get3A_8[%gather3A_610] in [0] : vector<16xi32>, vector<16xi32> -> vector<16xi32>
      %gt3A_612 = arith.cmpf ogt, %gather3A_587, %get3A_12 : vector<16xf32>
      %eq3A_613 = arith.cmpf oeq, %gather3A_587, %get3A_12 : vector<16xf32>
      %gt3A_614 = arith.constant 0 : i32
      %gt3A_615 = vector.broadcast %gt3A_614 : i32 to vector<16xi32>
      %gt3A_616 = arith.cmpi sgt, %iota3A, %gt3A_615 : vector<16xi32>
      %and3A_617 = arith.andi %eq3A_613, %gt3A_616 : vector<16xi1>
      %or3A_618 = arith.ori %gt3A_612, %and3A_617 : vector<16xi1>
      %gt3A_619 = arith.cmpf ogt, %gather3A_587, %select_n3A : vector<16xf32>
      %eq3A_620 = arith.cmpf oeq, %gather3A_587, %select_n3A : vector<16xf32>
      %or3A_621 = arith.ori %gt3A_619, %eq3A_620 : vector<16xi1>
      %convert_element_type3A_622 = arith.extui %or3A_618 : vector<16xi1> to vector<16xi32>
      %add3A_623 = arith.addi %broadcast_in_dim3A_575, %convert_element_type3A_622 : vector<16xi32>
      %convert_element_type3A_624 = arith.extui %or3A_621 : vector<16xi1> to vector<16xi32>
      %add3A_625 = arith.addi %broadcast_in_dim3A_575, %convert_element_type3A_624 : vector<16xi32>
      %gt3A_626 = arith.cmpf ogt, %gather3A_599, %select_n3A_572 : vector<16xf32>
      %eq3A_627 = arith.cmpf oeq, %gather3A_599, %select_n3A_572 : vector<16xf32>
      %lt3A_628 = arith.cmpi slt, %gather3A_611, %get3A_8 : vector<16xi32>
      %and3A_629 = arith.andi %eq3A_627, %lt3A_628 : vector<16xi1>
      %or3A_630 = arith.ori %gt3A_626, %and3A_629 : vector<16xi1>
      %gt3A_631 = arith.cmpf ogt, %gather3A_599, %select_n3A_573 : vector<16xf32>
      %eq3A_632 = arith.cmpf oeq, %gather3A_599, %select_n3A_573 : vector<16xf32>
      %lt3A_633 = arith.cmpi slt, %gather3A_611, %get3A_10 : vector<16xi32>
      %and3A_634 = arith.andi %eq3A_632, %lt3A_633 : vector<16xi1>
      %or3A_635 = arith.ori %gt3A_631, %and3A_634 : vector<16xi1>
      %convert_element_type3A_636 = arith.extui %or3A_630 : vector<16xi1> to vector<16xi32>
      %add3A_637 = arith.addi %broadcast_in_dim3A_575, %convert_element_type3A_636 : vector<16xi32>
      %convert_element_type3A_638 = arith.extui %or3A_635 : vector<16xi1> to vector<16xi32>
      %add3A_639 = arith.addi %broadcast_in_dim3A_575, %convert_element_type3A_638 : vector<16xi32>
      %broadcast_in_dim3A_640 = arith.constant 1 : i32
      %broadcast_in_dim3A_641 = vector.broadcast %broadcast_in_dim3A_640 : i32 to vector<16xi32>
      %lt3A_642 = arith.constant 0 : i32
      %lt3A_643 = vector.broadcast %lt3A_642 : i32 to vector<16xi32>
      %lt3A_644 = arith.cmpi slt, %broadcast_in_dim3A_641, %lt3A_643 : vector<16xi32>
      %add3A_645 = arith.constant 16 : i32
      %add3A_646 = vector.broadcast %add3A_645 : i32 to vector<16xi32>
      %add3A_647 = arith.addi %broadcast_in_dim3A_641, %add3A_646 : vector<16xi32>
      %select_n3A_648 = arith.select %lt3A_644, %add3A_647, %broadcast_in_dim3A_641 : vector<16xi1>, vector<16xi32>
      %broadcast_in_dim3A_649 = vector.shape_cast %select_n3A_648 : vector<16xi32> to vector<16x1xi32>
      %gather3A_650 = vector.shape_cast %broadcast_in_dim3A_649 : vector<16x1xi32> to vector<16xi32>
      %gather3A_651 = tpu.dynamic_gather %get3A_12[%gather3A_650] in [0] : vector<16xf32>, vector<16xi32> -> vector<16xf32>
      %broadcast_in_dim3A_652 = arith.constant 1 : i32
      %broadcast_in_dim3A_653 = vector.broadcast %broadcast_in_dim3A_652 : i32 to vector<16xi32>
      %lt3A_654 = arith.constant 0 : i32
      %lt3A_655 = vector.broadcast %lt3A_654 : i32 to vector<16xi32>
      %lt3A_656 = arith.cmpi slt, %broadcast_in_dim3A_653, %lt3A_655 : vector<16xi32>
      %add3A_657 = arith.constant 16 : i32
      %add3A_658 = vector.broadcast %add3A_657 : i32 to vector<16xi32>
      %add3A_659 = arith.addi %broadcast_in_dim3A_653, %add3A_658 : vector<16xi32>
      %select_n3A_660 = arith.select %lt3A_656, %add3A_659, %broadcast_in_dim3A_653 : vector<16xi1>, vector<16xi32>
      %broadcast_in_dim3A_661 = vector.shape_cast %select_n3A_660 : vector<16xi32> to vector<16x1xi32>
      %gather3A_662 = vector.shape_cast %broadcast_in_dim3A_661 : vector<16x1xi32> to vector<16xi32>
      %gather3A_663 = tpu.dynamic_gather %select_n3A_572[%gather3A_662] in [0] : vector<16xf32>, vector<16xi32> -> vector<16xf32>
      %broadcast_in_dim3A_664 = arith.constant 1 : i32
      %broadcast_in_dim3A_665 = vector.broadcast %broadcast_in_dim3A_664 : i32 to vector<16xi32>
      %lt3A_666 = arith.constant 0 : i32
      %lt3A_667 = vector.broadcast %lt3A_666 : i32 to vector<16xi32>
      %lt3A_668 = arith.cmpi slt, %broadcast_in_dim3A_665, %lt3A_667 : vector<16xi32>
      %add3A_669 = arith.constant 16 : i32
      %add3A_670 = vector.broadcast %add3A_669 : i32 to vector<16xi32>
      %add3A_671 = arith.addi %broadcast_in_dim3A_665, %add3A_670 : vector<16xi32>
      %select_n3A_672 = arith.select %lt3A_668, %add3A_671, %broadcast_in_dim3A_665 : vector<16xi1>, vector<16xi32>
      %broadcast_in_dim3A_673 = vector.shape_cast %select_n3A_672 : vector<16xi32> to vector<16x1xi32>
      %gather3A_674 = vector.shape_cast %broadcast_in_dim3A_673 : vector<16x1xi32> to vector<16xi32>
      %gather3A_675 = tpu.dynamic_gather %get3A_8[%gather3A_674] in [0] : vector<16xi32>, vector<16xi32> -> vector<16xi32>
      %gt3A_676 = arith.cmpf ogt, %gather3A_651, %get3A_12 : vector<16xf32>
      %eq3A_677 = arith.cmpf oeq, %gather3A_651, %get3A_12 : vector<16xf32>
      %gt3A_678 = arith.constant 1 : i32
      %gt3A_679 = vector.broadcast %gt3A_678 : i32 to vector<16xi32>
      %gt3A_680 = arith.cmpi sgt, %iota3A, %gt3A_679 : vector<16xi32>
      %and3A_681 = arith.andi %eq3A_677, %gt3A_680 : vector<16xi1>
      %or3A_682 = arith.ori %gt3A_676, %and3A_681 : vector<16xi1>
      %gt3A_683 = arith.cmpf ogt, %gather3A_651, %select_n3A : vector<16xf32>
      %eq3A_684 = arith.cmpf oeq, %gather3A_651, %select_n3A : vector<16xf32>
      %or3A_685 = arith.ori %gt3A_683, %eq3A_684 : vector<16xi1>
      %convert_element_type3A_686 = arith.extui %or3A_682 : vector<16xi1> to vector<16xi32>
      %add3A_687 = arith.addi %add3A_623, %convert_element_type3A_686 : vector<16xi32>
      %convert_element_type3A_688 = arith.extui %or3A_685 : vector<16xi1> to vector<16xi32>
      %add3A_689 = arith.addi %add3A_625, %convert_element_type3A_688 : vector<16xi32>
      %gt3A_690 = arith.cmpf ogt, %gather3A_663, %select_n3A_572 : vector<16xf32>
      %eq3A_691 = arith.cmpf oeq, %gather3A_663, %select_n3A_572 : vector<16xf32>
      %lt3A_692 = arith.cmpi slt, %gather3A_675, %get3A_8 : vector<16xi32>
      %and3A_693 = arith.andi %eq3A_691, %lt3A_692 : vector<16xi1>
      %or3A_694 = arith.ori %gt3A_690, %and3A_693 : vector<16xi1>
      %gt3A_695 = arith.cmpf ogt, %gather3A_663, %select_n3A_573 : vector<16xf32>
      %eq3A_696 = arith.cmpf oeq, %gather3A_663, %select_n3A_573 : vector<16xf32>
      %lt3A_697 = arith.cmpi slt, %gather3A_675, %get3A_10 : vector<16xi32>
      %and3A_698 = arith.andi %eq3A_696, %lt3A_697 : vector<16xi1>
      %or3A_699 = arith.ori %gt3A_695, %and3A_698 : vector<16xi1>
      %convert_element_type3A_700 = arith.extui %or3A_694 : vector<16xi1> to vector<16xi32>
      %add3A_701 = arith.addi %add3A_637, %convert_element_type3A_700 : vector<16xi32>
      %convert_element_type3A_702 = arith.extui %or3A_699 : vector<16xi1> to vector<16xi32>
      %add3A_703 = arith.addi %add3A_639, %convert_element_type3A_702 : vector<16xi32>
      %broadcast_in_dim3A_704 = arith.constant 2 : i32
      %broadcast_in_dim3A_705 = vector.broadcast %broadcast_in_dim3A_704 : i32 to vector<16xi32>
      %lt3A_706 = arith.constant 0 : i32
      %lt3A_707 = vector.broadcast %lt3A_706 : i32 to vector<16xi32>
      %lt3A_708 = arith.cmpi slt, %broadcast_in_dim3A_705, %lt3A_707 : vector<16xi32>
      %add3A_709 = arith.constant 16 : i32
      %add3A_710 = vector.broadcast %add3A_709 : i32 to vector<16xi32>
      %add3A_711 = arith.addi %broadcast_in_dim3A_705, %add3A_710 : vector<16xi32>
      %select_n3A_712 = arith.select %lt3A_708, %add3A_711, %broadcast_in_dim3A_705 : vector<16xi1>, vector<16xi32>
      %broadcast_in_dim3A_713 = vector.shape_cast %select_n3A_712 : vector<16xi32> to vector<16x1xi32>
      %gather3A_714 = vector.shape_cast %broadcast_in_dim3A_713 : vector<16x1xi32> to vector<16xi32>
      %gather3A_715 = tpu.dynamic_gather %get3A_12[%gather3A_714] in [0] : vector<16xf32>, vector<16xi32> -> vector<16xf32>
      %broadcast_in_dim3A_716 = arith.constant 2 : i32
      %broadcast_in_dim3A_717 = vector.broadcast %broadcast_in_dim3A_716 : i32 to vector<16xi32>
      %lt3A_718 = arith.constant 0 : i32
      %lt3A_719 = vector.broadcast %lt3A_718 : i32 to vector<16xi32>
      %lt3A_720 = arith.cmpi slt, %broadcast_in_dim3A_717, %lt3A_719 : vector<16xi32>
      %add3A_721 = arith.constant 16 : i32
      %add3A_722 = vector.broadcast %add3A_721 : i32 to vector<16xi32>
      %add3A_723 = arith.addi %broadcast_in_dim3A_717, %add3A_722 : vector<16xi32>
      %select_n3A_724 = arith.select %lt3A_720, %add3A_723, %broadcast_in_dim3A_717 : vector<16xi1>, vector<16xi32>
      %broadcast_in_dim3A_725 = vector.shape_cast %select_n3A_724 : vector<16xi32> to vector<16x1xi32>
      %gather3A_726 = vector.shape_cast %broadcast_in_dim3A_725 : vector<16x1xi32> to vector<16xi32>
      %gather3A_727 = tpu.dynamic_gather %select_n3A_572[%gather3A_726] in [0] : vector<16xf32>, vector<16xi32> -> vector<16xf32>
      %broadcast_in_dim3A_728 = arith.constant 2 : i32
      %broadcast_in_dim3A_729 = vector.broadcast %broadcast_in_dim3A_728 : i32 to vector<16xi32>
      %lt3A_730 = arith.constant 0 : i32
      %lt3A_731 = vector.broadcast %lt3A_730 : i32 to vector<16xi32>
      %lt3A_732 = arith.cmpi slt, %broadcast_in_dim3A_729, %lt3A_731 : vector<16xi32>
      %add3A_733 = arith.constant 16 : i32
      %add3A_734 = vector.broadcast %add3A_733 : i32 to vector<16xi32>
      %add3A_735 = arith.addi %broadcast_in_dim3A_729, %add3A_734 : vector<16xi32>
      %select_n3A_736 = arith.select %lt3A_732, %add3A_735, %broadcast_in_dim3A_729 : vector<16xi1>, vector<16xi32>
      %broadcast_in_dim3A_737 = vector.shape_cast %select_n3A_736 : vector<16xi32> to vector<16x1xi32>
      %gather3A_738 = vector.shape_cast %broadcast_in_dim3A_737 : vector<16x1xi32> to vector<16xi32>
      %gather3A_739 = tpu.dynamic_gather %get3A_8[%gather3A_738] in [0] : vector<16xi32>, vector<16xi32> -> vector<16xi32>
      %gt3A_740 = arith.cmpf ogt, %gather3A_715, %get3A_12 : vector<16xf32>
      %eq3A_741 = arith.cmpf oeq, %gather3A_715, %get3A_12 : vector<16xf32>
      %gt3A_742 = arith.constant 2 : i32
      %gt3A_743 = vector.broadcast %gt3A_742 : i32 to vector<16xi32>
      %gt3A_744 = arith.cmpi sgt, %iota3A, %gt3A_743 : vector<16xi32>
      %and3A_745 = arith.andi %eq3A_741, %gt3A_744 : vector<16xi1>
      %or3A_746 = arith.ori %gt3A_740, %and3A_745 : vector<16xi1>
      %gt3A_747 = arith.cmpf ogt, %gather3A_715, %select_n3A : vector<16xf32>
      %eq3A_748 = arith.cmpf oeq, %gather3A_715, %select_n3A : vector<16xf32>
      %or3A_749 = arith.ori %gt3A_747, %eq3A_748 : vector<16xi1>
      %convert_element_type3A_750 = arith.extui %or3A_746 : vector<16xi1> to vector<16xi32>
      %add3A_751 = arith.addi %add3A_687, %convert_element_type3A_750 : vector<16xi32>
      %convert_element_type3A_752 = arith.extui %or3A_749 : vector<16xi1> to vector<16xi32>
      %add3A_753 = arith.addi %add3A_689, %convert_element_type3A_752 : vector<16xi32>
      %gt3A_754 = arith.cmpf ogt, %gather3A_727, %select_n3A_572 : vector<16xf32>
      %eq3A_755 = arith.cmpf oeq, %gather3A_727, %select_n3A_572 : vector<16xf32>
      %lt3A_756 = arith.cmpi slt, %gather3A_739, %get3A_8 : vector<16xi32>
      %and3A_757 = arith.andi %eq3A_755, %lt3A_756 : vector<16xi1>
      %or3A_758 = arith.ori %gt3A_754, %and3A_757 : vector<16xi1>
      %gt3A_759 = arith.cmpf ogt, %gather3A_727, %select_n3A_573 : vector<16xf32>
      %eq3A_760 = arith.cmpf oeq, %gather3A_727, %select_n3A_573 : vector<16xf32>
      %lt3A_761 = arith.cmpi slt, %gather3A_739, %get3A_10 : vector<16xi32>
      %and3A_762 = arith.andi %eq3A_760, %lt3A_761 : vector<16xi1>
      %or3A_763 = arith.ori %gt3A_759, %and3A_762 : vector<16xi1>
      %convert_element_type3A_764 = arith.extui %or3A_758 : vector<16xi1> to vector<16xi32>
      %add3A_765 = arith.addi %add3A_701, %convert_element_type3A_764 : vector<16xi32>
      %convert_element_type3A_766 = arith.extui %or3A_763 : vector<16xi1> to vector<16xi32>
      %add3A_767 = arith.addi %add3A_703, %convert_element_type3A_766 : vector<16xi32>
      %broadcast_in_dim3A_768 = arith.constant 3 : i32
      %broadcast_in_dim3A_769 = vector.broadcast %broadcast_in_dim3A_768 : i32 to vector<16xi32>
      %lt3A_770 = arith.constant 0 : i32
      %lt3A_771 = vector.broadcast %lt3A_770 : i32 to vector<16xi32>
      %lt3A_772 = arith.cmpi slt, %broadcast_in_dim3A_769, %lt3A_771 : vector<16xi32>
      %add3A_773 = arith.constant 16 : i32
      %add3A_774 = vector.broadcast %add3A_773 : i32 to vector<16xi32>
      %add3A_775 = arith.addi %broadcast_in_dim3A_769, %add3A_774 : vector<16xi32>
      %select_n3A_776 = arith.select %lt3A_772, %add3A_775, %broadcast_in_dim3A_769 : vector<16xi1>, vector<16xi32>
      %broadcast_in_dim3A_777 = vector.shape_cast %select_n3A_776 : vector<16xi32> to vector<16x1xi32>
      %gather3A_778 = vector.shape_cast %broadcast_in_dim3A_777 : vector<16x1xi32> to vector<16xi32>
      %gather3A_779 = tpu.dynamic_gather %get3A_12[%gather3A_778] in [0] : vector<16xf32>, vector<16xi32> -> vector<16xf32>
      %broadcast_in_dim3A_780 = arith.constant 3 : i32
      %broadcast_in_dim3A_781 = vector.broadcast %broadcast_in_dim3A_780 : i32 to vector<16xi32>
      %lt3A_782 = arith.constant 0 : i32
      %lt3A_783 = vector.broadcast %lt3A_782 : i32 to vector<16xi32>
      %lt3A_784 = arith.cmpi slt, %broadcast_in_dim3A_781, %lt3A_783 : vector<16xi32>
      %add3A_785 = arith.constant 16 : i32
      %add3A_786 = vector.broadcast %add3A_785 : i32 to vector<16xi32>
      %add3A_787 = arith.addi %broadcast_in_dim3A_781, %add3A_786 : vector<16xi32>
      %select_n3A_788 = arith.select %lt3A_784, %add3A_787, %broadcast_in_dim3A_781 : vector<16xi1>, vector<16xi32>
      %broadcast_in_dim3A_789 = vector.shape_cast %select_n3A_788 : vector<16xi32> to vector<16x1xi32>
      %gather3A_790 = vector.shape_cast %broadcast_in_dim3A_789 : vector<16x1xi32> to vector<16xi32>
      %gather3A_791 = tpu.dynamic_gather %select_n3A_572[%gather3A_790] in [0] : vector<16xf32>, vector<16xi32> -> vector<16xf32>
      %broadcast_in_dim3A_792 = arith.constant 3 : i32
      %broadcast_in_dim3A_793 = vector.broadcast %broadcast_in_dim3A_792 : i32 to vector<16xi32>
      %lt3A_794 = arith.constant 0 : i32
      %lt3A_795 = vector.broadcast %lt3A_794 : i32 to vector<16xi32>
      %lt3A_796 = arith.cmpi slt, %broadcast_in_dim3A_793, %lt3A_795 : vector<16xi32>
      %add3A_797 = arith.constant 16 : i32
      %add3A_798 = vector.broadcast %add3A_797 : i32 to vector<16xi32>
      %add3A_799 = arith.addi %broadcast_in_dim3A_793, %add3A_798 : vector<16xi32>
      %select_n3A_800 = arith.select %lt3A_796, %add3A_799, %broadcast_in_dim3A_793 : vector<16xi1>, vector<16xi32>
      %broadcast_in_dim3A_801 = vector.shape_cast %select_n3A_800 : vector<16xi32> to vector<16x1xi32>
      %gather3A_802 = vector.shape_cast %broadcast_in_dim3A_801 : vector<16x1xi32> to vector<16xi32>
      %gather3A_803 = tpu.dynamic_gather %get3A_8[%gather3A_802] in [0] : vector<16xi32>, vector<16xi32> -> vector<16xi32>
      %gt3A_804 = arith.cmpf ogt, %gather3A_779, %get3A_12 : vector<16xf32>
      %eq3A_805 = arith.cmpf oeq, %gather3A_779, %get3A_12 : vector<16xf32>
      %gt3A_806 = arith.constant 3 : i32
      %gt3A_807 = vector.broadcast %gt3A_806 : i32 to vector<16xi32>
      %gt3A_808 = arith.cmpi sgt, %iota3A, %gt3A_807 : vector<16xi32>
      %and3A_809 = arith.andi %eq3A_805, %gt3A_808 : vector<16xi1>
      %or3A_810 = arith.ori %gt3A_804, %and3A_809 : vector<16xi1>
      %gt3A_811 = arith.cmpf ogt, %gather3A_779, %select_n3A : vector<16xf32>
      %eq3A_812 = arith.cmpf oeq, %gather3A_779, %select_n3A : vector<16xf32>
      %or3A_813 = arith.ori %gt3A_811, %eq3A_812 : vector<16xi1>
      %convert_element_type3A_814 = arith.extui %or3A_810 : vector<16xi1> to vector<16xi32>
      %add3A_815 = arith.addi %add3A_751, %convert_element_type3A_814 : vector<16xi32>
      %convert_element_type3A_816 = arith.extui %or3A_813 : vector<16xi1> to vector<16xi32>
      %add3A_817 = arith.addi %add3A_753, %convert_element_type3A_816 : vector<16xi32>
      %gt3A_818 = arith.cmpf ogt, %gather3A_791, %select_n3A_572 : vector<16xf32>
      %eq3A_819 = arith.cmpf oeq, %gather3A_791, %select_n3A_572 : vector<16xf32>
      %lt3A_820 = arith.cmpi slt, %gather3A_803, %get3A_8 : vector<16xi32>
      %and3A_821 = arith.andi %eq3A_819, %lt3A_820 : vector<16xi1>
      %or3A_822 = arith.ori %gt3A_818, %and3A_821 : vector<16xi1>
      %gt3A_823 = arith.cmpf ogt, %gather3A_791, %select_n3A_573 : vector<16xf32>
      %eq3A_824 = arith.cmpf oeq, %gather3A_791, %select_n3A_573 : vector<16xf32>
      %lt3A_825 = arith.cmpi slt, %gather3A_803, %get3A_10 : vector<16xi32>
      %and3A_826 = arith.andi %eq3A_824, %lt3A_825 : vector<16xi1>
      %or3A_827 = arith.ori %gt3A_823, %and3A_826 : vector<16xi1>
      %convert_element_type3A_828 = arith.extui %or3A_822 : vector<16xi1> to vector<16xi32>
      %add3A_829 = arith.addi %add3A_765, %convert_element_type3A_828 : vector<16xi32>
      %convert_element_type3A_830 = arith.extui %or3A_827 : vector<16xi1> to vector<16xi32>
      %add3A_831 = arith.addi %add3A_767, %convert_element_type3A_830 : vector<16xi32>
      %broadcast_in_dim3A_832 = arith.constant 4 : i32
      %broadcast_in_dim3A_833 = vector.broadcast %broadcast_in_dim3A_832 : i32 to vector<16xi32>
      %lt3A_834 = arith.constant 0 : i32
      %lt3A_835 = vector.broadcast %lt3A_834 : i32 to vector<16xi32>
      %lt3A_836 = arith.cmpi slt, %broadcast_in_dim3A_833, %lt3A_835 : vector<16xi32>
      %add3A_837 = arith.constant 16 : i32
      %add3A_838 = vector.broadcast %add3A_837 : i32 to vector<16xi32>
      %add3A_839 = arith.addi %broadcast_in_dim3A_833, %add3A_838 : vector<16xi32>
      %select_n3A_840 = arith.select %lt3A_836, %add3A_839, %broadcast_in_dim3A_833 : vector<16xi1>, vector<16xi32>
      %broadcast_in_dim3A_841 = vector.shape_cast %select_n3A_840 : vector<16xi32> to vector<16x1xi32>
      %gather3A_842 = vector.shape_cast %broadcast_in_dim3A_841 : vector<16x1xi32> to vector<16xi32>
      %gather3A_843 = tpu.dynamic_gather %get3A_12[%gather3A_842] in [0] : vector<16xf32>, vector<16xi32> -> vector<16xf32>
      %broadcast_in_dim3A_844 = arith.constant 4 : i32
      %broadcast_in_dim3A_845 = vector.broadcast %broadcast_in_dim3A_844 : i32 to vector<16xi32>
      %lt3A_846 = arith.constant 0 : i32
      %lt3A_847 = vector.broadcast %lt3A_846 : i32 to vector<16xi32>
      %lt3A_848 = arith.cmpi slt, %broadcast_in_dim3A_845, %lt3A_847 : vector<16xi32>
      %add3A_849 = arith.constant 16 : i32
      %add3A_850 = vector.broadcast %add3A_849 : i32 to vector<16xi32>
      %add3A_851 = arith.addi %broadcast_in_dim3A_845, %add3A_850 : vector<16xi32>
      %select_n3A_852 = arith.select %lt3A_848, %add3A_851, %broadcast_in_dim3A_845 : vector<16xi1>, vector<16xi32>
      %broadcast_in_dim3A_853 = vector.shape_cast %select_n3A_852 : vector<16xi32> to vector<16x1xi32>
      %gather3A_854 = vector.shape_cast %broadcast_in_dim3A_853 : vector<16x1xi32> to vector<16xi32>
      %gather3A_855 = tpu.dynamic_gather %select_n3A_572[%gather3A_854] in [0] : vector<16xf32>, vector<16xi32> -> vector<16xf32>
      %broadcast_in_dim3A_856 = arith.constant 4 : i32
      %broadcast_in_dim3A_857 = vector.broadcast %broadcast_in_dim3A_856 : i32 to vector<16xi32>
      %lt3A_858 = arith.constant 0 : i32
      %lt3A_859 = vector.broadcast %lt3A_858 : i32 to vector<16xi32>
      %lt3A_860 = arith.cmpi slt, %broadcast_in_dim3A_857, %lt3A_859 : vector<16xi32>
      %add3A_861 = arith.constant 16 : i32
      %add3A_862 = vector.broadcast %add3A_861 : i32 to vector<16xi32>
      %add3A_863 = arith.addi %broadcast_in_dim3A_857, %add3A_862 : vector<16xi32>
      %select_n3A_864 = arith.select %lt3A_860, %add3A_863, %broadcast_in_dim3A_857 : vector<16xi1>, vector<16xi32>
      %broadcast_in_dim3A_865 = vector.shape_cast %select_n3A_864 : vector<16xi32> to vector<16x1xi32>
      %gather3A_866 = vector.shape_cast %broadcast_in_dim3A_865 : vector<16x1xi32> to vector<16xi32>
      %gather3A_867 = tpu.dynamic_gather %get3A_8[%gather3A_866] in [0] : vector<16xi32>, vector<16xi32> -> vector<16xi32>
      %gt3A_868 = arith.cmpf ogt, %gather3A_843, %get3A_12 : vector<16xf32>
      %eq3A_869 = arith.cmpf oeq, %gather3A_843, %get3A_12 : vector<16xf32>
      %gt3A_870 = arith.constant 4 : i32
      %gt3A_871 = vector.broadcast %gt3A_870 : i32 to vector<16xi32>
      %gt3A_872 = arith.cmpi sgt, %iota3A, %gt3A_871 : vector<16xi32>
      %and3A_873 = arith.andi %eq3A_869, %gt3A_872 : vector<16xi1>
      %or3A_874 = arith.ori %gt3A_868, %and3A_873 : vector<16xi1>
      %gt3A_875 = arith.cmpf ogt, %gather3A_843, %select_n3A : vector<16xf32>
      %eq3A_876 = arith.cmpf oeq, %gather3A_843, %select_n3A : vector<16xf32>
      %or3A_877 = arith.ori %gt3A_875, %eq3A_876 : vector<16xi1>
      %convert_element_type3A_878 = arith.extui %or3A_874 : vector<16xi1> to vector<16xi32>
      %add3A_879 = arith.addi %add3A_815, %convert_element_type3A_878 : vector<16xi32>
      %convert_element_type3A_880 = arith.extui %or3A_877 : vector<16xi1> to vector<16xi32>
      %add3A_881 = arith.addi %add3A_817, %convert_element_type3A_880 : vector<16xi32>
      %gt3A_882 = arith.cmpf ogt, %gather3A_855, %select_n3A_572 : vector<16xf32>
      %eq3A_883 = arith.cmpf oeq, %gather3A_855, %select_n3A_572 : vector<16xf32>
      %lt3A_884 = arith.cmpi slt, %gather3A_867, %get3A_8 : vector<16xi32>
      %and3A_885 = arith.andi %eq3A_883, %lt3A_884 : vector<16xi1>
      %or3A_886 = arith.ori %gt3A_882, %and3A_885 : vector<16xi1>
      %gt3A_887 = arith.cmpf ogt, %gather3A_855, %select_n3A_573 : vector<16xf32>
      %eq3A_888 = arith.cmpf oeq, %gather3A_855, %select_n3A_573 : vector<16xf32>
      %lt3A_889 = arith.cmpi slt, %gather3A_867, %get3A_10 : vector<16xi32>
      %and3A_890 = arith.andi %eq3A_888, %lt3A_889 : vector<16xi1>
      %or3A_891 = arith.ori %gt3A_887, %and3A_890 : vector<16xi1>
      %convert_element_type3A_892 = arith.extui %or3A_886 : vector<16xi1> to vector<16xi32>
      %add3A_893 = arith.addi %add3A_829, %convert_element_type3A_892 : vector<16xi32>
      %convert_element_type3A_894 = arith.extui %or3A_891 : vector<16xi1> to vector<16xi32>
      %add3A_895 = arith.addi %add3A_831, %convert_element_type3A_894 : vector<16xi32>
      %broadcast_in_dim3A_896 = arith.constant 5 : i32
      %broadcast_in_dim3A_897 = vector.broadcast %broadcast_in_dim3A_896 : i32 to vector<16xi32>
      %lt3A_898 = arith.constant 0 : i32
      %lt3A_899 = vector.broadcast %lt3A_898 : i32 to vector<16xi32>
      %lt3A_900 = arith.cmpi slt, %broadcast_in_dim3A_897, %lt3A_899 : vector<16xi32>
      %add3A_901 = arith.constant 16 : i32
      %add3A_902 = vector.broadcast %add3A_901 : i32 to vector<16xi32>
      %add3A_903 = arith.addi %broadcast_in_dim3A_897, %add3A_902 : vector<16xi32>
      %select_n3A_904 = arith.select %lt3A_900, %add3A_903, %broadcast_in_dim3A_897 : vector<16xi1>, vector<16xi32>
      %broadcast_in_dim3A_905 = vector.shape_cast %select_n3A_904 : vector<16xi32> to vector<16x1xi32>
      %gather3A_906 = vector.shape_cast %broadcast_in_dim3A_905 : vector<16x1xi32> to vector<16xi32>
      %gather3A_907 = tpu.dynamic_gather %get3A_12[%gather3A_906] in [0] : vector<16xf32>, vector<16xi32> -> vector<16xf32>
      %broadcast_in_dim3A_908 = arith.constant 5 : i32
      %broadcast_in_dim3A_909 = vector.broadcast %broadcast_in_dim3A_908 : i32 to vector<16xi32>
      %lt3A_910 = arith.constant 0 : i32
      %lt3A_911 = vector.broadcast %lt3A_910 : i32 to vector<16xi32>
      %lt3A_912 = arith.cmpi slt, %broadcast_in_dim3A_909, %lt3A_911 : vector<16xi32>
      %add3A_913 = arith.constant 16 : i32
      %add3A_914 = vector.broadcast %add3A_913 : i32 to vector<16xi32>
      %add3A_915 = arith.addi %broadcast_in_dim3A_909, %add3A_914 : vector<16xi32>
      %select_n3A_916 = arith.select %lt3A_912, %add3A_915, %broadcast_in_dim3A_909 : vector<16xi1>, vector<16xi32>
      %broadcast_in_dim3A_917 = vector.shape_cast %select_n3A_916 : vector<16xi32> to vector<16x1xi32>
      %gather3A_918 = vector.shape_cast %broadcast_in_dim3A_917 : vector<16x1xi32> to vector<16xi32>
      %gather3A_919 = tpu.dynamic_gather %select_n3A_572[%gather3A_918] in [0] : vector<16xf32>, vector<16xi32> -> vector<16xf32>
      %broadcast_in_dim3A_920 = arith.constant 5 : i32
      %broadcast_in_dim3A_921 = vector.broadcast %broadcast_in_dim3A_920 : i32 to vector<16xi32>
      %lt3A_922 = arith.constant 0 : i32
      %lt3A_923 = vector.broadcast %lt3A_922 : i32 to vector<16xi32>
      %lt3A_924 = arith.cmpi slt, %broadcast_in_dim3A_921, %lt3A_923 : vector<16xi32>
      %add3A_925 = arith.constant 16 : i32
      %add3A_926 = vector.broadcast %add3A_925 : i32 to vector<16xi32>
      %add3A_927 = arith.addi %broadcast_in_dim3A_921, %add3A_926 : vector<16xi32>
      %select_n3A_928 = arith.select %lt3A_924, %add3A_927, %broadcast_in_dim3A_921 : vector<16xi1>, vector<16xi32>
      %broadcast_in_dim3A_929 = vector.shape_cast %select_n3A_928 : vector<16xi32> to vector<16x1xi32>
      %gather3A_930 = vector.shape_cast %broadcast_in_dim3A_929 : vector<16x1xi32> to vector<16xi32>
      %gather3A_931 = tpu.dynamic_gather %get3A_8[%gather3A_930] in [0] : vector<16xi32>, vector<16xi32> -> vector<16xi32>
      %gt3A_932 = arith.cmpf ogt, %gather3A_907, %get3A_12 : vector<16xf32>
      %eq3A_933 = arith.cmpf oeq, %gather3A_907, %get3A_12 : vector<16xf32>
      %gt3A_934 = arith.constant 5 : i32
      %gt3A_935 = vector.broadcast %gt3A_934 : i32 to vector<16xi32>
      %gt3A_936 = arith.cmpi sgt, %iota3A, %gt3A_935 : vector<16xi32>
      %and3A_937 = arith.andi %eq3A_933, %gt3A_936 : vector<16xi1>
      %or3A_938 = arith.ori %gt3A_932, %and3A_937 : vector<16xi1>
      %gt3A_939 = arith.cmpf ogt, %gather3A_907, %select_n3A : vector<16xf32>
      %eq3A_940 = arith.cmpf oeq, %gather3A_907, %select_n3A : vector<16xf32>
      %or3A_941 = arith.ori %gt3A_939, %eq3A_940 : vector<16xi1>
      %convert_element_type3A_942 = arith.extui %or3A_938 : vector<16xi1> to vector<16xi32>
      %add3A_943 = arith.addi %add3A_879, %convert_element_type3A_942 : vector<16xi32>
      %convert_element_type3A_944 = arith.extui %or3A_941 : vector<16xi1> to vector<16xi32>
      %add3A_945 = arith.addi %add3A_881, %convert_element_type3A_944 : vector<16xi32>
      %gt3A_946 = arith.cmpf ogt, %gather3A_919, %select_n3A_572 : vector<16xf32>
      %eq3A_947 = arith.cmpf oeq, %gather3A_919, %select_n3A_572 : vector<16xf32>
      %lt3A_948 = arith.cmpi slt, %gather3A_931, %get3A_8 : vector<16xi32>
      %and3A_949 = arith.andi %eq3A_947, %lt3A_948 : vector<16xi1>
      %or3A_950 = arith.ori %gt3A_946, %and3A_949 : vector<16xi1>
      %gt3A_951 = arith.cmpf ogt, %gather3A_919, %select_n3A_573 : vector<16xf32>
      %eq3A_952 = arith.cmpf oeq, %gather3A_919, %select_n3A_573 : vector<16xf32>
      %lt3A_953 = arith.cmpi slt, %gather3A_931, %get3A_10 : vector<16xi32>
      %and3A_954 = arith.andi %eq3A_952, %lt3A_953 : vector<16xi1>
      %or3A_955 = arith.ori %gt3A_951, %and3A_954 : vector<16xi1>
      %convert_element_type3A_956 = arith.extui %or3A_950 : vector<16xi1> to vector<16xi32>
      %add3A_957 = arith.addi %add3A_893, %convert_element_type3A_956 : vector<16xi32>
      %convert_element_type3A_958 = arith.extui %or3A_955 : vector<16xi1> to vector<16xi32>
      %add3A_959 = arith.addi %add3A_895, %convert_element_type3A_958 : vector<16xi32>
      %broadcast_in_dim3A_960 = arith.constant 6 : i32
      %broadcast_in_dim3A_961 = vector.broadcast %broadcast_in_dim3A_960 : i32 to vector<16xi32>
      %lt3A_962 = arith.constant 0 : i32
      %lt3A_963 = vector.broadcast %lt3A_962 : i32 to vector<16xi32>
      %lt3A_964 = arith.cmpi slt, %broadcast_in_dim3A_961, %lt3A_963 : vector<16xi32>
      %add3A_965 = arith.constant 16 : i32
      %add3A_966 = vector.broadcast %add3A_965 : i32 to vector<16xi32>
      %add3A_967 = arith.addi %broadcast_in_dim3A_961, %add3A_966 : vector<16xi32>
      %select_n3A_968 = arith.select %lt3A_964, %add3A_967, %broadcast_in_dim3A_961 : vector<16xi1>, vector<16xi32>
      %broadcast_in_dim3A_969 = vector.shape_cast %select_n3A_968 : vector<16xi32> to vector<16x1xi32>
      %gather3A_970 = vector.shape_cast %broadcast_in_dim3A_969 : vector<16x1xi32> to vector<16xi32>
      %gather3A_971 = tpu.dynamic_gather %get3A_12[%gather3A_970] in [0] : vector<16xf32>, vector<16xi32> -> vector<16xf32>
      %broadcast_in_dim3A_972 = arith.constant 6 : i32
      %broadcast_in_dim3A_973 = vector.broadcast %broadcast_in_dim3A_972 : i32 to vector<16xi32>
      %lt3A_974 = arith.constant 0 : i32
      %lt3A_975 = vector.broadcast %lt3A_974 : i32 to vector<16xi32>
      %lt3A_976 = arith.cmpi slt, %broadcast_in_dim3A_973, %lt3A_975 : vector<16xi32>
      %add3A_977 = arith.constant 16 : i32
      %add3A_978 = vector.broadcast %add3A_977 : i32 to vector<16xi32>
      %add3A_979 = arith.addi %broadcast_in_dim3A_973, %add3A_978 : vector<16xi32>
      %select_n3A_980 = arith.select %lt3A_976, %add3A_979, %broadcast_in_dim3A_973 : vector<16xi1>, vector<16xi32>
      %broadcast_in_dim3A_981 = vector.shape_cast %select_n3A_980 : vector<16xi32> to vector<16x1xi32>
      %gather3A_982 = vector.shape_cast %broadcast_in_dim3A_981 : vector<16x1xi32> to vector<16xi32>
      %gather3A_983 = tpu.dynamic_gather %select_n3A_572[%gather3A_982] in [0] : vector<16xf32>, vector<16xi32> -> vector<16xf32>
      %broadcast_in_dim3A_984 = arith.constant 6 : i32
      %broadcast_in_dim3A_985 = vector.broadcast %broadcast_in_dim3A_984 : i32 to vector<16xi32>
      %lt3A_986 = arith.constant 0 : i32
      %lt3A_987 = vector.broadcast %lt3A_986 : i32 to vector<16xi32>
      %lt3A_988 = arith.cmpi slt, %broadcast_in_dim3A_985, %lt3A_987 : vector<16xi32>
      %add3A_989 = arith.constant 16 : i32
      %add3A_990 = vector.broadcast %add3A_989 : i32 to vector<16xi32>
      %add3A_991 = arith.addi %broadcast_in_dim3A_985, %add3A_990 : vector<16xi32>
      %select_n3A_992 = arith.select %lt3A_988, %add3A_991, %broadcast_in_dim3A_985 : vector<16xi1>, vector<16xi32>
      %broadcast_in_dim3A_993 = vector.shape_cast %select_n3A_992 : vector<16xi32> to vector<16x1xi32>
      %gather3A_994 = vector.shape_cast %broadcast_in_dim3A_993 : vector<16x1xi32> to vector<16xi32>
      %gather3A_995 = tpu.dynamic_gather %get3A_8[%gather3A_994] in [0] : vector<16xi32>, vector<16xi32> -> vector<16xi32>
      %gt3A_996 = arith.cmpf ogt, %gather3A_971, %get3A_12 : vector<16xf32>
      %eq3A_997 = arith.cmpf oeq, %gather3A_971, %get3A_12 : vector<16xf32>
      %gt3A_998 = arith.constant 6 : i32
      %gt3A_999 = vector.broadcast %gt3A_998 : i32 to vector<16xi32>
      %gt3A_1000 = arith.cmpi sgt, %iota3A, %gt3A_999 : vector<16xi32>
      %and3A_1001 = arith.andi %eq3A_997, %gt3A_1000 : vector<16xi1>
      %or3A_1002 = arith.ori %gt3A_996, %and3A_1001 : vector<16xi1>
      %gt3A_1003 = arith.cmpf ogt, %gather3A_971, %select_n3A : vector<16xf32>
      %eq3A_1004 = arith.cmpf oeq, %gather3A_971, %select_n3A : vector<16xf32>
      %or3A_1005 = arith.ori %gt3A_1003, %eq3A_1004 : vector<16xi1>
      %convert_element_type3A_1006 = arith.extui %or3A_1002 : vector<16xi1> to vector<16xi32>
      %add3A_1007 = arith.addi %add3A_943, %convert_element_type3A_1006 : vector<16xi32>
      %convert_element_type3A_1008 = arith.extui %or3A_1005 : vector<16xi1> to vector<16xi32>
      %add3A_1009 = arith.addi %add3A_945, %convert_element_type3A_1008 : vector<16xi32>
      %gt3A_1010 = arith.cmpf ogt, %gather3A_983, %select_n3A_572 : vector<16xf32>
      %eq3A_1011 = arith.cmpf oeq, %gather3A_983, %select_n3A_572 : vector<16xf32>
      %lt3A_1012 = arith.cmpi slt, %gather3A_995, %get3A_8 : vector<16xi32>
      %and3A_1013 = arith.andi %eq3A_1011, %lt3A_1012 : vector<16xi1>
      %or3A_1014 = arith.ori %gt3A_1010, %and3A_1013 : vector<16xi1>
      %gt3A_1015 = arith.cmpf ogt, %gather3A_983, %select_n3A_573 : vector<16xf32>
      %eq3A_1016 = arith.cmpf oeq, %gather3A_983, %select_n3A_573 : vector<16xf32>
      %lt3A_1017 = arith.cmpi slt, %gather3A_995, %get3A_10 : vector<16xi32>
      %and3A_1018 = arith.andi %eq3A_1016, %lt3A_1017 : vector<16xi1>
      %or3A_1019 = arith.ori %gt3A_1015, %and3A_1018 : vector<16xi1>
      %convert_element_type3A_1020 = arith.extui %or3A_1014 : vector<16xi1> to vector<16xi32>
      %add3A_1021 = arith.addi %add3A_957, %convert_element_type3A_1020 : vector<16xi32>
      %convert_element_type3A_1022 = arith.extui %or3A_1019 : vector<16xi1> to vector<16xi32>
      %add3A_1023 = arith.addi %add3A_959, %convert_element_type3A_1022 : vector<16xi32>
      %broadcast_in_dim3A_1024 = arith.constant 7 : i32
      %broadcast_in_dim3A_1025 = vector.broadcast %broadcast_in_dim3A_1024 : i32 to vector<16xi32>
      %lt3A_1026 = arith.constant 0 : i32
      %lt3A_1027 = vector.broadcast %lt3A_1026 : i32 to vector<16xi32>
      %lt3A_1028 = arith.cmpi slt, %broadcast_in_dim3A_1025, %lt3A_1027 : vector<16xi32>
      %add3A_1029 = arith.constant 16 : i32
      %add3A_1030 = vector.broadcast %add3A_1029 : i32 to vector<16xi32>
      %add3A_1031 = arith.addi %broadcast_in_dim3A_1025, %add3A_1030 : vector<16xi32>
      %select_n3A_1032 = arith.select %lt3A_1028, %add3A_1031, %broadcast_in_dim3A_1025 : vector<16xi1>, vector<16xi32>
      %broadcast_in_dim3A_1033 = vector.shape_cast %select_n3A_1032 : vector<16xi32> to vector<16x1xi32>
      %gather3A_1034 = vector.shape_cast %broadcast_in_dim3A_1033 : vector<16x1xi32> to vector<16xi32>
      %gather3A_1035 = tpu.dynamic_gather %get3A_12[%gather3A_1034] in [0] : vector<16xf32>, vector<16xi32> -> vector<16xf32>
      %broadcast_in_dim3A_1036 = arith.constant 7 : i32
      %broadcast_in_dim3A_1037 = vector.broadcast %broadcast_in_dim3A_1036 : i32 to vector<16xi32>
      %lt3A_1038 = arith.constant 0 : i32
      %lt3A_1039 = vector.broadcast %lt3A_1038 : i32 to vector<16xi32>
      %lt3A_1040 = arith.cmpi slt, %broadcast_in_dim3A_1037, %lt3A_1039 : vector<16xi32>
      %add3A_1041 = arith.constant 16 : i32
      %add3A_1042 = vector.broadcast %add3A_1041 : i32 to vector<16xi32>
      %add3A_1043 = arith.addi %broadcast_in_dim3A_1037, %add3A_1042 : vector<16xi32>
      %select_n3A_1044 = arith.select %lt3A_1040, %add3A_1043, %broadcast_in_dim3A_1037 : vector<16xi1>, vector<16xi32>
      %broadcast_in_dim3A_1045 = vector.shape_cast %select_n3A_1044 : vector<16xi32> to vector<16x1xi32>
      %gather3A_1046 = vector.shape_cast %broadcast_in_dim3A_1045 : vector<16x1xi32> to vector<16xi32>
      %gather3A_1047 = tpu.dynamic_gather %select_n3A_572[%gather3A_1046] in [0] : vector<16xf32>, vector<16xi32> -> vector<16xf32>
      %broadcast_in_dim3A_1048 = arith.constant 7 : i32
      %broadcast_in_dim3A_1049 = vector.broadcast %broadcast_in_dim3A_1048 : i32 to vector<16xi32>
      %lt3A_1050 = arith.constant 0 : i32
      %lt3A_1051 = vector.broadcast %lt3A_1050 : i32 to vector<16xi32>
      %lt3A_1052 = arith.cmpi slt, %broadcast_in_dim3A_1049, %lt3A_1051 : vector<16xi32>
      %add3A_1053 = arith.constant 16 : i32
      %add3A_1054 = vector.broadcast %add3A_1053 : i32 to vector<16xi32>
      %add3A_1055 = arith.addi %broadcast_in_dim3A_1049, %add3A_1054 : vector<16xi32>
      %select_n3A_1056 = arith.select %lt3A_1052, %add3A_1055, %broadcast_in_dim3A_1049 : vector<16xi1>, vector<16xi32>
      %broadcast_in_dim3A_1057 = vector.shape_cast %select_n3A_1056 : vector<16xi32> to vector<16x1xi32>
      %gather3A_1058 = vector.shape_cast %broadcast_in_dim3A_1057 : vector<16x1xi32> to vector<16xi32>
      %gather3A_1059 = tpu.dynamic_gather %get3A_8[%gather3A_1058] in [0] : vector<16xi32>, vector<16xi32> -> vector<16xi32>
      %gt3A_1060 = arith.cmpf ogt, %gather3A_1035, %get3A_12 : vector<16xf32>
      %eq3A_1061 = arith.cmpf oeq, %gather3A_1035, %get3A_12 : vector<16xf32>
      %gt3A_1062 = arith.constant 7 : i32
      %gt3A_1063 = vector.broadcast %gt3A_1062 : i32 to vector<16xi32>
      %gt3A_1064 = arith.cmpi sgt, %iota3A, %gt3A_1063 : vector<16xi32>
      %and3A_1065 = arith.andi %eq3A_1061, %gt3A_1064 : vector<16xi1>
      %or3A_1066 = arith.ori %gt3A_1060, %and3A_1065 : vector<16xi1>
      %gt3A_1067 = arith.cmpf ogt, %gather3A_1035, %select_n3A : vector<16xf32>
      %eq3A_1068 = arith.cmpf oeq, %gather3A_1035, %select_n3A : vector<16xf32>
      %or3A_1069 = arith.ori %gt3A_1067, %eq3A_1068 : vector<16xi1>
      %convert_element_type3A_1070 = arith.extui %or3A_1066 : vector<16xi1> to vector<16xi32>
      %add3A_1071 = arith.addi %add3A_1007, %convert_element_type3A_1070 : vector<16xi32>
      %convert_element_type3A_1072 = arith.extui %or3A_1069 : vector<16xi1> to vector<16xi32>
      %add3A_1073 = arith.addi %add3A_1009, %convert_element_type3A_1072 : vector<16xi32>
      %gt3A_1074 = arith.cmpf ogt, %gather3A_1047, %select_n3A_572 : vector<16xf32>
      %eq3A_1075 = arith.cmpf oeq, %gather3A_1047, %select_n3A_572 : vector<16xf32>
      %lt3A_1076 = arith.cmpi slt, %gather3A_1059, %get3A_8 : vector<16xi32>
      %and3A_1077 = arith.andi %eq3A_1075, %lt3A_1076 : vector<16xi1>
      %or3A_1078 = arith.ori %gt3A_1074, %and3A_1077 : vector<16xi1>
      %gt3A_1079 = arith.cmpf ogt, %gather3A_1047, %select_n3A_573 : vector<16xf32>
      %eq3A_1080 = arith.cmpf oeq, %gather3A_1047, %select_n3A_573 : vector<16xf32>
      %lt3A_1081 = arith.cmpi slt, %gather3A_1059, %get3A_10 : vector<16xi32>
      %and3A_1082 = arith.andi %eq3A_1080, %lt3A_1081 : vector<16xi1>
      %or3A_1083 = arith.ori %gt3A_1079, %and3A_1082 : vector<16xi1>
      %convert_element_type3A_1084 = arith.extui %or3A_1078 : vector<16xi1> to vector<16xi32>
      %add3A_1085 = arith.addi %add3A_1021, %convert_element_type3A_1084 : vector<16xi32>
      %convert_element_type3A_1086 = arith.extui %or3A_1083 : vector<16xi1> to vector<16xi32>
      %add3A_1087 = arith.addi %add3A_1023, %convert_element_type3A_1086 : vector<16xi32>
      %broadcast_in_dim3A_1088 = arith.constant 8 : i32
      %broadcast_in_dim3A_1089 = vector.broadcast %broadcast_in_dim3A_1088 : i32 to vector<16xi32>
      %lt3A_1090 = arith.constant 0 : i32
      %lt3A_1091 = vector.broadcast %lt3A_1090 : i32 to vector<16xi32>
      %lt3A_1092 = arith.cmpi slt, %broadcast_in_dim3A_1089, %lt3A_1091 : vector<16xi32>
      %add3A_1093 = arith.constant 16 : i32
      %add3A_1094 = vector.broadcast %add3A_1093 : i32 to vector<16xi32>
      %add3A_1095 = arith.addi %broadcast_in_dim3A_1089, %add3A_1094 : vector<16xi32>
      %select_n3A_1096 = arith.select %lt3A_1092, %add3A_1095, %broadcast_in_dim3A_1089 : vector<16xi1>, vector<16xi32>
      %broadcast_in_dim3A_1097 = vector.shape_cast %select_n3A_1096 : vector<16xi32> to vector<16x1xi32>
      %gather3A_1098 = vector.shape_cast %broadcast_in_dim3A_1097 : vector<16x1xi32> to vector<16xi32>
      %gather3A_1099 = tpu.dynamic_gather %get3A_12[%gather3A_1098] in [0] : vector<16xf32>, vector<16xi32> -> vector<16xf32>
      %broadcast_in_dim3A_1100 = arith.constant 8 : i32
      %broadcast_in_dim3A_1101 = vector.broadcast %broadcast_in_dim3A_1100 : i32 to vector<16xi32>
      %lt3A_1102 = arith.constant 0 : i32
      %lt3A_1103 = vector.broadcast %lt3A_1102 : i32 to vector<16xi32>
      %lt3A_1104 = arith.cmpi slt, %broadcast_in_dim3A_1101, %lt3A_1103 : vector<16xi32>
      %add3A_1105 = arith.constant 16 : i32
      %add3A_1106 = vector.broadcast %add3A_1105 : i32 to vector<16xi32>
      %add3A_1107 = arith.addi %broadcast_in_dim3A_1101, %add3A_1106 : vector<16xi32>
      %select_n3A_1108 = arith.select %lt3A_1104, %add3A_1107, %broadcast_in_dim3A_1101 : vector<16xi1>, vector<16xi32>
      %broadcast_in_dim3A_1109 = vector.shape_cast %select_n3A_1108 : vector<16xi32> to vector<16x1xi32>
      %gather3A_1110 = vector.shape_cast %broadcast_in_dim3A_1109 : vector<16x1xi32> to vector<16xi32>
      %gather3A_1111 = tpu.dynamic_gather %select_n3A_572[%gather3A_1110] in [0] : vector<16xf32>, vector<16xi32> -> vector<16xf32>
      %broadcast_in_dim3A_1112 = arith.constant 8 : i32
      %broadcast_in_dim3A_1113 = vector.broadcast %broadcast_in_dim3A_1112 : i32 to vector<16xi32>
      %lt3A_1114 = arith.constant 0 : i32
      %lt3A_1115 = vector.broadcast %lt3A_1114 : i32 to vector<16xi32>
      %lt3A_1116 = arith.cmpi slt, %broadcast_in_dim3A_1113, %lt3A_1115 : vector<16xi32>
      %add3A_1117 = arith.constant 16 : i32
      %add3A_1118 = vector.broadcast %add3A_1117 : i32 to vector<16xi32>
      %add3A_1119 = arith.addi %broadcast_in_dim3A_1113, %add3A_1118 : vector<16xi32>
      %select_n3A_1120 = arith.select %lt3A_1116, %add3A_1119, %broadcast_in_dim3A_1113 : vector<16xi1>, vector<16xi32>
      %broadcast_in_dim3A_1121 = vector.shape_cast %select_n3A_1120 : vector<16xi32> to vector<16x1xi32>
      %gather3A_1122 = vector.shape_cast %broadcast_in_dim3A_1121 : vector<16x1xi32> to vector<16xi32>
      %gather3A_1123 = tpu.dynamic_gather %get3A_8[%gather3A_1122] in [0] : vector<16xi32>, vector<16xi32> -> vector<16xi32>
      %gt3A_1124 = arith.cmpf ogt, %gather3A_1099, %get3A_12 : vector<16xf32>
      %eq3A_1125 = arith.cmpf oeq, %gather3A_1099, %get3A_12 : vector<16xf32>
      %gt3A_1126 = arith.constant 8 : i32
      %gt3A_1127 = vector.broadcast %gt3A_1126 : i32 to vector<16xi32>
      %gt3A_1128 = arith.cmpi sgt, %iota3A, %gt3A_1127 : vector<16xi32>
      %and3A_1129 = arith.andi %eq3A_1125, %gt3A_1128 : vector<16xi1>
      %or3A_1130 = arith.ori %gt3A_1124, %and3A_1129 : vector<16xi1>
      %gt3A_1131 = arith.cmpf ogt, %gather3A_1099, %select_n3A : vector<16xf32>
      %eq3A_1132 = arith.cmpf oeq, %gather3A_1099, %select_n3A : vector<16xf32>
      %or3A_1133 = arith.ori %gt3A_1131, %eq3A_1132 : vector<16xi1>
      %convert_element_type3A_1134 = arith.extui %or3A_1130 : vector<16xi1> to vector<16xi32>
      %add3A_1135 = arith.addi %add3A_1071, %convert_element_type3A_1134 : vector<16xi32>
      %convert_element_type3A_1136 = arith.extui %or3A_1133 : vector<16xi1> to vector<16xi32>
      %add3A_1137 = arith.addi %add3A_1073, %convert_element_type3A_1136 : vector<16xi32>
      %gt3A_1138 = arith.cmpf ogt, %gather3A_1111, %select_n3A_572 : vector<16xf32>
      %eq3A_1139 = arith.cmpf oeq, %gather3A_1111, %select_n3A_572 : vector<16xf32>
      %lt3A_1140 = arith.cmpi slt, %gather3A_1123, %get3A_8 : vector<16xi32>
      %and3A_1141 = arith.andi %eq3A_1139, %lt3A_1140 : vector<16xi1>
      %or3A_1142 = arith.ori %gt3A_1138, %and3A_1141 : vector<16xi1>
      %gt3A_1143 = arith.cmpf ogt, %gather3A_1111, %select_n3A_573 : vector<16xf32>
      %eq3A_1144 = arith.cmpf oeq, %gather3A_1111, %select_n3A_573 : vector<16xf32>
      %lt3A_1145 = arith.cmpi slt, %gather3A_1123, %get3A_10 : vector<16xi32>
      %and3A_1146 = arith.andi %eq3A_1144, %lt3A_1145 : vector<16xi1>
      %or3A_1147 = arith.ori %gt3A_1143, %and3A_1146 : vector<16xi1>
      %convert_element_type3A_1148 = arith.extui %or3A_1142 : vector<16xi1> to vector<16xi32>
      %add3A_1149 = arith.addi %add3A_1085, %convert_element_type3A_1148 : vector<16xi32>
      %convert_element_type3A_1150 = arith.extui %or3A_1147 : vector<16xi1> to vector<16xi32>
      %add3A_1151 = arith.addi %add3A_1087, %convert_element_type3A_1150 : vector<16xi32>
      %broadcast_in_dim3A_1152 = arith.constant 9 : i32
      %broadcast_in_dim3A_1153 = vector.broadcast %broadcast_in_dim3A_1152 : i32 to vector<16xi32>
      %lt3A_1154 = arith.constant 0 : i32
      %lt3A_1155 = vector.broadcast %lt3A_1154 : i32 to vector<16xi32>
      %lt3A_1156 = arith.cmpi slt, %broadcast_in_dim3A_1153, %lt3A_1155 : vector<16xi32>
      %add3A_1157 = arith.constant 16 : i32
      %add3A_1158 = vector.broadcast %add3A_1157 : i32 to vector<16xi32>
      %add3A_1159 = arith.addi %broadcast_in_dim3A_1153, %add3A_1158 : vector<16xi32>
      %select_n3A_1160 = arith.select %lt3A_1156, %add3A_1159, %broadcast_in_dim3A_1153 : vector<16xi1>, vector<16xi32>
      %broadcast_in_dim3A_1161 = vector.shape_cast %select_n3A_1160 : vector<16xi32> to vector<16x1xi32>
      %gather3A_1162 = vector.shape_cast %broadcast_in_dim3A_1161 : vector<16x1xi32> to vector<16xi32>
      %gather3A_1163 = tpu.dynamic_gather %get3A_12[%gather3A_1162] in [0] : vector<16xf32>, vector<16xi32> -> vector<16xf32>
      %broadcast_in_dim3A_1164 = arith.constant 9 : i32
      %broadcast_in_dim3A_1165 = vector.broadcast %broadcast_in_dim3A_1164 : i32 to vector<16xi32>
      %lt3A_1166 = arith.constant 0 : i32
      %lt3A_1167 = vector.broadcast %lt3A_1166 : i32 to vector<16xi32>
      %lt3A_1168 = arith.cmpi slt, %broadcast_in_dim3A_1165, %lt3A_1167 : vector<16xi32>
      %add3A_1169 = arith.constant 16 : i32
      %add3A_1170 = vector.broadcast %add3A_1169 : i32 to vector<16xi32>
      %add3A_1171 = arith.addi %broadcast_in_dim3A_1165, %add3A_1170 : vector<16xi32>
      %select_n3A_1172 = arith.select %lt3A_1168, %add3A_1171, %broadcast_in_dim3A_1165 : vector<16xi1>, vector<16xi32>
      %broadcast_in_dim3A_1173 = vector.shape_cast %select_n3A_1172 : vector<16xi32> to vector<16x1xi32>
      %gather3A_1174 = vector.shape_cast %broadcast_in_dim3A_1173 : vector<16x1xi32> to vector<16xi32>
      %gather3A_1175 = tpu.dynamic_gather %select_n3A_572[%gather3A_1174] in [0] : vector<16xf32>, vector<16xi32> -> vector<16xf32>
      %broadcast_in_dim3A_1176 = arith.constant 9 : i32
      %broadcast_in_dim3A_1177 = vector.broadcast %broadcast_in_dim3A_1176 : i32 to vector<16xi32>
      %lt3A_1178 = arith.constant 0 : i32
      %lt3A_1179 = vector.broadcast %lt3A_1178 : i32 to vector<16xi32>
      %lt3A_1180 = arith.cmpi slt, %broadcast_in_dim3A_1177, %lt3A_1179 : vector<16xi32>
      %add3A_1181 = arith.constant 16 : i32
      %add3A_1182 = vector.broadcast %add3A_1181 : i32 to vector<16xi32>
      %add3A_1183 = arith.addi %broadcast_in_dim3A_1177, %add3A_1182 : vector<16xi32>
      %select_n3A_1184 = arith.select %lt3A_1180, %add3A_1183, %broadcast_in_dim3A_1177 : vector<16xi1>, vector<16xi32>
      %broadcast_in_dim3A_1185 = vector.shape_cast %select_n3A_1184 : vector<16xi32> to vector<16x1xi32>
      %gather3A_1186 = vector.shape_cast %broadcast_in_dim3A_1185 : vector<16x1xi32> to vector<16xi32>
      %gather3A_1187 = tpu.dynamic_gather %get3A_8[%gather3A_1186] in [0] : vector<16xi32>, vector<16xi32> -> vector<16xi32>
      %gt3A_1188 = arith.cmpf ogt, %gather3A_1163, %get3A_12 : vector<16xf32>
      %eq3A_1189 = arith.cmpf oeq, %gather3A_1163, %get3A_12 : vector<16xf32>
      %gt3A_1190 = arith.constant 9 : i32
      %gt3A_1191 = vector.broadcast %gt3A_1190 : i32 to vector<16xi32>
      %gt3A_1192 = arith.cmpi sgt, %iota3A, %gt3A_1191 : vector<16xi32>
      %and3A_1193 = arith.andi %eq3A_1189, %gt3A_1192 : vector<16xi1>
      %or3A_1194 = arith.ori %gt3A_1188, %and3A_1193 : vector<16xi1>
      %gt3A_1195 = arith.cmpf ogt, %gather3A_1163, %select_n3A : vector<16xf32>
      %eq3A_1196 = arith.cmpf oeq, %gather3A_1163, %select_n3A : vector<16xf32>
      %or3A_1197 = arith.ori %gt3A_1195, %eq3A_1196 : vector<16xi1>
      %convert_element_type3A_1198 = arith.extui %or3A_1194 : vector<16xi1> to vector<16xi32>
      %add3A_1199 = arith.addi %add3A_1135, %convert_element_type3A_1198 : vector<16xi32>
      %convert_element_type3A_1200 = arith.extui %or3A_1197 : vector<16xi1> to vector<16xi32>
      %add3A_1201 = arith.addi %add3A_1137, %convert_element_type3A_1200 : vector<16xi32>
      %gt3A_1202 = arith.cmpf ogt, %gather3A_1175, %select_n3A_572 : vector<16xf32>
      %eq3A_1203 = arith.cmpf oeq, %gather3A_1175, %select_n3A_572 : vector<16xf32>
      %lt3A_1204 = arith.cmpi slt, %gather3A_1187, %get3A_8 : vector<16xi32>
      %and3A_1205 = arith.andi %eq3A_1203, %lt3A_1204 : vector<16xi1>
      %or3A_1206 = arith.ori %gt3A_1202, %and3A_1205 : vector<16xi1>
      %gt3A_1207 = arith.cmpf ogt, %gather3A_1175, %select_n3A_573 : vector<16xf32>
      %eq3A_1208 = arith.cmpf oeq, %gather3A_1175, %select_n3A_573 : vector<16xf32>
      %lt3A_1209 = arith.cmpi slt, %gather3A_1187, %get3A_10 : vector<16xi32>
      %and3A_1210 = arith.andi %eq3A_1208, %lt3A_1209 : vector<16xi1>
      %or3A_1211 = arith.ori %gt3A_1207, %and3A_1210 : vector<16xi1>
      %convert_element_type3A_1212 = arith.extui %or3A_1206 : vector<16xi1> to vector<16xi32>
      %add3A_1213 = arith.addi %add3A_1149, %convert_element_type3A_1212 : vector<16xi32>
      %convert_element_type3A_1214 = arith.extui %or3A_1211 : vector<16xi1> to vector<16xi32>
      %add3A_1215 = arith.addi %add3A_1151, %convert_element_type3A_1214 : vector<16xi32>
      %broadcast_in_dim3A_1216 = arith.constant 10 : i32
      %broadcast_in_dim3A_1217 = vector.broadcast %broadcast_in_dim3A_1216 : i32 to vector<16xi32>
      %lt3A_1218 = arith.constant 0 : i32
      %lt3A_1219 = vector.broadcast %lt3A_1218 : i32 to vector<16xi32>
      %lt3A_1220 = arith.cmpi slt, %broadcast_in_dim3A_1217, %lt3A_1219 : vector<16xi32>
      %add3A_1221 = arith.constant 16 : i32
      %add3A_1222 = vector.broadcast %add3A_1221 : i32 to vector<16xi32>
      %add3A_1223 = arith.addi %broadcast_in_dim3A_1217, %add3A_1222 : vector<16xi32>
      %select_n3A_1224 = arith.select %lt3A_1220, %add3A_1223, %broadcast_in_dim3A_1217 : vector<16xi1>, vector<16xi32>
      %broadcast_in_dim3A_1225 = vector.shape_cast %select_n3A_1224 : vector<16xi32> to vector<16x1xi32>
      %gather3A_1226 = vector.shape_cast %broadcast_in_dim3A_1225 : vector<16x1xi32> to vector<16xi32>
      %gather3A_1227 = tpu.dynamic_gather %get3A_12[%gather3A_1226] in [0] : vector<16xf32>, vector<16xi32> -> vector<16xf32>
      %broadcast_in_dim3A_1228 = arith.constant 10 : i32
      %broadcast_in_dim3A_1229 = vector.broadcast %broadcast_in_dim3A_1228 : i32 to vector<16xi32>
      %lt3A_1230 = arith.constant 0 : i32
      %lt3A_1231 = vector.broadcast %lt3A_1230 : i32 to vector<16xi32>
      %lt3A_1232 = arith.cmpi slt, %broadcast_in_dim3A_1229, %lt3A_1231 : vector<16xi32>
      %add3A_1233 = arith.constant 16 : i32
      %add3A_1234 = vector.broadcast %add3A_1233 : i32 to vector<16xi32>
      %add3A_1235 = arith.addi %broadcast_in_dim3A_1229, %add3A_1234 : vector<16xi32>
      %select_n3A_1236 = arith.select %lt3A_1232, %add3A_1235, %broadcast_in_dim3A_1229 : vector<16xi1>, vector<16xi32>
      %broadcast_in_dim3A_1237 = vector.shape_cast %select_n3A_1236 : vector<16xi32> to vector<16x1xi32>
      %gather3A_1238 = vector.shape_cast %broadcast_in_dim3A_1237 : vector<16x1xi32> to vector<16xi32>
      %gather3A_1239 = tpu.dynamic_gather %select_n3A_572[%gather3A_1238] in [0] : vector<16xf32>, vector<16xi32> -> vector<16xf32>
      %broadcast_in_dim3A_1240 = arith.constant 10 : i32
      %broadcast_in_dim3A_1241 = vector.broadcast %broadcast_in_dim3A_1240 : i32 to vector<16xi32>
      %lt3A_1242 = arith.constant 0 : i32
      %lt3A_1243 = vector.broadcast %lt3A_1242 : i32 to vector<16xi32>
      %lt3A_1244 = arith.cmpi slt, %broadcast_in_dim3A_1241, %lt3A_1243 : vector<16xi32>
      %add3A_1245 = arith.constant 16 : i32
      %add3A_1246 = vector.broadcast %add3A_1245 : i32 to vector<16xi32>
      %add3A_1247 = arith.addi %broadcast_in_dim3A_1241, %add3A_1246 : vector<16xi32>
      %select_n3A_1248 = arith.select %lt3A_1244, %add3A_1247, %broadcast_in_dim3A_1241 : vector<16xi1>, vector<16xi32>
      %broadcast_in_dim3A_1249 = vector.shape_cast %select_n3A_1248 : vector<16xi32> to vector<16x1xi32>
      %gather3A_1250 = vector.shape_cast %broadcast_in_dim3A_1249 : vector<16x1xi32> to vector<16xi32>
      %gather3A_1251 = tpu.dynamic_gather %get3A_8[%gather3A_1250] in [0] : vector<16xi32>, vector<16xi32> -> vector<16xi32>
      %gt3A_1252 = arith.cmpf ogt, %gather3A_1227, %get3A_12 : vector<16xf32>
      %eq3A_1253 = arith.cmpf oeq, %gather3A_1227, %get3A_12 : vector<16xf32>
      %gt3A_1254 = arith.constant 10 : i32
      %gt3A_1255 = vector.broadcast %gt3A_1254 : i32 to vector<16xi32>
      %gt3A_1256 = arith.cmpi sgt, %iota3A, %gt3A_1255 : vector<16xi32>
      %and3A_1257 = arith.andi %eq3A_1253, %gt3A_1256 : vector<16xi1>
      %or3A_1258 = arith.ori %gt3A_1252, %and3A_1257 : vector<16xi1>
      %gt3A_1259 = arith.cmpf ogt, %gather3A_1227, %select_n3A : vector<16xf32>
      %eq3A_1260 = arith.cmpf oeq, %gather3A_1227, %select_n3A : vector<16xf32>
      %or3A_1261 = arith.ori %gt3A_1259, %eq3A_1260 : vector<16xi1>
      %convert_element_type3A_1262 = arith.extui %or3A_1258 : vector<16xi1> to vector<16xi32>
      %add3A_1263 = arith.addi %add3A_1199, %convert_element_type3A_1262 : vector<16xi32>
      %convert_element_type3A_1264 = arith.extui %or3A_1261 : vector<16xi1> to vector<16xi32>
      %add3A_1265 = arith.addi %add3A_1201, %convert_element_type3A_1264 : vector<16xi32>
      %gt3A_1266 = arith.cmpf ogt, %gather3A_1239, %select_n3A_572 : vector<16xf32>
      %eq3A_1267 = arith.cmpf oeq, %gather3A_1239, %select_n3A_572 : vector<16xf32>
      %lt3A_1268 = arith.cmpi slt, %gather3A_1251, %get3A_8 : vector<16xi32>
      %and3A_1269 = arith.andi %eq3A_1267, %lt3A_1268 : vector<16xi1>
      %or3A_1270 = arith.ori %gt3A_1266, %and3A_1269 : vector<16xi1>
      %gt3A_1271 = arith.cmpf ogt, %gather3A_1239, %select_n3A_573 : vector<16xf32>
      %eq3A_1272 = arith.cmpf oeq, %gather3A_1239, %select_n3A_573 : vector<16xf32>
      %lt3A_1273 = arith.cmpi slt, %gather3A_1251, %get3A_10 : vector<16xi32>
      %and3A_1274 = arith.andi %eq3A_1272, %lt3A_1273 : vector<16xi1>
      %or3A_1275 = arith.ori %gt3A_1271, %and3A_1274 : vector<16xi1>
      %convert_element_type3A_1276 = arith.extui %or3A_1270 : vector<16xi1> to vector<16xi32>
      %add3A_1277 = arith.addi %add3A_1213, %convert_element_type3A_1276 : vector<16xi32>
      %convert_element_type3A_1278 = arith.extui %or3A_1275 : vector<16xi1> to vector<16xi32>
      %add3A_1279 = arith.addi %add3A_1215, %convert_element_type3A_1278 : vector<16xi32>
      %broadcast_in_dim3A_1280 = arith.constant 11 : i32
      %broadcast_in_dim3A_1281 = vector.broadcast %broadcast_in_dim3A_1280 : i32 to vector<16xi32>
      %lt3A_1282 = arith.constant 0 : i32
      %lt3A_1283 = vector.broadcast %lt3A_1282 : i32 to vector<16xi32>
      %lt3A_1284 = arith.cmpi slt, %broadcast_in_dim3A_1281, %lt3A_1283 : vector<16xi32>
      %add3A_1285 = arith.constant 16 : i32
      %add3A_1286 = vector.broadcast %add3A_1285 : i32 to vector<16xi32>
      %add3A_1287 = arith.addi %broadcast_in_dim3A_1281, %add3A_1286 : vector<16xi32>
      %select_n3A_1288 = arith.select %lt3A_1284, %add3A_1287, %broadcast_in_dim3A_1281 : vector<16xi1>, vector<16xi32>
      %broadcast_in_dim3A_1289 = vector.shape_cast %select_n3A_1288 : vector<16xi32> to vector<16x1xi32>
      %gather3A_1290 = vector.shape_cast %broadcast_in_dim3A_1289 : vector<16x1xi32> to vector<16xi32>
      %gather3A_1291 = tpu.dynamic_gather %get3A_12[%gather3A_1290] in [0] : vector<16xf32>, vector<16xi32> -> vector<16xf32>
      %broadcast_in_dim3A_1292 = arith.constant 11 : i32
      %broadcast_in_dim3A_1293 = vector.broadcast %broadcast_in_dim3A_1292 : i32 to vector<16xi32>
      %lt3A_1294 = arith.constant 0 : i32
      %lt3A_1295 = vector.broadcast %lt3A_1294 : i32 to vector<16xi32>
      %lt3A_1296 = arith.cmpi slt, %broadcast_in_dim3A_1293, %lt3A_1295 : vector<16xi32>
      %add3A_1297 = arith.constant 16 : i32
      %add3A_1298 = vector.broadcast %add3A_1297 : i32 to vector<16xi32>
      %add3A_1299 = arith.addi %broadcast_in_dim3A_1293, %add3A_1298 : vector<16xi32>
      %select_n3A_1300 = arith.select %lt3A_1296, %add3A_1299, %broadcast_in_dim3A_1293 : vector<16xi1>, vector<16xi32>
      %broadcast_in_dim3A_1301 = vector.shape_cast %select_n3A_1300 : vector<16xi32> to vector<16x1xi32>
      %gather3A_1302 = vector.shape_cast %broadcast_in_dim3A_1301 : vector<16x1xi32> to vector<16xi32>
      %gather3A_1303 = tpu.dynamic_gather %select_n3A_572[%gather3A_1302] in [0] : vector<16xf32>, vector<16xi32> -> vector<16xf32>
      %broadcast_in_dim3A_1304 = arith.constant 11 : i32
      %broadcast_in_dim3A_1305 = vector.broadcast %broadcast_in_dim3A_1304 : i32 to vector<16xi32>
      %lt3A_1306 = arith.constant 0 : i32
      %lt3A_1307 = vector.broadcast %lt3A_1306 : i32 to vector<16xi32>
      %lt3A_1308 = arith.cmpi slt, %broadcast_in_dim3A_1305, %lt3A_1307 : vector<16xi32>
      %add3A_1309 = arith.constant 16 : i32
      %add3A_1310 = vector.broadcast %add3A_1309 : i32 to vector<16xi32>
      %add3A_1311 = arith.addi %broadcast_in_dim3A_1305, %add3A_1310 : vector<16xi32>
      %select_n3A_1312 = arith.select %lt3A_1308, %add3A_1311, %broadcast_in_dim3A_1305 : vector<16xi1>, vector<16xi32>
      %broadcast_in_dim3A_1313 = vector.shape_cast %select_n3A_1312 : vector<16xi32> to vector<16x1xi32>
      %gather3A_1314 = vector.shape_cast %broadcast_in_dim3A_1313 : vector<16x1xi32> to vector<16xi32>
      %gather3A_1315 = tpu.dynamic_gather %get3A_8[%gather3A_1314] in [0] : vector<16xi32>, vector<16xi32> -> vector<16xi32>
      %gt3A_1316 = arith.cmpf ogt, %gather3A_1291, %get3A_12 : vector<16xf32>
      %eq3A_1317 = arith.cmpf oeq, %gather3A_1291, %get3A_12 : vector<16xf32>
      %gt3A_1318 = arith.constant 11 : i32
      %gt3A_1319 = vector.broadcast %gt3A_1318 : i32 to vector<16xi32>
      %gt3A_1320 = arith.cmpi sgt, %iota3A, %gt3A_1319 : vector<16xi32>
      %and3A_1321 = arith.andi %eq3A_1317, %gt3A_1320 : vector<16xi1>
      %or3A_1322 = arith.ori %gt3A_1316, %and3A_1321 : vector<16xi1>
      %gt3A_1323 = arith.cmpf ogt, %gather3A_1291, %select_n3A : vector<16xf32>
      %eq3A_1324 = arith.cmpf oeq, %gather3A_1291, %select_n3A : vector<16xf32>
      %or3A_1325 = arith.ori %gt3A_1323, %eq3A_1324 : vector<16xi1>
      %convert_element_type3A_1326 = arith.extui %or3A_1322 : vector<16xi1> to vector<16xi32>
      %add3A_1327 = arith.addi %add3A_1263, %convert_element_type3A_1326 : vector<16xi32>
      %convert_element_type3A_1328 = arith.extui %or3A_1325 : vector<16xi1> to vector<16xi32>
      %add3A_1329 = arith.addi %add3A_1265, %convert_element_type3A_1328 : vector<16xi32>
      %gt3A_1330 = arith.cmpf ogt, %gather3A_1303, %select_n3A_572 : vector<16xf32>
      %eq3A_1331 = arith.cmpf oeq, %gather3A_1303, %select_n3A_572 : vector<16xf32>
      %lt3A_1332 = arith.cmpi slt, %gather3A_1315, %get3A_8 : vector<16xi32>
      %and3A_1333 = arith.andi %eq3A_1331, %lt3A_1332 : vector<16xi1>
      %or3A_1334 = arith.ori %gt3A_1330, %and3A_1333 : vector<16xi1>
      %gt3A_1335 = arith.cmpf ogt, %gather3A_1303, %select_n3A_573 : vector<16xf32>
      %eq3A_1336 = arith.cmpf oeq, %gather3A_1303, %select_n3A_573 : vector<16xf32>
      %lt3A_1337 = arith.cmpi slt, %gather3A_1315, %get3A_10 : vector<16xi32>
      %and3A_1338 = arith.andi %eq3A_1336, %lt3A_1337 : vector<16xi1>
      %or3A_1339 = arith.ori %gt3A_1335, %and3A_1338 : vector<16xi1>
      %convert_element_type3A_1340 = arith.extui %or3A_1334 : vector<16xi1> to vector<16xi32>
      %add3A_1341 = arith.addi %add3A_1277, %convert_element_type3A_1340 : vector<16xi32>
      %convert_element_type3A_1342 = arith.extui %or3A_1339 : vector<16xi1> to vector<16xi32>
      %add3A_1343 = arith.addi %add3A_1279, %convert_element_type3A_1342 : vector<16xi32>
      %broadcast_in_dim3A_1344 = arith.constant 12 : i32
      %broadcast_in_dim3A_1345 = vector.broadcast %broadcast_in_dim3A_1344 : i32 to vector<16xi32>
      %lt3A_1346 = arith.constant 0 : i32
      %lt3A_1347 = vector.broadcast %lt3A_1346 : i32 to vector<16xi32>
      %lt3A_1348 = arith.cmpi slt, %broadcast_in_dim3A_1345, %lt3A_1347 : vector<16xi32>
      %add3A_1349 = arith.constant 16 : i32
      %add3A_1350 = vector.broadcast %add3A_1349 : i32 to vector<16xi32>
      %add3A_1351 = arith.addi %broadcast_in_dim3A_1345, %add3A_1350 : vector<16xi32>
      %select_n3A_1352 = arith.select %lt3A_1348, %add3A_1351, %broadcast_in_dim3A_1345 : vector<16xi1>, vector<16xi32>
      %broadcast_in_dim3A_1353 = vector.shape_cast %select_n3A_1352 : vector<16xi32> to vector<16x1xi32>
      %gather3A_1354 = vector.shape_cast %broadcast_in_dim3A_1353 : vector<16x1xi32> to vector<16xi32>
      %gather3A_1355 = tpu.dynamic_gather %get3A_12[%gather3A_1354] in [0] : vector<16xf32>, vector<16xi32> -> vector<16xf32>
      %broadcast_in_dim3A_1356 = arith.constant 12 : i32
      %broadcast_in_dim3A_1357 = vector.broadcast %broadcast_in_dim3A_1356 : i32 to vector<16xi32>
      %lt3A_1358 = arith.constant 0 : i32
      %lt3A_1359 = vector.broadcast %lt3A_1358 : i32 to vector<16xi32>
      %lt3A_1360 = arith.cmpi slt, %broadcast_in_dim3A_1357, %lt3A_1359 : vector<16xi32>
      %add3A_1361 = arith.constant 16 : i32
      %add3A_1362 = vector.broadcast %add3A_1361 : i32 to vector<16xi32>
      %add3A_1363 = arith.addi %broadcast_in_dim3A_1357, %add3A_1362 : vector<16xi32>
      %select_n3A_1364 = arith.select %lt3A_1360, %add3A_1363, %broadcast_in_dim3A_1357 : vector<16xi1>, vector<16xi32>
      %broadcast_in_dim3A_1365 = vector.shape_cast %select_n3A_1364 : vector<16xi32> to vector<16x1xi32>
      %gather3A_1366 = vector.shape_cast %broadcast_in_dim3A_1365 : vector<16x1xi32> to vector<16xi32>
      %gather3A_1367 = tpu.dynamic_gather %select_n3A_572[%gather3A_1366] in [0] : vector<16xf32>, vector<16xi32> -> vector<16xf32>
      %broadcast_in_dim3A_1368 = arith.constant 12 : i32
      %broadcast_in_dim3A_1369 = vector.broadcast %broadcast_in_dim3A_1368 : i32 to vector<16xi32>
      %lt3A_1370 = arith.constant 0 : i32
      %lt3A_1371 = vector.broadcast %lt3A_1370 : i32 to vector<16xi32>
      %lt3A_1372 = arith.cmpi slt, %broadcast_in_dim3A_1369, %lt3A_1371 : vector<16xi32>
      %add3A_1373 = arith.constant 16 : i32
      %add3A_1374 = vector.broadcast %add3A_1373 : i32 to vector<16xi32>
      %add3A_1375 = arith.addi %broadcast_in_dim3A_1369, %add3A_1374 : vector<16xi32>
      %select_n3A_1376 = arith.select %lt3A_1372, %add3A_1375, %broadcast_in_dim3A_1369 : vector<16xi1>, vector<16xi32>
      %broadcast_in_dim3A_1377 = vector.shape_cast %select_n3A_1376 : vector<16xi32> to vector<16x1xi32>
      %gather3A_1378 = vector.shape_cast %broadcast_in_dim3A_1377 : vector<16x1xi32> to vector<16xi32>
      %gather3A_1379 = tpu.dynamic_gather %get3A_8[%gather3A_1378] in [0] : vector<16xi32>, vector<16xi32> -> vector<16xi32>
      %gt3A_1380 = arith.cmpf ogt, %gather3A_1355, %get3A_12 : vector<16xf32>
      %eq3A_1381 = arith.cmpf oeq, %gather3A_1355, %get3A_12 : vector<16xf32>
      %gt3A_1382 = arith.constant 12 : i32
      %gt3A_1383 = vector.broadcast %gt3A_1382 : i32 to vector<16xi32>
      %gt3A_1384 = arith.cmpi sgt, %iota3A, %gt3A_1383 : vector<16xi32>
      %and3A_1385 = arith.andi %eq3A_1381, %gt3A_1384 : vector<16xi1>
      %or3A_1386 = arith.ori %gt3A_1380, %and3A_1385 : vector<16xi1>
      %gt3A_1387 = arith.cmpf ogt, %gather3A_1355, %select_n3A : vector<16xf32>
      %eq3A_1388 = arith.cmpf oeq, %gather3A_1355, %select_n3A : vector<16xf32>
      %or3A_1389 = arith.ori %gt3A_1387, %eq3A_1388 : vector<16xi1>
      %convert_element_type3A_1390 = arith.extui %or3A_1386 : vector<16xi1> to vector<16xi32>
      %add3A_1391 = arith.addi %add3A_1327, %convert_element_type3A_1390 : vector<16xi32>
      %convert_element_type3A_1392 = arith.extui %or3A_1389 : vector<16xi1> to vector<16xi32>
      %add3A_1393 = arith.addi %add3A_1329, %convert_element_type3A_1392 : vector<16xi32>
      %gt3A_1394 = arith.cmpf ogt, %gather3A_1367, %select_n3A_572 : vector<16xf32>
      %eq3A_1395 = arith.cmpf oeq, %gather3A_1367, %select_n3A_572 : vector<16xf32>
      %lt3A_1396 = arith.cmpi slt, %gather3A_1379, %get3A_8 : vector<16xi32>
      %and3A_1397 = arith.andi %eq3A_1395, %lt3A_1396 : vector<16xi1>
      %or3A_1398 = arith.ori %gt3A_1394, %and3A_1397 : vector<16xi1>
      %gt3A_1399 = arith.cmpf ogt, %gather3A_1367, %select_n3A_573 : vector<16xf32>
      %eq3A_1400 = arith.cmpf oeq, %gather3A_1367, %select_n3A_573 : vector<16xf32>
      %lt3A_1401 = arith.cmpi slt, %gather3A_1379, %get3A_10 : vector<16xi32>
      %and3A_1402 = arith.andi %eq3A_1400, %lt3A_1401 : vector<16xi1>
      %or3A_1403 = arith.ori %gt3A_1399, %and3A_1402 : vector<16xi1>
      %convert_element_type3A_1404 = arith.extui %or3A_1398 : vector<16xi1> to vector<16xi32>
      %add3A_1405 = arith.addi %add3A_1341, %convert_element_type3A_1404 : vector<16xi32>
      %convert_element_type3A_1406 = arith.extui %or3A_1403 : vector<16xi1> to vector<16xi32>
      %add3A_1407 = arith.addi %add3A_1343, %convert_element_type3A_1406 : vector<16xi32>
      %broadcast_in_dim3A_1408 = arith.constant 13 : i32
      %broadcast_in_dim3A_1409 = vector.broadcast %broadcast_in_dim3A_1408 : i32 to vector<16xi32>
      %lt3A_1410 = arith.constant 0 : i32
      %lt3A_1411 = vector.broadcast %lt3A_1410 : i32 to vector<16xi32>
      %lt3A_1412 = arith.cmpi slt, %broadcast_in_dim3A_1409, %lt3A_1411 : vector<16xi32>
      %add3A_1413 = arith.constant 16 : i32
      %add3A_1414 = vector.broadcast %add3A_1413 : i32 to vector<16xi32>
      %add3A_1415 = arith.addi %broadcast_in_dim3A_1409, %add3A_1414 : vector<16xi32>
      %select_n3A_1416 = arith.select %lt3A_1412, %add3A_1415, %broadcast_in_dim3A_1409 : vector<16xi1>, vector<16xi32>
      %broadcast_in_dim3A_1417 = vector.shape_cast %select_n3A_1416 : vector<16xi32> to vector<16x1xi32>
      %gather3A_1418 = vector.shape_cast %broadcast_in_dim3A_1417 : vector<16x1xi32> to vector<16xi32>
      %gather3A_1419 = tpu.dynamic_gather %get3A_12[%gather3A_1418] in [0] : vector<16xf32>, vector<16xi32> -> vector<16xf32>
      %broadcast_in_dim3A_1420 = arith.constant 13 : i32
      %broadcast_in_dim3A_1421 = vector.broadcast %broadcast_in_dim3A_1420 : i32 to vector<16xi32>
      %lt3A_1422 = arith.constant 0 : i32
      %lt3A_1423 = vector.broadcast %lt3A_1422 : i32 to vector<16xi32>
      %lt3A_1424 = arith.cmpi slt, %broadcast_in_dim3A_1421, %lt3A_1423 : vector<16xi32>
      %add3A_1425 = arith.constant 16 : i32
      %add3A_1426 = vector.broadcast %add3A_1425 : i32 to vector<16xi32>
      %add3A_1427 = arith.addi %broadcast_in_dim3A_1421, %add3A_1426 : vector<16xi32>
      %select_n3A_1428 = arith.select %lt3A_1424, %add3A_1427, %broadcast_in_dim3A_1421 : vector<16xi1>, vector<16xi32>
      %broadcast_in_dim3A_1429 = vector.shape_cast %select_n3A_1428 : vector<16xi32> to vector<16x1xi32>
      %gather3A_1430 = vector.shape_cast %broadcast_in_dim3A_1429 : vector<16x1xi32> to vector<16xi32>
      %gather3A_1431 = tpu.dynamic_gather %select_n3A_572[%gather3A_1430] in [0] : vector<16xf32>, vector<16xi32> -> vector<16xf32>
      %broadcast_in_dim3A_1432 = arith.constant 13 : i32
      %broadcast_in_dim3A_1433 = vector.broadcast %broadcast_in_dim3A_1432 : i32 to vector<16xi32>
      %lt3A_1434 = arith.constant 0 : i32
      %lt3A_1435 = vector.broadcast %lt3A_1434 : i32 to vector<16xi32>
      %lt3A_1436 = arith.cmpi slt, %broadcast_in_dim3A_1433, %lt3A_1435 : vector<16xi32>
      %add3A_1437 = arith.constant 16 : i32
      %add3A_1438 = vector.broadcast %add3A_1437 : i32 to vector<16xi32>
      %add3A_1439 = arith.addi %broadcast_in_dim3A_1433, %add3A_1438 : vector<16xi32>
      %select_n3A_1440 = arith.select %lt3A_1436, %add3A_1439, %broadcast_in_dim3A_1433 : vector<16xi1>, vector<16xi32>
      %broadcast_in_dim3A_1441 = vector.shape_cast %select_n3A_1440 : vector<16xi32> to vector<16x1xi32>
      %gather3A_1442 = vector.shape_cast %broadcast_in_dim3A_1441 : vector<16x1xi32> to vector<16xi32>
      %gather3A_1443 = tpu.dynamic_gather %get3A_8[%gather3A_1442] in [0] : vector<16xi32>, vector<16xi32> -> vector<16xi32>
      %gt3A_1444 = arith.cmpf ogt, %gather3A_1419, %get3A_12 : vector<16xf32>
      %eq3A_1445 = arith.cmpf oeq, %gather3A_1419, %get3A_12 : vector<16xf32>
      %gt3A_1446 = arith.constant 13 : i32
      %gt3A_1447 = vector.broadcast %gt3A_1446 : i32 to vector<16xi32>
      %gt3A_1448 = arith.cmpi sgt, %iota3A, %gt3A_1447 : vector<16xi32>
      %and3A_1449 = arith.andi %eq3A_1445, %gt3A_1448 : vector<16xi1>
      %or3A_1450 = arith.ori %gt3A_1444, %and3A_1449 : vector<16xi1>
      %gt3A_1451 = arith.cmpf ogt, %gather3A_1419, %select_n3A : vector<16xf32>
      %eq3A_1452 = arith.cmpf oeq, %gather3A_1419, %select_n3A : vector<16xf32>
      %or3A_1453 = arith.ori %gt3A_1451, %eq3A_1452 : vector<16xi1>
      %convert_element_type3A_1454 = arith.extui %or3A_1450 : vector<16xi1> to vector<16xi32>
      %add3A_1455 = arith.addi %add3A_1391, %convert_element_type3A_1454 : vector<16xi32>
      %convert_element_type3A_1456 = arith.extui %or3A_1453 : vector<16xi1> to vector<16xi32>
      %add3A_1457 = arith.addi %add3A_1393, %convert_element_type3A_1456 : vector<16xi32>
      %gt3A_1458 = arith.cmpf ogt, %gather3A_1431, %select_n3A_572 : vector<16xf32>
      %eq3A_1459 = arith.cmpf oeq, %gather3A_1431, %select_n3A_572 : vector<16xf32>
      %lt3A_1460 = arith.cmpi slt, %gather3A_1443, %get3A_8 : vector<16xi32>
      %and3A_1461 = arith.andi %eq3A_1459, %lt3A_1460 : vector<16xi1>
      %or3A_1462 = arith.ori %gt3A_1458, %and3A_1461 : vector<16xi1>
      %gt3A_1463 = arith.cmpf ogt, %gather3A_1431, %select_n3A_573 : vector<16xf32>
      %eq3A_1464 = arith.cmpf oeq, %gather3A_1431, %select_n3A_573 : vector<16xf32>
      %lt3A_1465 = arith.cmpi slt, %gather3A_1443, %get3A_10 : vector<16xi32>
      %and3A_1466 = arith.andi %eq3A_1464, %lt3A_1465 : vector<16xi1>
      %or3A_1467 = arith.ori %gt3A_1463, %and3A_1466 : vector<16xi1>
      %convert_element_type3A_1468 = arith.extui %or3A_1462 : vector<16xi1> to vector<16xi32>
      %add3A_1469 = arith.addi %add3A_1405, %convert_element_type3A_1468 : vector<16xi32>
      %convert_element_type3A_1470 = arith.extui %or3A_1467 : vector<16xi1> to vector<16xi32>
      %add3A_1471 = arith.addi %add3A_1407, %convert_element_type3A_1470 : vector<16xi32>
      %broadcast_in_dim3A_1472 = arith.constant 14 : i32
      %broadcast_in_dim3A_1473 = vector.broadcast %broadcast_in_dim3A_1472 : i32 to vector<16xi32>
      %lt3A_1474 = arith.constant 0 : i32
      %lt3A_1475 = vector.broadcast %lt3A_1474 : i32 to vector<16xi32>
      %lt3A_1476 = arith.cmpi slt, %broadcast_in_dim3A_1473, %lt3A_1475 : vector<16xi32>
      %add3A_1477 = arith.constant 16 : i32
      %add3A_1478 = vector.broadcast %add3A_1477 : i32 to vector<16xi32>
      %add3A_1479 = arith.addi %broadcast_in_dim3A_1473, %add3A_1478 : vector<16xi32>
      %select_n3A_1480 = arith.select %lt3A_1476, %add3A_1479, %broadcast_in_dim3A_1473 : vector<16xi1>, vector<16xi32>
      %broadcast_in_dim3A_1481 = vector.shape_cast %select_n3A_1480 : vector<16xi32> to vector<16x1xi32>
      %gather3A_1482 = vector.shape_cast %broadcast_in_dim3A_1481 : vector<16x1xi32> to vector<16xi32>
      %gather3A_1483 = tpu.dynamic_gather %get3A_12[%gather3A_1482] in [0] : vector<16xf32>, vector<16xi32> -> vector<16xf32>
      %broadcast_in_dim3A_1484 = arith.constant 14 : i32
      %broadcast_in_dim3A_1485 = vector.broadcast %broadcast_in_dim3A_1484 : i32 to vector<16xi32>
      %lt3A_1486 = arith.constant 0 : i32
      %lt3A_1487 = vector.broadcast %lt3A_1486 : i32 to vector<16xi32>
      %lt3A_1488 = arith.cmpi slt, %broadcast_in_dim3A_1485, %lt3A_1487 : vector<16xi32>
      %add3A_1489 = arith.constant 16 : i32
      %add3A_1490 = vector.broadcast %add3A_1489 : i32 to vector<16xi32>
      %add3A_1491 = arith.addi %broadcast_in_dim3A_1485, %add3A_1490 : vector<16xi32>
      %select_n3A_1492 = arith.select %lt3A_1488, %add3A_1491, %broadcast_in_dim3A_1485 : vector<16xi1>, vector<16xi32>
      %broadcast_in_dim3A_1493 = vector.shape_cast %select_n3A_1492 : vector<16xi32> to vector<16x1xi32>
      %gather3A_1494 = vector.shape_cast %broadcast_in_dim3A_1493 : vector<16x1xi32> to vector<16xi32>
      %gather3A_1495 = tpu.dynamic_gather %select_n3A_572[%gather3A_1494] in [0] : vector<16xf32>, vector<16xi32> -> vector<16xf32>
      %broadcast_in_dim3A_1496 = arith.constant 14 : i32
      %broadcast_in_dim3A_1497 = vector.broadcast %broadcast_in_dim3A_1496 : i32 to vector<16xi32>
      %lt3A_1498 = arith.constant 0 : i32
      %lt3A_1499 = vector.broadcast %lt3A_1498 : i32 to vector<16xi32>
      %lt3A_1500 = arith.cmpi slt, %broadcast_in_dim3A_1497, %lt3A_1499 : vector<16xi32>
      %add3A_1501 = arith.constant 16 : i32
      %add3A_1502 = vector.broadcast %add3A_1501 : i32 to vector<16xi32>
      %add3A_1503 = arith.addi %broadcast_in_dim3A_1497, %add3A_1502 : vector<16xi32>
      %select_n3A_1504 = arith.select %lt3A_1500, %add3A_1503, %broadcast_in_dim3A_1497 : vector<16xi1>, vector<16xi32>
      %broadcast_in_dim3A_1505 = vector.shape_cast %select_n3A_1504 : vector<16xi32> to vector<16x1xi32>
      %gather3A_1506 = vector.shape_cast %broadcast_in_dim3A_1505 : vector<16x1xi32> to vector<16xi32>
      %gather3A_1507 = tpu.dynamic_gather %get3A_8[%gather3A_1506] in [0] : vector<16xi32>, vector<16xi32> -> vector<16xi32>
      %gt3A_1508 = arith.cmpf ogt, %gather3A_1483, %get3A_12 : vector<16xf32>
      %eq3A_1509 = arith.cmpf oeq, %gather3A_1483, %get3A_12 : vector<16xf32>
      %gt3A_1510 = arith.constant 14 : i32
      %gt3A_1511 = vector.broadcast %gt3A_1510 : i32 to vector<16xi32>
      %gt3A_1512 = arith.cmpi sgt, %iota3A, %gt3A_1511 : vector<16xi32>
      %and3A_1513 = arith.andi %eq3A_1509, %gt3A_1512 : vector<16xi1>
      %or3A_1514 = arith.ori %gt3A_1508, %and3A_1513 : vector<16xi1>
      %gt3A_1515 = arith.cmpf ogt, %gather3A_1483, %select_n3A : vector<16xf32>
      %eq3A_1516 = arith.cmpf oeq, %gather3A_1483, %select_n3A : vector<16xf32>
      %or3A_1517 = arith.ori %gt3A_1515, %eq3A_1516 : vector<16xi1>
      %convert_element_type3A_1518 = arith.extui %or3A_1514 : vector<16xi1> to vector<16xi32>
      %add3A_1519 = arith.addi %add3A_1455, %convert_element_type3A_1518 : vector<16xi32>
      %convert_element_type3A_1520 = arith.extui %or3A_1517 : vector<16xi1> to vector<16xi32>
      %add3A_1521 = arith.addi %add3A_1457, %convert_element_type3A_1520 : vector<16xi32>
      %gt3A_1522 = arith.cmpf ogt, %gather3A_1495, %select_n3A_572 : vector<16xf32>
      %eq3A_1523 = arith.cmpf oeq, %gather3A_1495, %select_n3A_572 : vector<16xf32>
      %lt3A_1524 = arith.cmpi slt, %gather3A_1507, %get3A_8 : vector<16xi32>
      %and3A_1525 = arith.andi %eq3A_1523, %lt3A_1524 : vector<16xi1>
      %or3A_1526 = arith.ori %gt3A_1522, %and3A_1525 : vector<16xi1>
      %gt3A_1527 = arith.cmpf ogt, %gather3A_1495, %select_n3A_573 : vector<16xf32>
      %eq3A_1528 = arith.cmpf oeq, %gather3A_1495, %select_n3A_573 : vector<16xf32>
      %lt3A_1529 = arith.cmpi slt, %gather3A_1507, %get3A_10 : vector<16xi32>
      %and3A_1530 = arith.andi %eq3A_1528, %lt3A_1529 : vector<16xi1>
      %or3A_1531 = arith.ori %gt3A_1527, %and3A_1530 : vector<16xi1>
      %convert_element_type3A_1532 = arith.extui %or3A_1526 : vector<16xi1> to vector<16xi32>
      %add3A_1533 = arith.addi %add3A_1469, %convert_element_type3A_1532 : vector<16xi32>
      %convert_element_type3A_1534 = arith.extui %or3A_1531 : vector<16xi1> to vector<16xi32>
      %add3A_1535 = arith.addi %add3A_1471, %convert_element_type3A_1534 : vector<16xi32>
      %broadcast_in_dim3A_1536 = arith.constant 15 : i32
      %broadcast_in_dim3A_1537 = vector.broadcast %broadcast_in_dim3A_1536 : i32 to vector<16xi32>
      %lt3A_1538 = arith.constant 0 : i32
      %lt3A_1539 = vector.broadcast %lt3A_1538 : i32 to vector<16xi32>
      %lt3A_1540 = arith.cmpi slt, %broadcast_in_dim3A_1537, %lt3A_1539 : vector<16xi32>
      %add3A_1541 = arith.constant 16 : i32
      %add3A_1542 = vector.broadcast %add3A_1541 : i32 to vector<16xi32>
      %add3A_1543 = arith.addi %broadcast_in_dim3A_1537, %add3A_1542 : vector<16xi32>
      %select_n3A_1544 = arith.select %lt3A_1540, %add3A_1543, %broadcast_in_dim3A_1537 : vector<16xi1>, vector<16xi32>
      %broadcast_in_dim3A_1545 = vector.shape_cast %select_n3A_1544 : vector<16xi32> to vector<16x1xi32>
      %gather3A_1546 = vector.shape_cast %broadcast_in_dim3A_1545 : vector<16x1xi32> to vector<16xi32>
      %gather3A_1547 = tpu.dynamic_gather %get3A_12[%gather3A_1546] in [0] : vector<16xf32>, vector<16xi32> -> vector<16xf32>
      %broadcast_in_dim3A_1548 = arith.constant 15 : i32
      %broadcast_in_dim3A_1549 = vector.broadcast %broadcast_in_dim3A_1548 : i32 to vector<16xi32>
      %lt3A_1550 = arith.constant 0 : i32
      %lt3A_1551 = vector.broadcast %lt3A_1550 : i32 to vector<16xi32>
      %lt3A_1552 = arith.cmpi slt, %broadcast_in_dim3A_1549, %lt3A_1551 : vector<16xi32>
      %add3A_1553 = arith.constant 16 : i32
      %add3A_1554 = vector.broadcast %add3A_1553 : i32 to vector<16xi32>
      %add3A_1555 = arith.addi %broadcast_in_dim3A_1549, %add3A_1554 : vector<16xi32>
      %select_n3A_1556 = arith.select %lt3A_1552, %add3A_1555, %broadcast_in_dim3A_1549 : vector<16xi1>, vector<16xi32>
      %broadcast_in_dim3A_1557 = vector.shape_cast %select_n3A_1556 : vector<16xi32> to vector<16x1xi32>
      %gather3A_1558 = vector.shape_cast %broadcast_in_dim3A_1557 : vector<16x1xi32> to vector<16xi32>
      %gather3A_1559 = tpu.dynamic_gather %select_n3A_572[%gather3A_1558] in [0] : vector<16xf32>, vector<16xi32> -> vector<16xf32>
      %broadcast_in_dim3A_1560 = arith.constant 15 : i32
      %broadcast_in_dim3A_1561 = vector.broadcast %broadcast_in_dim3A_1560 : i32 to vector<16xi32>
      %lt3A_1562 = arith.constant 0 : i32
      %lt3A_1563 = vector.broadcast %lt3A_1562 : i32 to vector<16xi32>
      %lt3A_1564 = arith.cmpi slt, %broadcast_in_dim3A_1561, %lt3A_1563 : vector<16xi32>
      %add3A_1565 = arith.constant 16 : i32
      %add3A_1566 = vector.broadcast %add3A_1565 : i32 to vector<16xi32>
      %add3A_1567 = arith.addi %broadcast_in_dim3A_1561, %add3A_1566 : vector<16xi32>
      %select_n3A_1568 = arith.select %lt3A_1564, %add3A_1567, %broadcast_in_dim3A_1561 : vector<16xi1>, vector<16xi32>
      %broadcast_in_dim3A_1569 = vector.shape_cast %select_n3A_1568 : vector<16xi32> to vector<16x1xi32>
      %gather3A_1570 = vector.shape_cast %broadcast_in_dim3A_1569 : vector<16x1xi32> to vector<16xi32>
      %gather3A_1571 = tpu.dynamic_gather %get3A_8[%gather3A_1570] in [0] : vector<16xi32>, vector<16xi32> -> vector<16xi32>
      %gt3A_1572 = arith.cmpf ogt, %gather3A_1547, %get3A_12 : vector<16xf32>
      %eq3A_1573 = arith.cmpf oeq, %gather3A_1547, %get3A_12 : vector<16xf32>
      %gt3A_1574 = arith.constant 15 : i32
      %gt3A_1575 = vector.broadcast %gt3A_1574 : i32 to vector<16xi32>
      %gt3A_1576 = arith.cmpi sgt, %iota3A, %gt3A_1575 : vector<16xi32>
      %and3A_1577 = arith.andi %eq3A_1573, %gt3A_1576 : vector<16xi1>
      %or3A_1578 = arith.ori %gt3A_1572, %and3A_1577 : vector<16xi1>
      %gt3A_1579 = arith.cmpf ogt, %gather3A_1547, %select_n3A : vector<16xf32>
      %eq3A_1580 = arith.cmpf oeq, %gather3A_1547, %select_n3A : vector<16xf32>
      %or3A_1581 = arith.ori %gt3A_1579, %eq3A_1580 : vector<16xi1>
      %convert_element_type3A_1582 = arith.extui %or3A_1578 : vector<16xi1> to vector<16xi32>
      %add3A_1583 = arith.addi %add3A_1519, %convert_element_type3A_1582 : vector<16xi32>
      %convert_element_type3A_1584 = arith.extui %or3A_1581 : vector<16xi1> to vector<16xi32>
      %add3A_1585 = arith.addi %add3A_1521, %convert_element_type3A_1584 : vector<16xi32>
      %gt3A_1586 = arith.cmpf ogt, %gather3A_1559, %select_n3A_572 : vector<16xf32>
      %eq3A_1587 = arith.cmpf oeq, %gather3A_1559, %select_n3A_572 : vector<16xf32>
      %lt3A_1588 = arith.cmpi slt, %gather3A_1571, %get3A_8 : vector<16xi32>
      %and3A_1589 = arith.andi %eq3A_1587, %lt3A_1588 : vector<16xi1>
      %or3A_1590 = arith.ori %gt3A_1586, %and3A_1589 : vector<16xi1>
      %gt3A_1591 = arith.cmpf ogt, %gather3A_1559, %select_n3A_573 : vector<16xf32>
      %eq3A_1592 = arith.cmpf oeq, %gather3A_1559, %select_n3A_573 : vector<16xf32>
      %lt3A_1593 = arith.cmpi slt, %gather3A_1571, %get3A_10 : vector<16xi32>
      %and3A_1594 = arith.andi %eq3A_1592, %lt3A_1593 : vector<16xi1>
      %or3A_1595 = arith.ori %gt3A_1591, %and3A_1594 : vector<16xi1>
      %convert_element_type3A_1596 = arith.extui %or3A_1590 : vector<16xi1> to vector<16xi32>
      %add3A_1597 = arith.addi %add3A_1533, %convert_element_type3A_1596 : vector<16xi32>
      %convert_element_type3A_1598 = arith.extui %or3A_1595 : vector<16xi1> to vector<16xi32>
      %add3A_1599 = arith.addi %add3A_1535, %convert_element_type3A_1598 : vector<16xi32>
      %broadcast_in_dim3A_1600 = arith.constant 0 : i32
      %broadcast_in_dim3A_1601 = vector.broadcast %broadcast_in_dim3A_1600 : i32 to vector<16xi32>
      %lt3A_1602 = arith.constant 0 : i32
      %lt3A_1603 = vector.broadcast %lt3A_1602 : i32 to vector<16xi32>
      %lt3A_1604 = arith.cmpi slt, %broadcast_in_dim3A_1601, %lt3A_1603 : vector<16xi32>
      %add3A_1605 = arith.constant 16 : i32
      %add3A_1606 = vector.broadcast %add3A_1605 : i32 to vector<16xi32>
      %add3A_1607 = arith.addi %broadcast_in_dim3A_1601, %add3A_1606 : vector<16xi32>
      %select_n3A_1608 = arith.select %lt3A_1604, %add3A_1607, %broadcast_in_dim3A_1601 : vector<16xi1>, vector<16xi32>
      %broadcast_in_dim3A_1609 = vector.shape_cast %select_n3A_1608 : vector<16xi32> to vector<16x1xi32>
      %gather3A_1610 = vector.shape_cast %broadcast_in_dim3A_1609 : vector<16x1xi32> to vector<16xi32>
      %gather3A_1611 = tpu.dynamic_gather %select_n3A[%gather3A_1610] in [0] : vector<16xf32>, vector<16xi32> -> vector<16xf32>
      %broadcast_in_dim3A_1612 = arith.constant 0 : i32
      %broadcast_in_dim3A_1613 = vector.broadcast %broadcast_in_dim3A_1612 : i32 to vector<16xi32>
      %lt3A_1614 = arith.constant 0 : i32
      %lt3A_1615 = vector.broadcast %lt3A_1614 : i32 to vector<16xi32>
      %lt3A_1616 = arith.cmpi slt, %broadcast_in_dim3A_1613, %lt3A_1615 : vector<16xi32>
      %add3A_1617 = arith.constant 16 : i32
      %add3A_1618 = vector.broadcast %add3A_1617 : i32 to vector<16xi32>
      %add3A_1619 = arith.addi %broadcast_in_dim3A_1613, %add3A_1618 : vector<16xi32>
      %select_n3A_1620 = arith.select %lt3A_1616, %add3A_1619, %broadcast_in_dim3A_1613 : vector<16xi1>, vector<16xi32>
      %broadcast_in_dim3A_1621 = vector.shape_cast %select_n3A_1620 : vector<16xi32> to vector<16x1xi32>
      %gather3A_1622 = vector.shape_cast %broadcast_in_dim3A_1621 : vector<16x1xi32> to vector<16xi32>
      %gather3A_1623 = tpu.dynamic_gather %select_n3A_573[%gather3A_1622] in [0] : vector<16xf32>, vector<16xi32> -> vector<16xf32>
      %broadcast_in_dim3A_1624 = arith.constant 0 : i32
      %broadcast_in_dim3A_1625 = vector.broadcast %broadcast_in_dim3A_1624 : i32 to vector<16xi32>
      %lt3A_1626 = arith.constant 0 : i32
      %lt3A_1627 = vector.broadcast %lt3A_1626 : i32 to vector<16xi32>
      %lt3A_1628 = arith.cmpi slt, %broadcast_in_dim3A_1625, %lt3A_1627 : vector<16xi32>
      %add3A_1629 = arith.constant 16 : i32
      %add3A_1630 = vector.broadcast %add3A_1629 : i32 to vector<16xi32>
      %add3A_1631 = arith.addi %broadcast_in_dim3A_1625, %add3A_1630 : vector<16xi32>
      %select_n3A_1632 = arith.select %lt3A_1628, %add3A_1631, %broadcast_in_dim3A_1625 : vector<16xi1>, vector<16xi32>
      %broadcast_in_dim3A_1633 = vector.shape_cast %select_n3A_1632 : vector<16xi32> to vector<16x1xi32>
      %gather3A_1634 = vector.shape_cast %broadcast_in_dim3A_1633 : vector<16x1xi32> to vector<16xi32>
      %gather3A_1635 = tpu.dynamic_gather %get3A_10[%gather3A_1634] in [0] : vector<16xi32>, vector<16xi32> -> vector<16xi32>
      %gt3A_1636 = arith.cmpf ogt, %gather3A_1611, %get3A_12 : vector<16xf32>
      %gt3A_1637 = arith.cmpf ogt, %gather3A_1611, %select_n3A : vector<16xf32>
      %eq3A_1638 = arith.cmpf oeq, %gather3A_1611, %select_n3A : vector<16xf32>
      %gt3A_1639 = arith.constant 0 : i32
      %gt3A_1640 = vector.broadcast %gt3A_1639 : i32 to vector<16xi32>
      %gt3A_1641 = arith.cmpi sgt, %iota3A, %gt3A_1640 : vector<16xi32>
      %and3A_1642 = arith.andi %eq3A_1638, %gt3A_1641 : vector<16xi1>
      %or3A_1643 = arith.ori %gt3A_1637, %and3A_1642 : vector<16xi1>
      %convert_element_type3A_1644 = arith.extui %gt3A_1636 : vector<16xi1> to vector<16xi32>
      %add3A_1645 = arith.addi %add3A_1583, %convert_element_type3A_1644 : vector<16xi32>
      %convert_element_type3A_1646 = arith.extui %or3A_1643 : vector<16xi1> to vector<16xi32>
      %add3A_1647 = arith.addi %add3A_1585, %convert_element_type3A_1646 : vector<16xi32>
      %gt3A_1648 = arith.cmpf ogt, %gather3A_1623, %select_n3A_572 : vector<16xf32>
      %eq3A_1649 = arith.cmpf oeq, %gather3A_1623, %select_n3A_572 : vector<16xf32>
      %lt3A_1650 = arith.cmpi slt, %gather3A_1635, %get3A_8 : vector<16xi32>
      %and3A_1651 = arith.andi %eq3A_1649, %lt3A_1650 : vector<16xi1>
      %or3A_1652 = arith.ori %gt3A_1648, %and3A_1651 : vector<16xi1>
      %gt3A_1653 = arith.cmpf ogt, %gather3A_1623, %select_n3A_573 : vector<16xf32>
      %eq3A_1654 = arith.cmpf oeq, %gather3A_1623, %select_n3A_573 : vector<16xf32>
      %lt3A_1655 = arith.cmpi slt, %gather3A_1635, %get3A_10 : vector<16xi32>
      %and3A_1656 = arith.andi %eq3A_1654, %lt3A_1655 : vector<16xi1>
      %or3A_1657 = arith.ori %gt3A_1653, %and3A_1656 : vector<16xi1>
      %convert_element_type3A_1658 = arith.extui %or3A_1652 : vector<16xi1> to vector<16xi32>
      %add3A_1659 = arith.addi %add3A_1597, %convert_element_type3A_1658 : vector<16xi32>
      %convert_element_type3A_1660 = arith.extui %or3A_1657 : vector<16xi1> to vector<16xi32>
      %add3A_1661 = arith.addi %add3A_1599, %convert_element_type3A_1660 : vector<16xi32>
      %broadcast_in_dim3A_1662 = arith.constant 1 : i32
      %broadcast_in_dim3A_1663 = vector.broadcast %broadcast_in_dim3A_1662 : i32 to vector<16xi32>
      %lt3A_1664 = arith.constant 0 : i32
      %lt3A_1665 = vector.broadcast %lt3A_1664 : i32 to vector<16xi32>
      %lt3A_1666 = arith.cmpi slt, %broadcast_in_dim3A_1663, %lt3A_1665 : vector<16xi32>
      %add3A_1667 = arith.constant 16 : i32
      %add3A_1668 = vector.broadcast %add3A_1667 : i32 to vector<16xi32>
      %add3A_1669 = arith.addi %broadcast_in_dim3A_1663, %add3A_1668 : vector<16xi32>
      %select_n3A_1670 = arith.select %lt3A_1666, %add3A_1669, %broadcast_in_dim3A_1663 : vector<16xi1>, vector<16xi32>
      %broadcast_in_dim3A_1671 = vector.shape_cast %select_n3A_1670 : vector<16xi32> to vector<16x1xi32>
      %gather3A_1672 = vector.shape_cast %broadcast_in_dim3A_1671 : vector<16x1xi32> to vector<16xi32>
      %gather3A_1673 = tpu.dynamic_gather %select_n3A[%gather3A_1672] in [0] : vector<16xf32>, vector<16xi32> -> vector<16xf32>
      %broadcast_in_dim3A_1674 = arith.constant 1 : i32
      %broadcast_in_dim3A_1675 = vector.broadcast %broadcast_in_dim3A_1674 : i32 to vector<16xi32>
      %lt3A_1676 = arith.constant 0 : i32
      %lt3A_1677 = vector.broadcast %lt3A_1676 : i32 to vector<16xi32>
      %lt3A_1678 = arith.cmpi slt, %broadcast_in_dim3A_1675, %lt3A_1677 : vector<16xi32>
      %add3A_1679 = arith.constant 16 : i32
      %add3A_1680 = vector.broadcast %add3A_1679 : i32 to vector<16xi32>
      %add3A_1681 = arith.addi %broadcast_in_dim3A_1675, %add3A_1680 : vector<16xi32>
      %select_n3A_1682 = arith.select %lt3A_1678, %add3A_1681, %broadcast_in_dim3A_1675 : vector<16xi1>, vector<16xi32>
      %broadcast_in_dim3A_1683 = vector.shape_cast %select_n3A_1682 : vector<16xi32> to vector<16x1xi32>
      %gather3A_1684 = vector.shape_cast %broadcast_in_dim3A_1683 : vector<16x1xi32> to vector<16xi32>
      %gather3A_1685 = tpu.dynamic_gather %select_n3A_573[%gather3A_1684] in [0] : vector<16xf32>, vector<16xi32> -> vector<16xf32>
      %broadcast_in_dim3A_1686 = arith.constant 1 : i32
      %broadcast_in_dim3A_1687 = vector.broadcast %broadcast_in_dim3A_1686 : i32 to vector<16xi32>
      %lt3A_1688 = arith.constant 0 : i32
      %lt3A_1689 = vector.broadcast %lt3A_1688 : i32 to vector<16xi32>
      %lt3A_1690 = arith.cmpi slt, %broadcast_in_dim3A_1687, %lt3A_1689 : vector<16xi32>
      %add3A_1691 = arith.constant 16 : i32
      %add3A_1692 = vector.broadcast %add3A_1691 : i32 to vector<16xi32>
      %add3A_1693 = arith.addi %broadcast_in_dim3A_1687, %add3A_1692 : vector<16xi32>
      %select_n3A_1694 = arith.select %lt3A_1690, %add3A_1693, %broadcast_in_dim3A_1687 : vector<16xi1>, vector<16xi32>
      %broadcast_in_dim3A_1695 = vector.shape_cast %select_n3A_1694 : vector<16xi32> to vector<16x1xi32>
      %gather3A_1696 = vector.shape_cast %broadcast_in_dim3A_1695 : vector<16x1xi32> to vector<16xi32>
      %gather3A_1697 = tpu.dynamic_gather %get3A_10[%gather3A_1696] in [0] : vector<16xi32>, vector<16xi32> -> vector<16xi32>
      %gt3A_1698 = arith.cmpf ogt, %gather3A_1673, %get3A_12 : vector<16xf32>
      %gt3A_1699 = arith.cmpf ogt, %gather3A_1673, %select_n3A : vector<16xf32>
      %eq3A_1700 = arith.cmpf oeq, %gather3A_1673, %select_n3A : vector<16xf32>
      %gt3A_1701 = arith.constant 1 : i32
      %gt3A_1702 = vector.broadcast %gt3A_1701 : i32 to vector<16xi32>
      %gt3A_1703 = arith.cmpi sgt, %iota3A, %gt3A_1702 : vector<16xi32>
      %and3A_1704 = arith.andi %eq3A_1700, %gt3A_1703 : vector<16xi1>
      %or3A_1705 = arith.ori %gt3A_1699, %and3A_1704 : vector<16xi1>
      %convert_element_type3A_1706 = arith.extui %gt3A_1698 : vector<16xi1> to vector<16xi32>
      %add3A_1707 = arith.addi %add3A_1645, %convert_element_type3A_1706 : vector<16xi32>
      %convert_element_type3A_1708 = arith.extui %or3A_1705 : vector<16xi1> to vector<16xi32>
      %add3A_1709 = arith.addi %add3A_1647, %convert_element_type3A_1708 : vector<16xi32>
      %gt3A_1710 = arith.cmpf ogt, %gather3A_1685, %select_n3A_572 : vector<16xf32>
      %eq3A_1711 = arith.cmpf oeq, %gather3A_1685, %select_n3A_572 : vector<16xf32>
      %lt3A_1712 = arith.cmpi slt, %gather3A_1697, %get3A_8 : vector<16xi32>
      %and3A_1713 = arith.andi %eq3A_1711, %lt3A_1712 : vector<16xi1>
      %or3A_1714 = arith.ori %gt3A_1710, %and3A_1713 : vector<16xi1>
      %gt3A_1715 = arith.cmpf ogt, %gather3A_1685, %select_n3A_573 : vector<16xf32>
      %eq3A_1716 = arith.cmpf oeq, %gather3A_1685, %select_n3A_573 : vector<16xf32>
      %lt3A_1717 = arith.cmpi slt, %gather3A_1697, %get3A_10 : vector<16xi32>
      %and3A_1718 = arith.andi %eq3A_1716, %lt3A_1717 : vector<16xi1>
      %or3A_1719 = arith.ori %gt3A_1715, %and3A_1718 : vector<16xi1>
      %convert_element_type3A_1720 = arith.extui %or3A_1714 : vector<16xi1> to vector<16xi32>
      %add3A_1721 = arith.addi %add3A_1659, %convert_element_type3A_1720 : vector<16xi32>
      %convert_element_type3A_1722 = arith.extui %or3A_1719 : vector<16xi1> to vector<16xi32>
      %add3A_1723 = arith.addi %add3A_1661, %convert_element_type3A_1722 : vector<16xi32>
      %broadcast_in_dim3A_1724 = arith.constant 2 : i32
      %broadcast_in_dim3A_1725 = vector.broadcast %broadcast_in_dim3A_1724 : i32 to vector<16xi32>
      %lt3A_1726 = arith.constant 0 : i32
      %lt3A_1727 = vector.broadcast %lt3A_1726 : i32 to vector<16xi32>
      %lt3A_1728 = arith.cmpi slt, %broadcast_in_dim3A_1725, %lt3A_1727 : vector<16xi32>
      %add3A_1729 = arith.constant 16 : i32
      %add3A_1730 = vector.broadcast %add3A_1729 : i32 to vector<16xi32>
      %add3A_1731 = arith.addi %broadcast_in_dim3A_1725, %add3A_1730 : vector<16xi32>
      %select_n3A_1732 = arith.select %lt3A_1728, %add3A_1731, %broadcast_in_dim3A_1725 : vector<16xi1>, vector<16xi32>
      %broadcast_in_dim3A_1733 = vector.shape_cast %select_n3A_1732 : vector<16xi32> to vector<16x1xi32>
      %gather3A_1734 = vector.shape_cast %broadcast_in_dim3A_1733 : vector<16x1xi32> to vector<16xi32>
      %gather3A_1735 = tpu.dynamic_gather %select_n3A[%gather3A_1734] in [0] : vector<16xf32>, vector<16xi32> -> vector<16xf32>
      %broadcast_in_dim3A_1736 = arith.constant 2 : i32
      %broadcast_in_dim3A_1737 = vector.broadcast %broadcast_in_dim3A_1736 : i32 to vector<16xi32>
      %lt3A_1738 = arith.constant 0 : i32
      %lt3A_1739 = vector.broadcast %lt3A_1738 : i32 to vector<16xi32>
      %lt3A_1740 = arith.cmpi slt, %broadcast_in_dim3A_1737, %lt3A_1739 : vector<16xi32>
      %add3A_1741 = arith.constant 16 : i32
      %add3A_1742 = vector.broadcast %add3A_1741 : i32 to vector<16xi32>
      %add3A_1743 = arith.addi %broadcast_in_dim3A_1737, %add3A_1742 : vector<16xi32>
      %select_n3A_1744 = arith.select %lt3A_1740, %add3A_1743, %broadcast_in_dim3A_1737 : vector<16xi1>, vector<16xi32>
      %broadcast_in_dim3A_1745 = vector.shape_cast %select_n3A_1744 : vector<16xi32> to vector<16x1xi32>
      %gather3A_1746 = vector.shape_cast %broadcast_in_dim3A_1745 : vector<16x1xi32> to vector<16xi32>
      %gather3A_1747 = tpu.dynamic_gather %select_n3A_573[%gather3A_1746] in [0] : vector<16xf32>, vector<16xi32> -> vector<16xf32>
      %broadcast_in_dim3A_1748 = arith.constant 2 : i32
      %broadcast_in_dim3A_1749 = vector.broadcast %broadcast_in_dim3A_1748 : i32 to vector<16xi32>
      %lt3A_1750 = arith.constant 0 : i32
      %lt3A_1751 = vector.broadcast %lt3A_1750 : i32 to vector<16xi32>
      %lt3A_1752 = arith.cmpi slt, %broadcast_in_dim3A_1749, %lt3A_1751 : vector<16xi32>
      %add3A_1753 = arith.constant 16 : i32
      %add3A_1754 = vector.broadcast %add3A_1753 : i32 to vector<16xi32>
      %add3A_1755 = arith.addi %broadcast_in_dim3A_1749, %add3A_1754 : vector<16xi32>
      %select_n3A_1756 = arith.select %lt3A_1752, %add3A_1755, %broadcast_in_dim3A_1749 : vector<16xi1>, vector<16xi32>
      %broadcast_in_dim3A_1757 = vector.shape_cast %select_n3A_1756 : vector<16xi32> to vector<16x1xi32>
      %gather3A_1758 = vector.shape_cast %broadcast_in_dim3A_1757 : vector<16x1xi32> to vector<16xi32>
      %gather3A_1759 = tpu.dynamic_gather %get3A_10[%gather3A_1758] in [0] : vector<16xi32>, vector<16xi32> -> vector<16xi32>
      %gt3A_1760 = arith.cmpf ogt, %gather3A_1735, %get3A_12 : vector<16xf32>
      %gt3A_1761 = arith.cmpf ogt, %gather3A_1735, %select_n3A : vector<16xf32>
      %eq3A_1762 = arith.cmpf oeq, %gather3A_1735, %select_n3A : vector<16xf32>
      %gt3A_1763 = arith.constant 2 : i32
      %gt3A_1764 = vector.broadcast %gt3A_1763 : i32 to vector<16xi32>
      %gt3A_1765 = arith.cmpi sgt, %iota3A, %gt3A_1764 : vector<16xi32>
      %and3A_1766 = arith.andi %eq3A_1762, %gt3A_1765 : vector<16xi1>
      %or3A_1767 = arith.ori %gt3A_1761, %and3A_1766 : vector<16xi1>
      %convert_element_type3A_1768 = arith.extui %gt3A_1760 : vector<16xi1> to vector<16xi32>
      %add3A_1769 = arith.addi %add3A_1707, %convert_element_type3A_1768 : vector<16xi32>
      %convert_element_type3A_1770 = arith.extui %or3A_1767 : vector<16xi1> to vector<16xi32>
      %add3A_1771 = arith.addi %add3A_1709, %convert_element_type3A_1770 : vector<16xi32>
      %gt3A_1772 = arith.cmpf ogt, %gather3A_1747, %select_n3A_572 : vector<16xf32>
      %eq3A_1773 = arith.cmpf oeq, %gather3A_1747, %select_n3A_572 : vector<16xf32>
      %lt3A_1774 = arith.cmpi slt, %gather3A_1759, %get3A_8 : vector<16xi32>
      %and3A_1775 = arith.andi %eq3A_1773, %lt3A_1774 : vector<16xi1>
      %or3A_1776 = arith.ori %gt3A_1772, %and3A_1775 : vector<16xi1>
      %gt3A_1777 = arith.cmpf ogt, %gather3A_1747, %select_n3A_573 : vector<16xf32>
      %eq3A_1778 = arith.cmpf oeq, %gather3A_1747, %select_n3A_573 : vector<16xf32>
      %lt3A_1779 = arith.cmpi slt, %gather3A_1759, %get3A_10 : vector<16xi32>
      %and3A_1780 = arith.andi %eq3A_1778, %lt3A_1779 : vector<16xi1>
      %or3A_1781 = arith.ori %gt3A_1777, %and3A_1780 : vector<16xi1>
      %convert_element_type3A_1782 = arith.extui %or3A_1776 : vector<16xi1> to vector<16xi32>
      %add3A_1783 = arith.addi %add3A_1721, %convert_element_type3A_1782 : vector<16xi32>
      %convert_element_type3A_1784 = arith.extui %or3A_1781 : vector<16xi1> to vector<16xi32>
      %add3A_1785 = arith.addi %add3A_1723, %convert_element_type3A_1784 : vector<16xi32>
      %broadcast_in_dim3A_1786 = arith.constant 3 : i32
      %broadcast_in_dim3A_1787 = vector.broadcast %broadcast_in_dim3A_1786 : i32 to vector<16xi32>
      %lt3A_1788 = arith.constant 0 : i32
      %lt3A_1789 = vector.broadcast %lt3A_1788 : i32 to vector<16xi32>
      %lt3A_1790 = arith.cmpi slt, %broadcast_in_dim3A_1787, %lt3A_1789 : vector<16xi32>
      %add3A_1791 = arith.constant 16 : i32
      %add3A_1792 = vector.broadcast %add3A_1791 : i32 to vector<16xi32>
      %add3A_1793 = arith.addi %broadcast_in_dim3A_1787, %add3A_1792 : vector<16xi32>
      %select_n3A_1794 = arith.select %lt3A_1790, %add3A_1793, %broadcast_in_dim3A_1787 : vector<16xi1>, vector<16xi32>
      %broadcast_in_dim3A_1795 = vector.shape_cast %select_n3A_1794 : vector<16xi32> to vector<16x1xi32>
      %gather3A_1796 = vector.shape_cast %broadcast_in_dim3A_1795 : vector<16x1xi32> to vector<16xi32>
      %gather3A_1797 = tpu.dynamic_gather %select_n3A[%gather3A_1796] in [0] : vector<16xf32>, vector<16xi32> -> vector<16xf32>
      %broadcast_in_dim3A_1798 = arith.constant 3 : i32
      %broadcast_in_dim3A_1799 = vector.broadcast %broadcast_in_dim3A_1798 : i32 to vector<16xi32>
      %lt3A_1800 = arith.constant 0 : i32
      %lt3A_1801 = vector.broadcast %lt3A_1800 : i32 to vector<16xi32>
      %lt3A_1802 = arith.cmpi slt, %broadcast_in_dim3A_1799, %lt3A_1801 : vector<16xi32>
      %add3A_1803 = arith.constant 16 : i32
      %add3A_1804 = vector.broadcast %add3A_1803 : i32 to vector<16xi32>
      %add3A_1805 = arith.addi %broadcast_in_dim3A_1799, %add3A_1804 : vector<16xi32>
      %select_n3A_1806 = arith.select %lt3A_1802, %add3A_1805, %broadcast_in_dim3A_1799 : vector<16xi1>, vector<16xi32>
      %broadcast_in_dim3A_1807 = vector.shape_cast %select_n3A_1806 : vector<16xi32> to vector<16x1xi32>
      %gather3A_1808 = vector.shape_cast %broadcast_in_dim3A_1807 : vector<16x1xi32> to vector<16xi32>
      %gather3A_1809 = tpu.dynamic_gather %select_n3A_573[%gather3A_1808] in [0] : vector<16xf32>, vector<16xi32> -> vector<16xf32>
      %broadcast_in_dim3A_1810 = arith.constant 3 : i32
      %broadcast_in_dim3A_1811 = vector.broadcast %broadcast_in_dim3A_1810 : i32 to vector<16xi32>
      %lt3A_1812 = arith.constant 0 : i32
      %lt3A_1813 = vector.broadcast %lt3A_1812 : i32 to vector<16xi32>
      %lt3A_1814 = arith.cmpi slt, %broadcast_in_dim3A_1811, %lt3A_1813 : vector<16xi32>
      %add3A_1815 = arith.constant 16 : i32
      %add3A_1816 = vector.broadcast %add3A_1815 : i32 to vector<16xi32>
      %add3A_1817 = arith.addi %broadcast_in_dim3A_1811, %add3A_1816 : vector<16xi32>
      %select_n3A_1818 = arith.select %lt3A_1814, %add3A_1817, %broadcast_in_dim3A_1811 : vector<16xi1>, vector<16xi32>
      %broadcast_in_dim3A_1819 = vector.shape_cast %select_n3A_1818 : vector<16xi32> to vector<16x1xi32>
      %gather3A_1820 = vector.shape_cast %broadcast_in_dim3A_1819 : vector<16x1xi32> to vector<16xi32>
      %gather3A_1821 = tpu.dynamic_gather %get3A_10[%gather3A_1820] in [0] : vector<16xi32>, vector<16xi32> -> vector<16xi32>
      %gt3A_1822 = arith.cmpf ogt, %gather3A_1797, %get3A_12 : vector<16xf32>
      %gt3A_1823 = arith.cmpf ogt, %gather3A_1797, %select_n3A : vector<16xf32>
      %eq3A_1824 = arith.cmpf oeq, %gather3A_1797, %select_n3A : vector<16xf32>
      %gt3A_1825 = arith.constant 3 : i32
      %gt3A_1826 = vector.broadcast %gt3A_1825 : i32 to vector<16xi32>
      %gt3A_1827 = arith.cmpi sgt, %iota3A, %gt3A_1826 : vector<16xi32>
      %and3A_1828 = arith.andi %eq3A_1824, %gt3A_1827 : vector<16xi1>
      %or3A_1829 = arith.ori %gt3A_1823, %and3A_1828 : vector<16xi1>
      %convert_element_type3A_1830 = arith.extui %gt3A_1822 : vector<16xi1> to vector<16xi32>
      %add3A_1831 = arith.addi %add3A_1769, %convert_element_type3A_1830 : vector<16xi32>
      %convert_element_type3A_1832 = arith.extui %or3A_1829 : vector<16xi1> to vector<16xi32>
      %add3A_1833 = arith.addi %add3A_1771, %convert_element_type3A_1832 : vector<16xi32>
      %gt3A_1834 = arith.cmpf ogt, %gather3A_1809, %select_n3A_572 : vector<16xf32>
      %eq3A_1835 = arith.cmpf oeq, %gather3A_1809, %select_n3A_572 : vector<16xf32>
      %lt3A_1836 = arith.cmpi slt, %gather3A_1821, %get3A_8 : vector<16xi32>
      %and3A_1837 = arith.andi %eq3A_1835, %lt3A_1836 : vector<16xi1>
      %or3A_1838 = arith.ori %gt3A_1834, %and3A_1837 : vector<16xi1>
      %gt3A_1839 = arith.cmpf ogt, %gather3A_1809, %select_n3A_573 : vector<16xf32>
      %eq3A_1840 = arith.cmpf oeq, %gather3A_1809, %select_n3A_573 : vector<16xf32>
      %lt3A_1841 = arith.cmpi slt, %gather3A_1821, %get3A_10 : vector<16xi32>
      %and3A_1842 = arith.andi %eq3A_1840, %lt3A_1841 : vector<16xi1>
      %or3A_1843 = arith.ori %gt3A_1839, %and3A_1842 : vector<16xi1>
      %convert_element_type3A_1844 = arith.extui %or3A_1838 : vector<16xi1> to vector<16xi32>
      %add3A_1845 = arith.addi %add3A_1783, %convert_element_type3A_1844 : vector<16xi32>
      %convert_element_type3A_1846 = arith.extui %or3A_1843 : vector<16xi1> to vector<16xi32>
      %add3A_1847 = arith.addi %add3A_1785, %convert_element_type3A_1846 : vector<16xi32>
      %broadcast_in_dim3A_1848 = arith.constant 4 : i32
      %broadcast_in_dim3A_1849 = vector.broadcast %broadcast_in_dim3A_1848 : i32 to vector<16xi32>
      %lt3A_1850 = arith.constant 0 : i32
      %lt3A_1851 = vector.broadcast %lt3A_1850 : i32 to vector<16xi32>
      %lt3A_1852 = arith.cmpi slt, %broadcast_in_dim3A_1849, %lt3A_1851 : vector<16xi32>
      %add3A_1853 = arith.constant 16 : i32
      %add3A_1854 = vector.broadcast %add3A_1853 : i32 to vector<16xi32>
      %add3A_1855 = arith.addi %broadcast_in_dim3A_1849, %add3A_1854 : vector<16xi32>
      %select_n3A_1856 = arith.select %lt3A_1852, %add3A_1855, %broadcast_in_dim3A_1849 : vector<16xi1>, vector<16xi32>
      %broadcast_in_dim3A_1857 = vector.shape_cast %select_n3A_1856 : vector<16xi32> to vector<16x1xi32>
      %gather3A_1858 = vector.shape_cast %broadcast_in_dim3A_1857 : vector<16x1xi32> to vector<16xi32>
      %gather3A_1859 = tpu.dynamic_gather %select_n3A[%gather3A_1858] in [0] : vector<16xf32>, vector<16xi32> -> vector<16xf32>
      %broadcast_in_dim3A_1860 = arith.constant 4 : i32
      %broadcast_in_dim3A_1861 = vector.broadcast %broadcast_in_dim3A_1860 : i32 to vector<16xi32>
      %lt3A_1862 = arith.constant 0 : i32
      %lt3A_1863 = vector.broadcast %lt3A_1862 : i32 to vector<16xi32>
      %lt3A_1864 = arith.cmpi slt, %broadcast_in_dim3A_1861, %lt3A_1863 : vector<16xi32>
      %add3A_1865 = arith.constant 16 : i32
      %add3A_1866 = vector.broadcast %add3A_1865 : i32 to vector<16xi32>
      %add3A_1867 = arith.addi %broadcast_in_dim3A_1861, %add3A_1866 : vector<16xi32>
      %select_n3A_1868 = arith.select %lt3A_1864, %add3A_1867, %broadcast_in_dim3A_1861 : vector<16xi1>, vector<16xi32>
      %broadcast_in_dim3A_1869 = vector.shape_cast %select_n3A_1868 : vector<16xi32> to vector<16x1xi32>
      %gather3A_1870 = vector.shape_cast %broadcast_in_dim3A_1869 : vector<16x1xi32> to vector<16xi32>
      %gather3A_1871 = tpu.dynamic_gather %select_n3A_573[%gather3A_1870] in [0] : vector<16xf32>, vector<16xi32> -> vector<16xf32>
      %broadcast_in_dim3A_1872 = arith.constant 4 : i32
      %broadcast_in_dim3A_1873 = vector.broadcast %broadcast_in_dim3A_1872 : i32 to vector<16xi32>
      %lt3A_1874 = arith.constant 0 : i32
      %lt3A_1875 = vector.broadcast %lt3A_1874 : i32 to vector<16xi32>
      %lt3A_1876 = arith.cmpi slt, %broadcast_in_dim3A_1873, %lt3A_1875 : vector<16xi32>
      %add3A_1877 = arith.constant 16 : i32
      %add3A_1878 = vector.broadcast %add3A_1877 : i32 to vector<16xi32>
      %add3A_1879 = arith.addi %broadcast_in_dim3A_1873, %add3A_1878 : vector<16xi32>
      %select_n3A_1880 = arith.select %lt3A_1876, %add3A_1879, %broadcast_in_dim3A_1873 : vector<16xi1>, vector<16xi32>
      %broadcast_in_dim3A_1881 = vector.shape_cast %select_n3A_1880 : vector<16xi32> to vector<16x1xi32>
      %gather3A_1882 = vector.shape_cast %broadcast_in_dim3A_1881 : vector<16x1xi32> to vector<16xi32>
      %gather3A_1883 = tpu.dynamic_gather %get3A_10[%gather3A_1882] in [0] : vector<16xi32>, vector<16xi32> -> vector<16xi32>
      %gt3A_1884 = arith.cmpf ogt, %gather3A_1859, %get3A_12 : vector<16xf32>
      %gt3A_1885 = arith.cmpf ogt, %gather3A_1859, %select_n3A : vector<16xf32>
      %eq3A_1886 = arith.cmpf oeq, %gather3A_1859, %select_n3A : vector<16xf32>
      %gt3A_1887 = arith.constant 4 : i32
      %gt3A_1888 = vector.broadcast %gt3A_1887 : i32 to vector<16xi32>
      %gt3A_1889 = arith.cmpi sgt, %iota3A, %gt3A_1888 : vector<16xi32>
      %and3A_1890 = arith.andi %eq3A_1886, %gt3A_1889 : vector<16xi1>
      %or3A_1891 = arith.ori %gt3A_1885, %and3A_1890 : vector<16xi1>
      %convert_element_type3A_1892 = arith.extui %gt3A_1884 : vector<16xi1> to vector<16xi32>
      %add3A_1893 = arith.addi %add3A_1831, %convert_element_type3A_1892 : vector<16xi32>
      %convert_element_type3A_1894 = arith.extui %or3A_1891 : vector<16xi1> to vector<16xi32>
      %add3A_1895 = arith.addi %add3A_1833, %convert_element_type3A_1894 : vector<16xi32>
      %gt3A_1896 = arith.cmpf ogt, %gather3A_1871, %select_n3A_572 : vector<16xf32>
      %eq3A_1897 = arith.cmpf oeq, %gather3A_1871, %select_n3A_572 : vector<16xf32>
      %lt3A_1898 = arith.cmpi slt, %gather3A_1883, %get3A_8 : vector<16xi32>
      %and3A_1899 = arith.andi %eq3A_1897, %lt3A_1898 : vector<16xi1>
      %or3A_1900 = arith.ori %gt3A_1896, %and3A_1899 : vector<16xi1>
      %gt3A_1901 = arith.cmpf ogt, %gather3A_1871, %select_n3A_573 : vector<16xf32>
      %eq3A_1902 = arith.cmpf oeq, %gather3A_1871, %select_n3A_573 : vector<16xf32>
      %lt3A_1903 = arith.cmpi slt, %gather3A_1883, %get3A_10 : vector<16xi32>
      %and3A_1904 = arith.andi %eq3A_1902, %lt3A_1903 : vector<16xi1>
      %or3A_1905 = arith.ori %gt3A_1901, %and3A_1904 : vector<16xi1>
      %convert_element_type3A_1906 = arith.extui %or3A_1900 : vector<16xi1> to vector<16xi32>
      %add3A_1907 = arith.addi %add3A_1845, %convert_element_type3A_1906 : vector<16xi32>
      %convert_element_type3A_1908 = arith.extui %or3A_1905 : vector<16xi1> to vector<16xi32>
      %add3A_1909 = arith.addi %add3A_1847, %convert_element_type3A_1908 : vector<16xi32>
      %broadcast_in_dim3A_1910 = arith.constant 5 : i32
      %broadcast_in_dim3A_1911 = vector.broadcast %broadcast_in_dim3A_1910 : i32 to vector<16xi32>
      %lt3A_1912 = arith.constant 0 : i32
      %lt3A_1913 = vector.broadcast %lt3A_1912 : i32 to vector<16xi32>
      %lt3A_1914 = arith.cmpi slt, %broadcast_in_dim3A_1911, %lt3A_1913 : vector<16xi32>
      %add3A_1915 = arith.constant 16 : i32
      %add3A_1916 = vector.broadcast %add3A_1915 : i32 to vector<16xi32>
      %add3A_1917 = arith.addi %broadcast_in_dim3A_1911, %add3A_1916 : vector<16xi32>
      %select_n3A_1918 = arith.select %lt3A_1914, %add3A_1917, %broadcast_in_dim3A_1911 : vector<16xi1>, vector<16xi32>
      %broadcast_in_dim3A_1919 = vector.shape_cast %select_n3A_1918 : vector<16xi32> to vector<16x1xi32>
      %gather3A_1920 = vector.shape_cast %broadcast_in_dim3A_1919 : vector<16x1xi32> to vector<16xi32>
      %gather3A_1921 = tpu.dynamic_gather %select_n3A[%gather3A_1920] in [0] : vector<16xf32>, vector<16xi32> -> vector<16xf32>
      %broadcast_in_dim3A_1922 = arith.constant 5 : i32
      %broadcast_in_dim3A_1923 = vector.broadcast %broadcast_in_dim3A_1922 : i32 to vector<16xi32>
      %lt3A_1924 = arith.constant 0 : i32
      %lt3A_1925 = vector.broadcast %lt3A_1924 : i32 to vector<16xi32>
      %lt3A_1926 = arith.cmpi slt, %broadcast_in_dim3A_1923, %lt3A_1925 : vector<16xi32>
      %add3A_1927 = arith.constant 16 : i32
      %add3A_1928 = vector.broadcast %add3A_1927 : i32 to vector<16xi32>
      %add3A_1929 = arith.addi %broadcast_in_dim3A_1923, %add3A_1928 : vector<16xi32>
      %select_n3A_1930 = arith.select %lt3A_1926, %add3A_1929, %broadcast_in_dim3A_1923 : vector<16xi1>, vector<16xi32>
      %broadcast_in_dim3A_1931 = vector.shape_cast %select_n3A_1930 : vector<16xi32> to vector<16x1xi32>
      %gather3A_1932 = vector.shape_cast %broadcast_in_dim3A_1931 : vector<16x1xi32> to vector<16xi32>
      %gather3A_1933 = tpu.dynamic_gather %select_n3A_573[%gather3A_1932] in [0] : vector<16xf32>, vector<16xi32> -> vector<16xf32>
      %broadcast_in_dim3A_1934 = arith.constant 5 : i32
      %broadcast_in_dim3A_1935 = vector.broadcast %broadcast_in_dim3A_1934 : i32 to vector<16xi32>
      %lt3A_1936 = arith.constant 0 : i32
      %lt3A_1937 = vector.broadcast %lt3A_1936 : i32 to vector<16xi32>
      %lt3A_1938 = arith.cmpi slt, %broadcast_in_dim3A_1935, %lt3A_1937 : vector<16xi32>
      %add3A_1939 = arith.constant 16 : i32
      %add3A_1940 = vector.broadcast %add3A_1939 : i32 to vector<16xi32>
      %add3A_1941 = arith.addi %broadcast_in_dim3A_1935, %add3A_1940 : vector<16xi32>
      %select_n3A_1942 = arith.select %lt3A_1938, %add3A_1941, %broadcast_in_dim3A_1935 : vector<16xi1>, vector<16xi32>
      %broadcast_in_dim3A_1943 = vector.shape_cast %select_n3A_1942 : vector<16xi32> to vector<16x1xi32>
      %gather3A_1944 = vector.shape_cast %broadcast_in_dim3A_1943 : vector<16x1xi32> to vector<16xi32>
      %gather3A_1945 = tpu.dynamic_gather %get3A_10[%gather3A_1944] in [0] : vector<16xi32>, vector<16xi32> -> vector<16xi32>
      %gt3A_1946 = arith.cmpf ogt, %gather3A_1921, %get3A_12 : vector<16xf32>
      %gt3A_1947 = arith.cmpf ogt, %gather3A_1921, %select_n3A : vector<16xf32>
      %eq3A_1948 = arith.cmpf oeq, %gather3A_1921, %select_n3A : vector<16xf32>
      %gt3A_1949 = arith.constant 5 : i32
      %gt3A_1950 = vector.broadcast %gt3A_1949 : i32 to vector<16xi32>
      %gt3A_1951 = arith.cmpi sgt, %iota3A, %gt3A_1950 : vector<16xi32>
      %and3A_1952 = arith.andi %eq3A_1948, %gt3A_1951 : vector<16xi1>
      %or3A_1953 = arith.ori %gt3A_1947, %and3A_1952 : vector<16xi1>
      %convert_element_type3A_1954 = arith.extui %gt3A_1946 : vector<16xi1> to vector<16xi32>
      %add3A_1955 = arith.addi %add3A_1893, %convert_element_type3A_1954 : vector<16xi32>
      %convert_element_type3A_1956 = arith.extui %or3A_1953 : vector<16xi1> to vector<16xi32>
      %add3A_1957 = arith.addi %add3A_1895, %convert_element_type3A_1956 : vector<16xi32>
      %gt3A_1958 = arith.cmpf ogt, %gather3A_1933, %select_n3A_572 : vector<16xf32>
      %eq3A_1959 = arith.cmpf oeq, %gather3A_1933, %select_n3A_572 : vector<16xf32>
      %lt3A_1960 = arith.cmpi slt, %gather3A_1945, %get3A_8 : vector<16xi32>
      %and3A_1961 = arith.andi %eq3A_1959, %lt3A_1960 : vector<16xi1>
      %or3A_1962 = arith.ori %gt3A_1958, %and3A_1961 : vector<16xi1>
      %gt3A_1963 = arith.cmpf ogt, %gather3A_1933, %select_n3A_573 : vector<16xf32>
      %eq3A_1964 = arith.cmpf oeq, %gather3A_1933, %select_n3A_573 : vector<16xf32>
      %lt3A_1965 = arith.cmpi slt, %gather3A_1945, %get3A_10 : vector<16xi32>
      %and3A_1966 = arith.andi %eq3A_1964, %lt3A_1965 : vector<16xi1>
      %or3A_1967 = arith.ori %gt3A_1963, %and3A_1966 : vector<16xi1>
      %convert_element_type3A_1968 = arith.extui %or3A_1962 : vector<16xi1> to vector<16xi32>
      %add3A_1969 = arith.addi %add3A_1907, %convert_element_type3A_1968 : vector<16xi32>
      %convert_element_type3A_1970 = arith.extui %or3A_1967 : vector<16xi1> to vector<16xi32>
      %add3A_1971 = arith.addi %add3A_1909, %convert_element_type3A_1970 : vector<16xi32>
      %broadcast_in_dim3A_1972 = arith.constant 6 : i32
      %broadcast_in_dim3A_1973 = vector.broadcast %broadcast_in_dim3A_1972 : i32 to vector<16xi32>
      %lt3A_1974 = arith.constant 0 : i32
      %lt3A_1975 = vector.broadcast %lt3A_1974 : i32 to vector<16xi32>
      %lt3A_1976 = arith.cmpi slt, %broadcast_in_dim3A_1973, %lt3A_1975 : vector<16xi32>
      %add3A_1977 = arith.constant 16 : i32
      %add3A_1978 = vector.broadcast %add3A_1977 : i32 to vector<16xi32>
      %add3A_1979 = arith.addi %broadcast_in_dim3A_1973, %add3A_1978 : vector<16xi32>
      %select_n3A_1980 = arith.select %lt3A_1976, %add3A_1979, %broadcast_in_dim3A_1973 : vector<16xi1>, vector<16xi32>
      %broadcast_in_dim3A_1981 = vector.shape_cast %select_n3A_1980 : vector<16xi32> to vector<16x1xi32>
      %gather3A_1982 = vector.shape_cast %broadcast_in_dim3A_1981 : vector<16x1xi32> to vector<16xi32>
      %gather3A_1983 = tpu.dynamic_gather %select_n3A[%gather3A_1982] in [0] : vector<16xf32>, vector<16xi32> -> vector<16xf32>
      %broadcast_in_dim3A_1984 = arith.constant 6 : i32
      %broadcast_in_dim3A_1985 = vector.broadcast %broadcast_in_dim3A_1984 : i32 to vector<16xi32>
      %lt3A_1986 = arith.constant 0 : i32
      %lt3A_1987 = vector.broadcast %lt3A_1986 : i32 to vector<16xi32>
      %lt3A_1988 = arith.cmpi slt, %broadcast_in_dim3A_1985, %lt3A_1987 : vector<16xi32>
      %add3A_1989 = arith.constant 16 : i32
      %add3A_1990 = vector.broadcast %add3A_1989 : i32 to vector<16xi32>
      %add3A_1991 = arith.addi %broadcast_in_dim3A_1985, %add3A_1990 : vector<16xi32>
      %select_n3A_1992 = arith.select %lt3A_1988, %add3A_1991, %broadcast_in_dim3A_1985 : vector<16xi1>, vector<16xi32>
      %broadcast_in_dim3A_1993 = vector.shape_cast %select_n3A_1992 : vector<16xi32> to vector<16x1xi32>
      %gather3A_1994 = vector.shape_cast %broadcast_in_dim3A_1993 : vector<16x1xi32> to vector<16xi32>
      %gather3A_1995 = tpu.dynamic_gather %select_n3A_573[%gather3A_1994] in [0] : vector<16xf32>, vector<16xi32> -> vector<16xf32>
      %broadcast_in_dim3A_1996 = arith.constant 6 : i32
      %broadcast_in_dim3A_1997 = vector.broadcast %broadcast_in_dim3A_1996 : i32 to vector<16xi32>
      %lt3A_1998 = arith.constant 0 : i32
      %lt3A_1999 = vector.broadcast %lt3A_1998 : i32 to vector<16xi32>
      %lt3A_2000 = arith.cmpi slt, %broadcast_in_dim3A_1997, %lt3A_1999 : vector<16xi32>
      %add3A_2001 = arith.constant 16 : i32
      %add3A_2002 = vector.broadcast %add3A_2001 : i32 to vector<16xi32>
      %add3A_2003 = arith.addi %broadcast_in_dim3A_1997, %add3A_2002 : vector<16xi32>
      %select_n3A_2004 = arith.select %lt3A_2000, %add3A_2003, %broadcast_in_dim3A_1997 : vector<16xi1>, vector<16xi32>
      %broadcast_in_dim3A_2005 = vector.shape_cast %select_n3A_2004 : vector<16xi32> to vector<16x1xi32>
      %gather3A_2006 = vector.shape_cast %broadcast_in_dim3A_2005 : vector<16x1xi32> to vector<16xi32>
      %gather3A_2007 = tpu.dynamic_gather %get3A_10[%gather3A_2006] in [0] : vector<16xi32>, vector<16xi32> -> vector<16xi32>
      %gt3A_2008 = arith.cmpf ogt, %gather3A_1983, %get3A_12 : vector<16xf32>
      %gt3A_2009 = arith.cmpf ogt, %gather3A_1983, %select_n3A : vector<16xf32>
      %eq3A_2010 = arith.cmpf oeq, %gather3A_1983, %select_n3A : vector<16xf32>
      %gt3A_2011 = arith.constant 6 : i32
      %gt3A_2012 = vector.broadcast %gt3A_2011 : i32 to vector<16xi32>
      %gt3A_2013 = arith.cmpi sgt, %iota3A, %gt3A_2012 : vector<16xi32>
      %and3A_2014 = arith.andi %eq3A_2010, %gt3A_2013 : vector<16xi1>
      %or3A_2015 = arith.ori %gt3A_2009, %and3A_2014 : vector<16xi1>
      %convert_element_type3A_2016 = arith.extui %gt3A_2008 : vector<16xi1> to vector<16xi32>
      %add3A_2017 = arith.addi %add3A_1955, %convert_element_type3A_2016 : vector<16xi32>
      %convert_element_type3A_2018 = arith.extui %or3A_2015 : vector<16xi1> to vector<16xi32>
      %add3A_2019 = arith.addi %add3A_1957, %convert_element_type3A_2018 : vector<16xi32>
      %gt3A_2020 = arith.cmpf ogt, %gather3A_1995, %select_n3A_572 : vector<16xf32>
      %eq3A_2021 = arith.cmpf oeq, %gather3A_1995, %select_n3A_572 : vector<16xf32>
      %lt3A_2022 = arith.cmpi slt, %gather3A_2007, %get3A_8 : vector<16xi32>
      %and3A_2023 = arith.andi %eq3A_2021, %lt3A_2022 : vector<16xi1>
      %or3A_2024 = arith.ori %gt3A_2020, %and3A_2023 : vector<16xi1>
      %gt3A_2025 = arith.cmpf ogt, %gather3A_1995, %select_n3A_573 : vector<16xf32>
      %eq3A_2026 = arith.cmpf oeq, %gather3A_1995, %select_n3A_573 : vector<16xf32>
      %lt3A_2027 = arith.cmpi slt, %gather3A_2007, %get3A_10 : vector<16xi32>
      %and3A_2028 = arith.andi %eq3A_2026, %lt3A_2027 : vector<16xi1>
      %or3A_2029 = arith.ori %gt3A_2025, %and3A_2028 : vector<16xi1>
      %convert_element_type3A_2030 = arith.extui %or3A_2024 : vector<16xi1> to vector<16xi32>
      %add3A_2031 = arith.addi %add3A_1969, %convert_element_type3A_2030 : vector<16xi32>
      %convert_element_type3A_2032 = arith.extui %or3A_2029 : vector<16xi1> to vector<16xi32>
      %add3A_2033 = arith.addi %add3A_1971, %convert_element_type3A_2032 : vector<16xi32>
      %broadcast_in_dim3A_2034 = arith.constant 7 : i32
      %broadcast_in_dim3A_2035 = vector.broadcast %broadcast_in_dim3A_2034 : i32 to vector<16xi32>
      %lt3A_2036 = arith.constant 0 : i32
      %lt3A_2037 = vector.broadcast %lt3A_2036 : i32 to vector<16xi32>
      %lt3A_2038 = arith.cmpi slt, %broadcast_in_dim3A_2035, %lt3A_2037 : vector<16xi32>
      %add3A_2039 = arith.constant 16 : i32
      %add3A_2040 = vector.broadcast %add3A_2039 : i32 to vector<16xi32>
      %add3A_2041 = arith.addi %broadcast_in_dim3A_2035, %add3A_2040 : vector<16xi32>
      %select_n3A_2042 = arith.select %lt3A_2038, %add3A_2041, %broadcast_in_dim3A_2035 : vector<16xi1>, vector<16xi32>
      %broadcast_in_dim3A_2043 = vector.shape_cast %select_n3A_2042 : vector<16xi32> to vector<16x1xi32>
      %gather3A_2044 = vector.shape_cast %broadcast_in_dim3A_2043 : vector<16x1xi32> to vector<16xi32>
      %gather3A_2045 = tpu.dynamic_gather %select_n3A[%gather3A_2044] in [0] : vector<16xf32>, vector<16xi32> -> vector<16xf32>
      %broadcast_in_dim3A_2046 = arith.constant 7 : i32
      %broadcast_in_dim3A_2047 = vector.broadcast %broadcast_in_dim3A_2046 : i32 to vector<16xi32>
      %lt3A_2048 = arith.constant 0 : i32
      %lt3A_2049 = vector.broadcast %lt3A_2048 : i32 to vector<16xi32>
      %lt3A_2050 = arith.cmpi slt, %broadcast_in_dim3A_2047, %lt3A_2049 : vector<16xi32>
      %add3A_2051 = arith.constant 16 : i32
      %add3A_2052 = vector.broadcast %add3A_2051 : i32 to vector<16xi32>
      %add3A_2053 = arith.addi %broadcast_in_dim3A_2047, %add3A_2052 : vector<16xi32>
      %select_n3A_2054 = arith.select %lt3A_2050, %add3A_2053, %broadcast_in_dim3A_2047 : vector<16xi1>, vector<16xi32>
      %broadcast_in_dim3A_2055 = vector.shape_cast %select_n3A_2054 : vector<16xi32> to vector<16x1xi32>
      %gather3A_2056 = vector.shape_cast %broadcast_in_dim3A_2055 : vector<16x1xi32> to vector<16xi32>
      %gather3A_2057 = tpu.dynamic_gather %select_n3A_573[%gather3A_2056] in [0] : vector<16xf32>, vector<16xi32> -> vector<16xf32>
      %broadcast_in_dim3A_2058 = arith.constant 7 : i32
      %broadcast_in_dim3A_2059 = vector.broadcast %broadcast_in_dim3A_2058 : i32 to vector<16xi32>
      %lt3A_2060 = arith.constant 0 : i32
      %lt3A_2061 = vector.broadcast %lt3A_2060 : i32 to vector<16xi32>
      %lt3A_2062 = arith.cmpi slt, %broadcast_in_dim3A_2059, %lt3A_2061 : vector<16xi32>
      %add3A_2063 = arith.constant 16 : i32
      %add3A_2064 = vector.broadcast %add3A_2063 : i32 to vector<16xi32>
      %add3A_2065 = arith.addi %broadcast_in_dim3A_2059, %add3A_2064 : vector<16xi32>
      %select_n3A_2066 = arith.select %lt3A_2062, %add3A_2065, %broadcast_in_dim3A_2059 : vector<16xi1>, vector<16xi32>
      %broadcast_in_dim3A_2067 = vector.shape_cast %select_n3A_2066 : vector<16xi32> to vector<16x1xi32>
      %gather3A_2068 = vector.shape_cast %broadcast_in_dim3A_2067 : vector<16x1xi32> to vector<16xi32>
      %gather3A_2069 = tpu.dynamic_gather %get3A_10[%gather3A_2068] in [0] : vector<16xi32>, vector<16xi32> -> vector<16xi32>
      %gt3A_2070 = arith.cmpf ogt, %gather3A_2045, %get3A_12 : vector<16xf32>
      %gt3A_2071 = arith.cmpf ogt, %gather3A_2045, %select_n3A : vector<16xf32>
      %eq3A_2072 = arith.cmpf oeq, %gather3A_2045, %select_n3A : vector<16xf32>
      %gt3A_2073 = arith.constant 7 : i32
      %gt3A_2074 = vector.broadcast %gt3A_2073 : i32 to vector<16xi32>
      %gt3A_2075 = arith.cmpi sgt, %iota3A, %gt3A_2074 : vector<16xi32>
      %and3A_2076 = arith.andi %eq3A_2072, %gt3A_2075 : vector<16xi1>
      %or3A_2077 = arith.ori %gt3A_2071, %and3A_2076 : vector<16xi1>
      %convert_element_type3A_2078 = arith.extui %gt3A_2070 : vector<16xi1> to vector<16xi32>
      %add3A_2079 = arith.addi %add3A_2017, %convert_element_type3A_2078 : vector<16xi32>
      %convert_element_type3A_2080 = arith.extui %or3A_2077 : vector<16xi1> to vector<16xi32>
      %add3A_2081 = arith.addi %add3A_2019, %convert_element_type3A_2080 : vector<16xi32>
      %gt3A_2082 = arith.cmpf ogt, %gather3A_2057, %select_n3A_572 : vector<16xf32>
      %eq3A_2083 = arith.cmpf oeq, %gather3A_2057, %select_n3A_572 : vector<16xf32>
      %lt3A_2084 = arith.cmpi slt, %gather3A_2069, %get3A_8 : vector<16xi32>
      %and3A_2085 = arith.andi %eq3A_2083, %lt3A_2084 : vector<16xi1>
      %or3A_2086 = arith.ori %gt3A_2082, %and3A_2085 : vector<16xi1>
      %gt3A_2087 = arith.cmpf ogt, %gather3A_2057, %select_n3A_573 : vector<16xf32>
      %eq3A_2088 = arith.cmpf oeq, %gather3A_2057, %select_n3A_573 : vector<16xf32>
      %lt3A_2089 = arith.cmpi slt, %gather3A_2069, %get3A_10 : vector<16xi32>
      %and3A_2090 = arith.andi %eq3A_2088, %lt3A_2089 : vector<16xi1>
      %or3A_2091 = arith.ori %gt3A_2087, %and3A_2090 : vector<16xi1>
      %convert_element_type3A_2092 = arith.extui %or3A_2086 : vector<16xi1> to vector<16xi32>
      %add3A_2093 = arith.addi %add3A_2031, %convert_element_type3A_2092 : vector<16xi32>
      %convert_element_type3A_2094 = arith.extui %or3A_2091 : vector<16xi1> to vector<16xi32>
      %add3A_2095 = arith.addi %add3A_2033, %convert_element_type3A_2094 : vector<16xi32>
      %broadcast_in_dim3A_2096 = arith.constant 8 : i32
      %broadcast_in_dim3A_2097 = vector.broadcast %broadcast_in_dim3A_2096 : i32 to vector<16xi32>
      %lt3A_2098 = arith.constant 0 : i32
      %lt3A_2099 = vector.broadcast %lt3A_2098 : i32 to vector<16xi32>
      %lt3A_2100 = arith.cmpi slt, %broadcast_in_dim3A_2097, %lt3A_2099 : vector<16xi32>
      %add3A_2101 = arith.constant 16 : i32
      %add3A_2102 = vector.broadcast %add3A_2101 : i32 to vector<16xi32>
      %add3A_2103 = arith.addi %broadcast_in_dim3A_2097, %add3A_2102 : vector<16xi32>
      %select_n3A_2104 = arith.select %lt3A_2100, %add3A_2103, %broadcast_in_dim3A_2097 : vector<16xi1>, vector<16xi32>
      %broadcast_in_dim3A_2105 = vector.shape_cast %select_n3A_2104 : vector<16xi32> to vector<16x1xi32>
      %gather3A_2106 = vector.shape_cast %broadcast_in_dim3A_2105 : vector<16x1xi32> to vector<16xi32>
      %gather3A_2107 = tpu.dynamic_gather %select_n3A[%gather3A_2106] in [0] : vector<16xf32>, vector<16xi32> -> vector<16xf32>
      %broadcast_in_dim3A_2108 = arith.constant 8 : i32
      %broadcast_in_dim3A_2109 = vector.broadcast %broadcast_in_dim3A_2108 : i32 to vector<16xi32>
      %lt3A_2110 = arith.constant 0 : i32
      %lt3A_2111 = vector.broadcast %lt3A_2110 : i32 to vector<16xi32>
      %lt3A_2112 = arith.cmpi slt, %broadcast_in_dim3A_2109, %lt3A_2111 : vector<16xi32>
      %add3A_2113 = arith.constant 16 : i32
      %add3A_2114 = vector.broadcast %add3A_2113 : i32 to vector<16xi32>
      %add3A_2115 = arith.addi %broadcast_in_dim3A_2109, %add3A_2114 : vector<16xi32>
      %select_n3A_2116 = arith.select %lt3A_2112, %add3A_2115, %broadcast_in_dim3A_2109 : vector<16xi1>, vector<16xi32>
      %broadcast_in_dim3A_2117 = vector.shape_cast %select_n3A_2116 : vector<16xi32> to vector<16x1xi32>
      %gather3A_2118 = vector.shape_cast %broadcast_in_dim3A_2117 : vector<16x1xi32> to vector<16xi32>
      %gather3A_2119 = tpu.dynamic_gather %select_n3A_573[%gather3A_2118] in [0] : vector<16xf32>, vector<16xi32> -> vector<16xf32>
      %broadcast_in_dim3A_2120 = arith.constant 8 : i32
      %broadcast_in_dim3A_2121 = vector.broadcast %broadcast_in_dim3A_2120 : i32 to vector<16xi32>
      %lt3A_2122 = arith.constant 0 : i32
      %lt3A_2123 = vector.broadcast %lt3A_2122 : i32 to vector<16xi32>
      %lt3A_2124 = arith.cmpi slt, %broadcast_in_dim3A_2121, %lt3A_2123 : vector<16xi32>
      %add3A_2125 = arith.constant 16 : i32
      %add3A_2126 = vector.broadcast %add3A_2125 : i32 to vector<16xi32>
      %add3A_2127 = arith.addi %broadcast_in_dim3A_2121, %add3A_2126 : vector<16xi32>
      %select_n3A_2128 = arith.select %lt3A_2124, %add3A_2127, %broadcast_in_dim3A_2121 : vector<16xi1>, vector<16xi32>
      %broadcast_in_dim3A_2129 = vector.shape_cast %select_n3A_2128 : vector<16xi32> to vector<16x1xi32>
      %gather3A_2130 = vector.shape_cast %broadcast_in_dim3A_2129 : vector<16x1xi32> to vector<16xi32>
      %gather3A_2131 = tpu.dynamic_gather %get3A_10[%gather3A_2130] in [0] : vector<16xi32>, vector<16xi32> -> vector<16xi32>
      %gt3A_2132 = arith.cmpf ogt, %gather3A_2107, %get3A_12 : vector<16xf32>
      %gt3A_2133 = arith.cmpf ogt, %gather3A_2107, %select_n3A : vector<16xf32>
      %eq3A_2134 = arith.cmpf oeq, %gather3A_2107, %select_n3A : vector<16xf32>
      %gt3A_2135 = arith.constant 8 : i32
      %gt3A_2136 = vector.broadcast %gt3A_2135 : i32 to vector<16xi32>
      %gt3A_2137 = arith.cmpi sgt, %iota3A, %gt3A_2136 : vector<16xi32>
      %and3A_2138 = arith.andi %eq3A_2134, %gt3A_2137 : vector<16xi1>
      %or3A_2139 = arith.ori %gt3A_2133, %and3A_2138 : vector<16xi1>
      %convert_element_type3A_2140 = arith.extui %gt3A_2132 : vector<16xi1> to vector<16xi32>
      %add3A_2141 = arith.addi %add3A_2079, %convert_element_type3A_2140 : vector<16xi32>
      %convert_element_type3A_2142 = arith.extui %or3A_2139 : vector<16xi1> to vector<16xi32>
      %add3A_2143 = arith.addi %add3A_2081, %convert_element_type3A_2142 : vector<16xi32>
      %gt3A_2144 = arith.cmpf ogt, %gather3A_2119, %select_n3A_572 : vector<16xf32>
      %eq3A_2145 = arith.cmpf oeq, %gather3A_2119, %select_n3A_572 : vector<16xf32>
      %lt3A_2146 = arith.cmpi slt, %gather3A_2131, %get3A_8 : vector<16xi32>
      %and3A_2147 = arith.andi %eq3A_2145, %lt3A_2146 : vector<16xi1>
      %or3A_2148 = arith.ori %gt3A_2144, %and3A_2147 : vector<16xi1>
      %gt3A_2149 = arith.cmpf ogt, %gather3A_2119, %select_n3A_573 : vector<16xf32>
      %eq3A_2150 = arith.cmpf oeq, %gather3A_2119, %select_n3A_573 : vector<16xf32>
      %lt3A_2151 = arith.cmpi slt, %gather3A_2131, %get3A_10 : vector<16xi32>
      %and3A_2152 = arith.andi %eq3A_2150, %lt3A_2151 : vector<16xi1>
      %or3A_2153 = arith.ori %gt3A_2149, %and3A_2152 : vector<16xi1>
      %convert_element_type3A_2154 = arith.extui %or3A_2148 : vector<16xi1> to vector<16xi32>
      %add3A_2155 = arith.addi %add3A_2093, %convert_element_type3A_2154 : vector<16xi32>
      %convert_element_type3A_2156 = arith.extui %or3A_2153 : vector<16xi1> to vector<16xi32>
      %add3A_2157 = arith.addi %add3A_2095, %convert_element_type3A_2156 : vector<16xi32>
      %broadcast_in_dim3A_2158 = arith.constant 9 : i32
      %broadcast_in_dim3A_2159 = vector.broadcast %broadcast_in_dim3A_2158 : i32 to vector<16xi32>
      %lt3A_2160 = arith.constant 0 : i32
      %lt3A_2161 = vector.broadcast %lt3A_2160 : i32 to vector<16xi32>
      %lt3A_2162 = arith.cmpi slt, %broadcast_in_dim3A_2159, %lt3A_2161 : vector<16xi32>
      %add3A_2163 = arith.constant 16 : i32
      %add3A_2164 = vector.broadcast %add3A_2163 : i32 to vector<16xi32>
      %add3A_2165 = arith.addi %broadcast_in_dim3A_2159, %add3A_2164 : vector<16xi32>
      %select_n3A_2166 = arith.select %lt3A_2162, %add3A_2165, %broadcast_in_dim3A_2159 : vector<16xi1>, vector<16xi32>
      %broadcast_in_dim3A_2167 = vector.shape_cast %select_n3A_2166 : vector<16xi32> to vector<16x1xi32>
      %gather3A_2168 = vector.shape_cast %broadcast_in_dim3A_2167 : vector<16x1xi32> to vector<16xi32>
      %gather3A_2169 = tpu.dynamic_gather %select_n3A[%gather3A_2168] in [0] : vector<16xf32>, vector<16xi32> -> vector<16xf32>
      %broadcast_in_dim3A_2170 = arith.constant 9 : i32
      %broadcast_in_dim3A_2171 = vector.broadcast %broadcast_in_dim3A_2170 : i32 to vector<16xi32>
      %lt3A_2172 = arith.constant 0 : i32
      %lt3A_2173 = vector.broadcast %lt3A_2172 : i32 to vector<16xi32>
      %lt3A_2174 = arith.cmpi slt, %broadcast_in_dim3A_2171, %lt3A_2173 : vector<16xi32>
      %add3A_2175 = arith.constant 16 : i32
      %add3A_2176 = vector.broadcast %add3A_2175 : i32 to vector<16xi32>
      %add3A_2177 = arith.addi %broadcast_in_dim3A_2171, %add3A_2176 : vector<16xi32>
      %select_n3A_2178 = arith.select %lt3A_2174, %add3A_2177, %broadcast_in_dim3A_2171 : vector<16xi1>, vector<16xi32>
      %broadcast_in_dim3A_2179 = vector.shape_cast %select_n3A_2178 : vector<16xi32> to vector<16x1xi32>
      %gather3A_2180 = vector.shape_cast %broadcast_in_dim3A_2179 : vector<16x1xi32> to vector<16xi32>
      %gather3A_2181 = tpu.dynamic_gather %select_n3A_573[%gather3A_2180] in [0] : vector<16xf32>, vector<16xi32> -> vector<16xf32>
      %broadcast_in_dim3A_2182 = arith.constant 9 : i32
      %broadcast_in_dim3A_2183 = vector.broadcast %broadcast_in_dim3A_2182 : i32 to vector<16xi32>
      %lt3A_2184 = arith.constant 0 : i32
      %lt3A_2185 = vector.broadcast %lt3A_2184 : i32 to vector<16xi32>
      %lt3A_2186 = arith.cmpi slt, %broadcast_in_dim3A_2183, %lt3A_2185 : vector<16xi32>
      %add3A_2187 = arith.constant 16 : i32
      %add3A_2188 = vector.broadcast %add3A_2187 : i32 to vector<16xi32>
      %add3A_2189 = arith.addi %broadcast_in_dim3A_2183, %add3A_2188 : vector<16xi32>
      %select_n3A_2190 = arith.select %lt3A_2186, %add3A_2189, %broadcast_in_dim3A_2183 : vector<16xi1>, vector<16xi32>
      %broadcast_in_dim3A_2191 = vector.shape_cast %select_n3A_2190 : vector<16xi32> to vector<16x1xi32>
      %gather3A_2192 = vector.shape_cast %broadcast_in_dim3A_2191 : vector<16x1xi32> to vector<16xi32>
      %gather3A_2193 = tpu.dynamic_gather %get3A_10[%gather3A_2192] in [0] : vector<16xi32>, vector<16xi32> -> vector<16xi32>
      %gt3A_2194 = arith.cmpf ogt, %gather3A_2169, %get3A_12 : vector<16xf32>
      %gt3A_2195 = arith.cmpf ogt, %gather3A_2169, %select_n3A : vector<16xf32>
      %eq3A_2196 = arith.cmpf oeq, %gather3A_2169, %select_n3A : vector<16xf32>
      %gt3A_2197 = arith.constant 9 : i32
      %gt3A_2198 = vector.broadcast %gt3A_2197 : i32 to vector<16xi32>
      %gt3A_2199 = arith.cmpi sgt, %iota3A, %gt3A_2198 : vector<16xi32>
      %and3A_2200 = arith.andi %eq3A_2196, %gt3A_2199 : vector<16xi1>
      %or3A_2201 = arith.ori %gt3A_2195, %and3A_2200 : vector<16xi1>
      %convert_element_type3A_2202 = arith.extui %gt3A_2194 : vector<16xi1> to vector<16xi32>
      %add3A_2203 = arith.addi %add3A_2141, %convert_element_type3A_2202 : vector<16xi32>
      %convert_element_type3A_2204 = arith.extui %or3A_2201 : vector<16xi1> to vector<16xi32>
      %add3A_2205 = arith.addi %add3A_2143, %convert_element_type3A_2204 : vector<16xi32>
      %gt3A_2206 = arith.cmpf ogt, %gather3A_2181, %select_n3A_572 : vector<16xf32>
      %eq3A_2207 = arith.cmpf oeq, %gather3A_2181, %select_n3A_572 : vector<16xf32>
      %lt3A_2208 = arith.cmpi slt, %gather3A_2193, %get3A_8 : vector<16xi32>
      %and3A_2209 = arith.andi %eq3A_2207, %lt3A_2208 : vector<16xi1>
      %or3A_2210 = arith.ori %gt3A_2206, %and3A_2209 : vector<16xi1>
      %gt3A_2211 = arith.cmpf ogt, %gather3A_2181, %select_n3A_573 : vector<16xf32>
      %eq3A_2212 = arith.cmpf oeq, %gather3A_2181, %select_n3A_573 : vector<16xf32>
      %lt3A_2213 = arith.cmpi slt, %gather3A_2193, %get3A_10 : vector<16xi32>
      %and3A_2214 = arith.andi %eq3A_2212, %lt3A_2213 : vector<16xi1>
      %or3A_2215 = arith.ori %gt3A_2211, %and3A_2214 : vector<16xi1>
      %convert_element_type3A_2216 = arith.extui %or3A_2210 : vector<16xi1> to vector<16xi32>
      %add3A_2217 = arith.addi %add3A_2155, %convert_element_type3A_2216 : vector<16xi32>
      %convert_element_type3A_2218 = arith.extui %or3A_2215 : vector<16xi1> to vector<16xi32>
      %add3A_2219 = arith.addi %add3A_2157, %convert_element_type3A_2218 : vector<16xi32>
      %broadcast_in_dim3A_2220 = arith.constant 10 : i32
      %broadcast_in_dim3A_2221 = vector.broadcast %broadcast_in_dim3A_2220 : i32 to vector<16xi32>
      %lt3A_2222 = arith.constant 0 : i32
      %lt3A_2223 = vector.broadcast %lt3A_2222 : i32 to vector<16xi32>
      %lt3A_2224 = arith.cmpi slt, %broadcast_in_dim3A_2221, %lt3A_2223 : vector<16xi32>
      %add3A_2225 = arith.constant 16 : i32
      %add3A_2226 = vector.broadcast %add3A_2225 : i32 to vector<16xi32>
      %add3A_2227 = arith.addi %broadcast_in_dim3A_2221, %add3A_2226 : vector<16xi32>
      %select_n3A_2228 = arith.select %lt3A_2224, %add3A_2227, %broadcast_in_dim3A_2221 : vector<16xi1>, vector<16xi32>
      %broadcast_in_dim3A_2229 = vector.shape_cast %select_n3A_2228 : vector<16xi32> to vector<16x1xi32>
      %gather3A_2230 = vector.shape_cast %broadcast_in_dim3A_2229 : vector<16x1xi32> to vector<16xi32>
      %gather3A_2231 = tpu.dynamic_gather %select_n3A[%gather3A_2230] in [0] : vector<16xf32>, vector<16xi32> -> vector<16xf32>
      %broadcast_in_dim3A_2232 = arith.constant 10 : i32
      %broadcast_in_dim3A_2233 = vector.broadcast %broadcast_in_dim3A_2232 : i32 to vector<16xi32>
      %lt3A_2234 = arith.constant 0 : i32
      %lt3A_2235 = vector.broadcast %lt3A_2234 : i32 to vector<16xi32>
      %lt3A_2236 = arith.cmpi slt, %broadcast_in_dim3A_2233, %lt3A_2235 : vector<16xi32>
      %add3A_2237 = arith.constant 16 : i32
      %add3A_2238 = vector.broadcast %add3A_2237 : i32 to vector<16xi32>
      %add3A_2239 = arith.addi %broadcast_in_dim3A_2233, %add3A_2238 : vector<16xi32>
      %select_n3A_2240 = arith.select %lt3A_2236, %add3A_2239, %broadcast_in_dim3A_2233 : vector<16xi1>, vector<16xi32>
      %broadcast_in_dim3A_2241 = vector.shape_cast %select_n3A_2240 : vector<16xi32> to vector<16x1xi32>
      %gather3A_2242 = vector.shape_cast %broadcast_in_dim3A_2241 : vector<16x1xi32> to vector<16xi32>
      %gather3A_2243 = tpu.dynamic_gather %select_n3A_573[%gather3A_2242] in [0] : vector<16xf32>, vector<16xi32> -> vector<16xf32>
      %broadcast_in_dim3A_2244 = arith.constant 10 : i32
      %broadcast_in_dim3A_2245 = vector.broadcast %broadcast_in_dim3A_2244 : i32 to vector<16xi32>
      %lt3A_2246 = arith.constant 0 : i32
      %lt3A_2247 = vector.broadcast %lt3A_2246 : i32 to vector<16xi32>
      %lt3A_2248 = arith.cmpi slt, %broadcast_in_dim3A_2245, %lt3A_2247 : vector<16xi32>
      %add3A_2249 = arith.constant 16 : i32
      %add3A_2250 = vector.broadcast %add3A_2249 : i32 to vector<16xi32>
      %add3A_2251 = arith.addi %broadcast_in_dim3A_2245, %add3A_2250 : vector<16xi32>
      %select_n3A_2252 = arith.select %lt3A_2248, %add3A_2251, %broadcast_in_dim3A_2245 : vector<16xi1>, vector<16xi32>
      %broadcast_in_dim3A_2253 = vector.shape_cast %select_n3A_2252 : vector<16xi32> to vector<16x1xi32>
      %gather3A_2254 = vector.shape_cast %broadcast_in_dim3A_2253 : vector<16x1xi32> to vector<16xi32>
      %gather3A_2255 = tpu.dynamic_gather %get3A_10[%gather3A_2254] in [0] : vector<16xi32>, vector<16xi32> -> vector<16xi32>
      %gt3A_2256 = arith.cmpf ogt, %gather3A_2231, %get3A_12 : vector<16xf32>
      %gt3A_2257 = arith.cmpf ogt, %gather3A_2231, %select_n3A : vector<16xf32>
      %eq3A_2258 = arith.cmpf oeq, %gather3A_2231, %select_n3A : vector<16xf32>
      %gt3A_2259 = arith.constant 10 : i32
      %gt3A_2260 = vector.broadcast %gt3A_2259 : i32 to vector<16xi32>
      %gt3A_2261 = arith.cmpi sgt, %iota3A, %gt3A_2260 : vector<16xi32>
      %and3A_2262 = arith.andi %eq3A_2258, %gt3A_2261 : vector<16xi1>
      %or3A_2263 = arith.ori %gt3A_2257, %and3A_2262 : vector<16xi1>
      %convert_element_type3A_2264 = arith.extui %gt3A_2256 : vector<16xi1> to vector<16xi32>
      %add3A_2265 = arith.addi %add3A_2203, %convert_element_type3A_2264 : vector<16xi32>
      %convert_element_type3A_2266 = arith.extui %or3A_2263 : vector<16xi1> to vector<16xi32>
      %add3A_2267 = arith.addi %add3A_2205, %convert_element_type3A_2266 : vector<16xi32>
      %gt3A_2268 = arith.cmpf ogt, %gather3A_2243, %select_n3A_572 : vector<16xf32>
      %eq3A_2269 = arith.cmpf oeq, %gather3A_2243, %select_n3A_572 : vector<16xf32>
      %lt3A_2270 = arith.cmpi slt, %gather3A_2255, %get3A_8 : vector<16xi32>
      %and3A_2271 = arith.andi %eq3A_2269, %lt3A_2270 : vector<16xi1>
      %or3A_2272 = arith.ori %gt3A_2268, %and3A_2271 : vector<16xi1>
      %gt3A_2273 = arith.cmpf ogt, %gather3A_2243, %select_n3A_573 : vector<16xf32>
      %eq3A_2274 = arith.cmpf oeq, %gather3A_2243, %select_n3A_573 : vector<16xf32>
      %lt3A_2275 = arith.cmpi slt, %gather3A_2255, %get3A_10 : vector<16xi32>
      %and3A_2276 = arith.andi %eq3A_2274, %lt3A_2275 : vector<16xi1>
      %or3A_2277 = arith.ori %gt3A_2273, %and3A_2276 : vector<16xi1>
      %convert_element_type3A_2278 = arith.extui %or3A_2272 : vector<16xi1> to vector<16xi32>
      %add3A_2279 = arith.addi %add3A_2217, %convert_element_type3A_2278 : vector<16xi32>
      %convert_element_type3A_2280 = arith.extui %or3A_2277 : vector<16xi1> to vector<16xi32>
      %add3A_2281 = arith.addi %add3A_2219, %convert_element_type3A_2280 : vector<16xi32>
      %broadcast_in_dim3A_2282 = arith.constant 11 : i32
      %broadcast_in_dim3A_2283 = vector.broadcast %broadcast_in_dim3A_2282 : i32 to vector<16xi32>
      %lt3A_2284 = arith.constant 0 : i32
      %lt3A_2285 = vector.broadcast %lt3A_2284 : i32 to vector<16xi32>
      %lt3A_2286 = arith.cmpi slt, %broadcast_in_dim3A_2283, %lt3A_2285 : vector<16xi32>
      %add3A_2287 = arith.constant 16 : i32
      %add3A_2288 = vector.broadcast %add3A_2287 : i32 to vector<16xi32>
      %add3A_2289 = arith.addi %broadcast_in_dim3A_2283, %add3A_2288 : vector<16xi32>
      %select_n3A_2290 = arith.select %lt3A_2286, %add3A_2289, %broadcast_in_dim3A_2283 : vector<16xi1>, vector<16xi32>
      %broadcast_in_dim3A_2291 = vector.shape_cast %select_n3A_2290 : vector<16xi32> to vector<16x1xi32>
      %gather3A_2292 = vector.shape_cast %broadcast_in_dim3A_2291 : vector<16x1xi32> to vector<16xi32>
      %gather3A_2293 = tpu.dynamic_gather %select_n3A[%gather3A_2292] in [0] : vector<16xf32>, vector<16xi32> -> vector<16xf32>
      %broadcast_in_dim3A_2294 = arith.constant 11 : i32
      %broadcast_in_dim3A_2295 = vector.broadcast %broadcast_in_dim3A_2294 : i32 to vector<16xi32>
      %lt3A_2296 = arith.constant 0 : i32
      %lt3A_2297 = vector.broadcast %lt3A_2296 : i32 to vector<16xi32>
      %lt3A_2298 = arith.cmpi slt, %broadcast_in_dim3A_2295, %lt3A_2297 : vector<16xi32>
      %add3A_2299 = arith.constant 16 : i32
      %add3A_2300 = vector.broadcast %add3A_2299 : i32 to vector<16xi32>
      %add3A_2301 = arith.addi %broadcast_in_dim3A_2295, %add3A_2300 : vector<16xi32>
      %select_n3A_2302 = arith.select %lt3A_2298, %add3A_2301, %broadcast_in_dim3A_2295 : vector<16xi1>, vector<16xi32>
      %broadcast_in_dim3A_2303 = vector.shape_cast %select_n3A_2302 : vector<16xi32> to vector<16x1xi32>
      %gather3A_2304 = vector.shape_cast %broadcast_in_dim3A_2303 : vector<16x1xi32> to vector<16xi32>
      %gather3A_2305 = tpu.dynamic_gather %select_n3A_573[%gather3A_2304] in [0] : vector<16xf32>, vector<16xi32> -> vector<16xf32>
      %broadcast_in_dim3A_2306 = arith.constant 11 : i32
      %broadcast_in_dim3A_2307 = vector.broadcast %broadcast_in_dim3A_2306 : i32 to vector<16xi32>
      %lt3A_2308 = arith.constant 0 : i32
      %lt3A_2309 = vector.broadcast %lt3A_2308 : i32 to vector<16xi32>
      %lt3A_2310 = arith.cmpi slt, %broadcast_in_dim3A_2307, %lt3A_2309 : vector<16xi32>
      %add3A_2311 = arith.constant 16 : i32
      %add3A_2312 = vector.broadcast %add3A_2311 : i32 to vector<16xi32>
      %add3A_2313 = arith.addi %broadcast_in_dim3A_2307, %add3A_2312 : vector<16xi32>
      %select_n3A_2314 = arith.select %lt3A_2310, %add3A_2313, %broadcast_in_dim3A_2307 : vector<16xi1>, vector<16xi32>
      %broadcast_in_dim3A_2315 = vector.shape_cast %select_n3A_2314 : vector<16xi32> to vector<16x1xi32>
      %gather3A_2316 = vector.shape_cast %broadcast_in_dim3A_2315 : vector<16x1xi32> to vector<16xi32>
      %gather3A_2317 = tpu.dynamic_gather %get3A_10[%gather3A_2316] in [0] : vector<16xi32>, vector<16xi32> -> vector<16xi32>
      %gt3A_2318 = arith.cmpf ogt, %gather3A_2293, %get3A_12 : vector<16xf32>
      %gt3A_2319 = arith.cmpf ogt, %gather3A_2293, %select_n3A : vector<16xf32>
      %eq3A_2320 = arith.cmpf oeq, %gather3A_2293, %select_n3A : vector<16xf32>
      %gt3A_2321 = arith.constant 11 : i32
      %gt3A_2322 = vector.broadcast %gt3A_2321 : i32 to vector<16xi32>
      %gt3A_2323 = arith.cmpi sgt, %iota3A, %gt3A_2322 : vector<16xi32>
      %and3A_2324 = arith.andi %eq3A_2320, %gt3A_2323 : vector<16xi1>
      %or3A_2325 = arith.ori %gt3A_2319, %and3A_2324 : vector<16xi1>
      %convert_element_type3A_2326 = arith.extui %gt3A_2318 : vector<16xi1> to vector<16xi32>
      %add3A_2327 = arith.addi %add3A_2265, %convert_element_type3A_2326 : vector<16xi32>
      %convert_element_type3A_2328 = arith.extui %or3A_2325 : vector<16xi1> to vector<16xi32>
      %add3A_2329 = arith.addi %add3A_2267, %convert_element_type3A_2328 : vector<16xi32>
      %gt3A_2330 = arith.cmpf ogt, %gather3A_2305, %select_n3A_572 : vector<16xf32>
      %eq3A_2331 = arith.cmpf oeq, %gather3A_2305, %select_n3A_572 : vector<16xf32>
      %lt3A_2332 = arith.cmpi slt, %gather3A_2317, %get3A_8 : vector<16xi32>
      %and3A_2333 = arith.andi %eq3A_2331, %lt3A_2332 : vector<16xi1>
      %or3A_2334 = arith.ori %gt3A_2330, %and3A_2333 : vector<16xi1>
      %gt3A_2335 = arith.cmpf ogt, %gather3A_2305, %select_n3A_573 : vector<16xf32>
      %eq3A_2336 = arith.cmpf oeq, %gather3A_2305, %select_n3A_573 : vector<16xf32>
      %lt3A_2337 = arith.cmpi slt, %gather3A_2317, %get3A_10 : vector<16xi32>
      %and3A_2338 = arith.andi %eq3A_2336, %lt3A_2337 : vector<16xi1>
      %or3A_2339 = arith.ori %gt3A_2335, %and3A_2338 : vector<16xi1>
      %convert_element_type3A_2340 = arith.extui %or3A_2334 : vector<16xi1> to vector<16xi32>
      %add3A_2341 = arith.addi %add3A_2279, %convert_element_type3A_2340 : vector<16xi32>
      %convert_element_type3A_2342 = arith.extui %or3A_2339 : vector<16xi1> to vector<16xi32>
      %add3A_2343 = arith.addi %add3A_2281, %convert_element_type3A_2342 : vector<16xi32>
      %broadcast_in_dim3A_2344 = arith.constant 12 : i32
      %broadcast_in_dim3A_2345 = vector.broadcast %broadcast_in_dim3A_2344 : i32 to vector<16xi32>
      %lt3A_2346 = arith.constant 0 : i32
      %lt3A_2347 = vector.broadcast %lt3A_2346 : i32 to vector<16xi32>
      %lt3A_2348 = arith.cmpi slt, %broadcast_in_dim3A_2345, %lt3A_2347 : vector<16xi32>
      %add3A_2349 = arith.constant 16 : i32
      %add3A_2350 = vector.broadcast %add3A_2349 : i32 to vector<16xi32>
      %add3A_2351 = arith.addi %broadcast_in_dim3A_2345, %add3A_2350 : vector<16xi32>
      %select_n3A_2352 = arith.select %lt3A_2348, %add3A_2351, %broadcast_in_dim3A_2345 : vector<16xi1>, vector<16xi32>
      %broadcast_in_dim3A_2353 = vector.shape_cast %select_n3A_2352 : vector<16xi32> to vector<16x1xi32>
      %gather3A_2354 = vector.shape_cast %broadcast_in_dim3A_2353 : vector<16x1xi32> to vector<16xi32>
      %gather3A_2355 = tpu.dynamic_gather %select_n3A[%gather3A_2354] in [0] : vector<16xf32>, vector<16xi32> -> vector<16xf32>
      %broadcast_in_dim3A_2356 = arith.constant 12 : i32
      %broadcast_in_dim3A_2357 = vector.broadcast %broadcast_in_dim3A_2356 : i32 to vector<16xi32>
      %lt3A_2358 = arith.constant 0 : i32
      %lt3A_2359 = vector.broadcast %lt3A_2358 : i32 to vector<16xi32>
      %lt3A_2360 = arith.cmpi slt, %broadcast_in_dim3A_2357, %lt3A_2359 : vector<16xi32>
      %add3A_2361 = arith.constant 16 : i32
      %add3A_2362 = vector.broadcast %add3A_2361 : i32 to vector<16xi32>
      %add3A_2363 = arith.addi %broadcast_in_dim3A_2357, %add3A_2362 : vector<16xi32>
      %select_n3A_2364 = arith.select %lt3A_2360, %add3A_2363, %broadcast_in_dim3A_2357 : vector<16xi1>, vector<16xi32>
      %broadcast_in_dim3A_2365 = vector.shape_cast %select_n3A_2364 : vector<16xi32> to vector<16x1xi32>
      %gather3A_2366 = vector.shape_cast %broadcast_in_dim3A_2365 : vector<16x1xi32> to vector<16xi32>
      %gather3A_2367 = tpu.dynamic_gather %select_n3A_573[%gather3A_2366] in [0] : vector<16xf32>, vector<16xi32> -> vector<16xf32>
      %broadcast_in_dim3A_2368 = arith.constant 12 : i32
      %broadcast_in_dim3A_2369 = vector.broadcast %broadcast_in_dim3A_2368 : i32 to vector<16xi32>
      %lt3A_2370 = arith.constant 0 : i32
      %lt3A_2371 = vector.broadcast %lt3A_2370 : i32 to vector<16xi32>
      %lt3A_2372 = arith.cmpi slt, %broadcast_in_dim3A_2369, %lt3A_2371 : vector<16xi32>
      %add3A_2373 = arith.constant 16 : i32
      %add3A_2374 = vector.broadcast %add3A_2373 : i32 to vector<16xi32>
      %add3A_2375 = arith.addi %broadcast_in_dim3A_2369, %add3A_2374 : vector<16xi32>
      %select_n3A_2376 = arith.select %lt3A_2372, %add3A_2375, %broadcast_in_dim3A_2369 : vector<16xi1>, vector<16xi32>
      %broadcast_in_dim3A_2377 = vector.shape_cast %select_n3A_2376 : vector<16xi32> to vector<16x1xi32>
      %gather3A_2378 = vector.shape_cast %broadcast_in_dim3A_2377 : vector<16x1xi32> to vector<16xi32>
      %gather3A_2379 = tpu.dynamic_gather %get3A_10[%gather3A_2378] in [0] : vector<16xi32>, vector<16xi32> -> vector<16xi32>
      %gt3A_2380 = arith.cmpf ogt, %gather3A_2355, %get3A_12 : vector<16xf32>
      %gt3A_2381 = arith.cmpf ogt, %gather3A_2355, %select_n3A : vector<16xf32>
      %eq3A_2382 = arith.cmpf oeq, %gather3A_2355, %select_n3A : vector<16xf32>
      %gt3A_2383 = arith.constant 12 : i32
      %gt3A_2384 = vector.broadcast %gt3A_2383 : i32 to vector<16xi32>
      %gt3A_2385 = arith.cmpi sgt, %iota3A, %gt3A_2384 : vector<16xi32>
      %and3A_2386 = arith.andi %eq3A_2382, %gt3A_2385 : vector<16xi1>
      %or3A_2387 = arith.ori %gt3A_2381, %and3A_2386 : vector<16xi1>
      %convert_element_type3A_2388 = arith.extui %gt3A_2380 : vector<16xi1> to vector<16xi32>
      %add3A_2389 = arith.addi %add3A_2327, %convert_element_type3A_2388 : vector<16xi32>
      %convert_element_type3A_2390 = arith.extui %or3A_2387 : vector<16xi1> to vector<16xi32>
      %add3A_2391 = arith.addi %add3A_2329, %convert_element_type3A_2390 : vector<16xi32>
      %gt3A_2392 = arith.cmpf ogt, %gather3A_2367, %select_n3A_572 : vector<16xf32>
      %eq3A_2393 = arith.cmpf oeq, %gather3A_2367, %select_n3A_572 : vector<16xf32>
      %lt3A_2394 = arith.cmpi slt, %gather3A_2379, %get3A_8 : vector<16xi32>
      %and3A_2395 = arith.andi %eq3A_2393, %lt3A_2394 : vector<16xi1>
      %or3A_2396 = arith.ori %gt3A_2392, %and3A_2395 : vector<16xi1>
      %gt3A_2397 = arith.cmpf ogt, %gather3A_2367, %select_n3A_573 : vector<16xf32>
      %eq3A_2398 = arith.cmpf oeq, %gather3A_2367, %select_n3A_573 : vector<16xf32>
      %lt3A_2399 = arith.cmpi slt, %gather3A_2379, %get3A_10 : vector<16xi32>
      %and3A_2400 = arith.andi %eq3A_2398, %lt3A_2399 : vector<16xi1>
      %or3A_2401 = arith.ori %gt3A_2397, %and3A_2400 : vector<16xi1>
      %convert_element_type3A_2402 = arith.extui %or3A_2396 : vector<16xi1> to vector<16xi32>
      %add3A_2403 = arith.addi %add3A_2341, %convert_element_type3A_2402 : vector<16xi32>
      %convert_element_type3A_2404 = arith.extui %or3A_2401 : vector<16xi1> to vector<16xi32>
      %add3A_2405 = arith.addi %add3A_2343, %convert_element_type3A_2404 : vector<16xi32>
      %broadcast_in_dim3A_2406 = arith.constant 13 : i32
      %broadcast_in_dim3A_2407 = vector.broadcast %broadcast_in_dim3A_2406 : i32 to vector<16xi32>
      %lt3A_2408 = arith.constant 0 : i32
      %lt3A_2409 = vector.broadcast %lt3A_2408 : i32 to vector<16xi32>
      %lt3A_2410 = arith.cmpi slt, %broadcast_in_dim3A_2407, %lt3A_2409 : vector<16xi32>
      %add3A_2411 = arith.constant 16 : i32
      %add3A_2412 = vector.broadcast %add3A_2411 : i32 to vector<16xi32>
      %add3A_2413 = arith.addi %broadcast_in_dim3A_2407, %add3A_2412 : vector<16xi32>
      %select_n3A_2414 = arith.select %lt3A_2410, %add3A_2413, %broadcast_in_dim3A_2407 : vector<16xi1>, vector<16xi32>
      %broadcast_in_dim3A_2415 = vector.shape_cast %select_n3A_2414 : vector<16xi32> to vector<16x1xi32>
      %gather3A_2416 = vector.shape_cast %broadcast_in_dim3A_2415 : vector<16x1xi32> to vector<16xi32>
      %gather3A_2417 = tpu.dynamic_gather %select_n3A[%gather3A_2416] in [0] : vector<16xf32>, vector<16xi32> -> vector<16xf32>
      %broadcast_in_dim3A_2418 = arith.constant 13 : i32
      %broadcast_in_dim3A_2419 = vector.broadcast %broadcast_in_dim3A_2418 : i32 to vector<16xi32>
      %lt3A_2420 = arith.constant 0 : i32
      %lt3A_2421 = vector.broadcast %lt3A_2420 : i32 to vector<16xi32>
      %lt3A_2422 = arith.cmpi slt, %broadcast_in_dim3A_2419, %lt3A_2421 : vector<16xi32>
      %add3A_2423 = arith.constant 16 : i32
      %add3A_2424 = vector.broadcast %add3A_2423 : i32 to vector<16xi32>
      %add3A_2425 = arith.addi %broadcast_in_dim3A_2419, %add3A_2424 : vector<16xi32>
      %select_n3A_2426 = arith.select %lt3A_2422, %add3A_2425, %broadcast_in_dim3A_2419 : vector<16xi1>, vector<16xi32>
      %broadcast_in_dim3A_2427 = vector.shape_cast %select_n3A_2426 : vector<16xi32> to vector<16x1xi32>
      %gather3A_2428 = vector.shape_cast %broadcast_in_dim3A_2427 : vector<16x1xi32> to vector<16xi32>
      %gather3A_2429 = tpu.dynamic_gather %select_n3A_573[%gather3A_2428] in [0] : vector<16xf32>, vector<16xi32> -> vector<16xf32>
      %broadcast_in_dim3A_2430 = arith.constant 13 : i32
      %broadcast_in_dim3A_2431 = vector.broadcast %broadcast_in_dim3A_2430 : i32 to vector<16xi32>
      %lt3A_2432 = arith.constant 0 : i32
      %lt3A_2433 = vector.broadcast %lt3A_2432 : i32 to vector<16xi32>
      %lt3A_2434 = arith.cmpi slt, %broadcast_in_dim3A_2431, %lt3A_2433 : vector<16xi32>
      %add3A_2435 = arith.constant 16 : i32
      %add3A_2436 = vector.broadcast %add3A_2435 : i32 to vector<16xi32>
      %add3A_2437 = arith.addi %broadcast_in_dim3A_2431, %add3A_2436 : vector<16xi32>
      %select_n3A_2438 = arith.select %lt3A_2434, %add3A_2437, %broadcast_in_dim3A_2431 : vector<16xi1>, vector<16xi32>
      %broadcast_in_dim3A_2439 = vector.shape_cast %select_n3A_2438 : vector<16xi32> to vector<16x1xi32>
      %gather3A_2440 = vector.shape_cast %broadcast_in_dim3A_2439 : vector<16x1xi32> to vector<16xi32>
      %gather3A_2441 = tpu.dynamic_gather %get3A_10[%gather3A_2440] in [0] : vector<16xi32>, vector<16xi32> -> vector<16xi32>
      %gt3A_2442 = arith.cmpf ogt, %gather3A_2417, %get3A_12 : vector<16xf32>
      %gt3A_2443 = arith.cmpf ogt, %gather3A_2417, %select_n3A : vector<16xf32>
      %eq3A_2444 = arith.cmpf oeq, %gather3A_2417, %select_n3A : vector<16xf32>
      %gt3A_2445 = arith.constant 13 : i32
      %gt3A_2446 = vector.broadcast %gt3A_2445 : i32 to vector<16xi32>
      %gt3A_2447 = arith.cmpi sgt, %iota3A, %gt3A_2446 : vector<16xi32>
      %and3A_2448 = arith.andi %eq3A_2444, %gt3A_2447 : vector<16xi1>
      %or3A_2449 = arith.ori %gt3A_2443, %and3A_2448 : vector<16xi1>
      %convert_element_type3A_2450 = arith.extui %gt3A_2442 : vector<16xi1> to vector<16xi32>
      %add3A_2451 = arith.addi %add3A_2389, %convert_element_type3A_2450 : vector<16xi32>
      %convert_element_type3A_2452 = arith.extui %or3A_2449 : vector<16xi1> to vector<16xi32>
      %add3A_2453 = arith.addi %add3A_2391, %convert_element_type3A_2452 : vector<16xi32>
      %gt3A_2454 = arith.cmpf ogt, %gather3A_2429, %select_n3A_572 : vector<16xf32>
      %eq3A_2455 = arith.cmpf oeq, %gather3A_2429, %select_n3A_572 : vector<16xf32>
      %lt3A_2456 = arith.cmpi slt, %gather3A_2441, %get3A_8 : vector<16xi32>
      %and3A_2457 = arith.andi %eq3A_2455, %lt3A_2456 : vector<16xi1>
      %or3A_2458 = arith.ori %gt3A_2454, %and3A_2457 : vector<16xi1>
      %gt3A_2459 = arith.cmpf ogt, %gather3A_2429, %select_n3A_573 : vector<16xf32>
      %eq3A_2460 = arith.cmpf oeq, %gather3A_2429, %select_n3A_573 : vector<16xf32>
      %lt3A_2461 = arith.cmpi slt, %gather3A_2441, %get3A_10 : vector<16xi32>
      %and3A_2462 = arith.andi %eq3A_2460, %lt3A_2461 : vector<16xi1>
      %or3A_2463 = arith.ori %gt3A_2459, %and3A_2462 : vector<16xi1>
      %convert_element_type3A_2464 = arith.extui %or3A_2458 : vector<16xi1> to vector<16xi32>
      %add3A_2465 = arith.addi %add3A_2403, %convert_element_type3A_2464 : vector<16xi32>
      %convert_element_type3A_2466 = arith.extui %or3A_2463 : vector<16xi1> to vector<16xi32>
      %add3A_2467 = arith.addi %add3A_2405, %convert_element_type3A_2466 : vector<16xi32>
      %broadcast_in_dim3A_2468 = arith.constant 19 : i32
      %broadcast_in_dim3A_2469 = vector.broadcast %broadcast_in_dim3A_2468 : i32 to vector<16xi32>
      %min3A = arith.minsi %add3A_2465, %broadcast_in_dim3A_2469 : vector<16xi32>
      %lt3A_2470 = arith.constant 20 : i32
      %lt3A_2471 = vector.broadcast %lt3A_2470 : i32 to vector<16xi32>
      %lt3A_2472 = arith.cmpi slt, %add3A_2465, %lt3A_2471 : vector<16xi32>
      tpu.vector_store_idx %arg8[%min3A], %get3A_8 masked %lt3A_2472 : memref<20xi32, #tpu.memory_space<vmem>>[vector<16xi32>], vector<16xi32>, vector<16xi1>
      %min3A_2473 = arith.minsi %add3A_2467, %broadcast_in_dim3A_2469 : vector<16xi32>
      %lt3A_2474 = arith.constant 20 : i32
      %lt3A_2475 = vector.broadcast %lt3A_2474 : i32 to vector<16xi32>
      %lt3A_2476 = arith.cmpi slt, %add3A_2467, %lt3A_2475 : vector<16xi32>
      tpu.vector_store_idx %arg8[%min3A_2473], %get3A_10 masked %lt3A_2476 : memref<20xi32, #tpu.memory_space<vmem>>[vector<16xi32>], vector<16xi32>, vector<16xi1>
      %min3A_2477 = arith.minsi %add3A_2451, %broadcast_in_dim3A_2469 : vector<16xi32>
      %lt3A_2478 = arith.constant 20 : i32
      %lt3A_2479 = vector.broadcast %lt3A_2478 : i32 to vector<16xi32>
      %lt3A_2480 = arith.cmpi slt, %add3A_2451, %lt3A_2479 : vector<16xi32>
      tpu.vector_store_idx %arg9[%min3A_2477], %iota3A masked %lt3A_2480 : memref<20xi32, #tpu.memory_space<vmem>>[vector<16xi32>], vector<16xi32>, vector<16xi1>
      %min3A_2481 = arith.minsi %add3A_2453, %broadcast_in_dim3A_2469 : vector<16xi32>
      %add3A_2482 = arith.constant 16 : i32
      %add3A_2483 = vector.broadcast %add3A_2482 : i32 to vector<16xi32>
      %add3A_2484 = arith.addi %iota3A, %add3A_2483 : vector<16xi32>
      %lt3A_2485 = arith.constant 20 : i32
      %lt3A_2486 = vector.broadcast %lt3A_2485 : i32 to vector<16xi32>
      %lt3A_2487 = arith.cmpi slt, %add3A_2453, %lt3A_2486 : vector<16xi32>
      tpu.vector_store_idx %arg9[%min3A_2481], %add3A_2484 masked %lt3A_2487 : memref<20xi32, #tpu.memory_space<vmem>>[vector<16xi32>], vector<16xi32>, vector<16xi1>
      tpu.enqueue_dma source(%arg8 : memref<20xi32, #tpu.memory_space<vmem>>) target(%arg4 : memref<20xi32, #tpu.memory_space<hbm>>) target_semaphore(%arg10 : memref<!tpu.dma_semaphore, #tpu.memory_space<semaphore_mem>>)
      tpu.enqueue_dma source(%arg9 : memref<20xi32, #tpu.memory_space<vmem>>) target(%arg5 : memref<20xi32, #tpu.memory_space<hbm>>) target_semaphore(%arg11 : memref<!tpu.dma_semaphore, #tpu.memory_space<semaphore_mem>>)
      tpu.wait_dma2 semaphore(%arg10 : memref<!tpu.dma_semaphore, #tpu.memory_space<semaphore_mem>>) src(%arg8 : memref<20xi32, #tpu.memory_space<vmem>>) dst(%arg4 : memref<20xi32, #tpu.memory_space<hbm>>)
      tpu.wait_dma2 semaphore(%arg11 : memref<!tpu.dma_semaphore, #tpu.memory_space<semaphore_mem>>) src(%arg9 : memref<20xi32, #tpu.memory_space<vmem>>) dst(%arg5 : memref<20xi32, #tpu.memory_space<hbm>>)
    } else {
    }
    return
  }
}

</mosaic_0001>

<sc_bundles>
// kernel: kernel.3.cloned.1.call-start
scs
__scs_entry_jumppad:
0x0: {  	(pc) =	sbr.rel $0x88, $3  }
0x1: {  	(tag) =	ssettag $0x0;
	lr =	simm.s32 $0x1  }
0x2: {  	[smem:$0x3F9F] =	sst lr;
	_ =	strace $0xD0000000  }
0x3: {  	_ = 	snop  }
0x4: {  	_ = 	snop  }
0x5: {  	_ = 	snop  }
0x6: {  	_ = 	snop  }
0x7: {  	_ = 	snop  }
__scs_overlays_trampoline_lowered:
0x8: {  	[smem:$0x3FAE] =	sst s0  }
0x9: {  	[smem:$0x3FAF] =	sst s1  }
0xa: {  	[smem:$0x3FB0] =	sst s2  }
0xb: {  	[smem:$0x3FB1] =	sst s3  }
0xc: {  	[smem:$0x3FB2] =	sst s4  }
0xd: {  	[smem:$0x3FB3] =	sst s5  }
0xe: {  	[smem:$0x3FB4] =	sst s6  }
0xf: {  	[smem:$0x3FB5] =	sst s7  }
0x10: {  	[smem:$0x3FB6] =	sst s8  }
0x11: {  	[smem:$0x3FB7] =	sst s9;
	s0 =	simm.s32 @!p0 $0x0  }
0x12: {  	s1 =	sld [smem:$0x3F9D];
	s0 =	simm.s32 @p0 $0x1  }
0x13: {  	[smem:$0x3FB8] =	sst s0;
	s0 =	simm.s32 @!p1 $0x0  }
0x14: {  	s2 =	sld [smem:$0x3F9C];
	s0 =	simm.s32 @p1 $0x1  }
0x15: {  	[smem:$0x3FB9] =	sst s0;
	s0 =	simm.s32 @!p2 $0x0  }
0x16: {  	s3 =	sld [smem:$0x3FDB];
	s0 =	simm.s32 @p2 $0x1  }
0x17: {  	s4 =	simm.s32 $0x1BF5;
	[smem:$0x3FBB] =	sst s0  }
0x18: {  	s0 =	sld [smem:$0x3F9E];
	_ =	swait.ge [sflag:s4], $0x0  }
0x19: {  	s7 =	sld [smem:$0x3F9F]  }
0x1a: {  	s8 =	sadd.s32 $0xFFFFE003, lr  }
0x1b: {  	s9 =	sadd.s32 $0xFFFFFEF7, lr;
	s5 =	simm.s32 $0xFFFFFFFF;
	p2 =	slt.u32 s8, $0xFFFFF086  }
0x1c: {  	p1 =	slt.u32 s9, $0xF7A;
	s5 =	simm.s32 @!p2 $0x0  }
0x1d: {  	s5 =	simm.s32 @p1 $0x1;
	p0 =	seq.s32 s7, s2  }
0x1e: {  	s7 =	smul.u32 @!p0 $0xF7A, s2;
	p2 =	seq.s32 @!p0 s5, $0x0  }
0x1f: {  	s9 =	smul.u32 $0xF7A, s1;
	s8 =	simm.s32 @!p0 $0x1BF5;
	p2 =	por !p2, p0  }
0x20: {  	[sflag:s8] =	ssyncset.s32 @!p0 $0xFFFFF086;
	s6 =	sadd.s32 @!p0 s3, s7;
	s7 =	simm.s32 @!p0 $0x108  }
0x21: {  	s3 =	sadd.s32 s3, s9;
	s6 =	sadd.s32 @!p0 $0x88, s6;
	s7 =	simm.s32 @p2 $0x1082  }
0x22: {  	[simem:s7], [sflag:s8] =	dma.local @!p0 [hbm:s6], $0xF7A  }
0x23: {  	s9 =	sor.u32 $0xD0000000, s2;
	s6 =	simm.s32 $0x108;
	_ =	swait.ge @!p0 [sflag:s8], $0x0  }
0x24: {  	s3 =	sadd.s32 $0x88, s3;
	s6 =	simm.s32 @!p1 $0x1082;
	[sflag:s4] =	ssyncset.s32 $0xFFFFF086  }
0x25: {  	[simem:s6], [sflag:s4] =	dma.local [hbm:s3], $0xF7A  }
0x26: {  	[smem:$0x3F9F] =	sst s1;
	(tag) =	ssettag s2;
	_ =	strace s9  }
0x27: {  	s1 =	sld [smem:$0x3FAF]  }
0x28: {  	s2 =	sld [smem:$0x3FB0]  }
0x29: {  	s4 =	sld [smem:$0x3FB2]  }
0x2a: {  	p0 =	seq.s32 s5, $0x0;
	s5 =	sld [smem:$0x3FB3]  }
0x2b: {  	s6 =	sld [smem:$0x3FB4]  }
0x2c: {  	s7 =	sld [smem:$0x3FB5]  }
0x2d: {  	s3 =	simm.s32 $0x108;
	s8 =	sld [smem:$0x3FB6]  }
0x2e: {  	s3 =	simm.s32 @!p0 $0x1082;
	s9 =	sld [smem:$0x3FB7]  }
0x2f: {  	lr =	sadd.s32 s0, s3;
	s0 =	sld [smem:$0x3FAE]  }
0x30: {  	s3 =	sld [smem:$0x3FB1]  }
0x31: {  	[smem:$0x3FBA] =	sst s10  }
0x32: {  	s10 =	sld [smem:$0x3FB8];
	_ =	sdelay $0x3  }
0x33: {  	p0 =	seq.s32 s10, $0x1;
	s10 =	sld [smem:$0x3FBA];
	_ =	sdelay $0x3  }
0x34: {  	[smem:$0x3FBA] =	sst s10  }
0x35: {  	s10 =	sld [smem:$0x3FB9];
	_ =	sdelay $0x3  }
0x36: {  	p1 =	seq.s32 s10, $0x1;
	s10 =	sld [smem:$0x3FBA];
	_ =	sdelay $0x3  }
0x37: {  	[smem:$0x3FBA] =	sst s10  }
0x38: {  	s10 =	sld [smem:$0x3FBB]  }
0x39: {  	_ = 	snop;
	(pc) =	sbr.ind lr, $3  }
0x3a: {  	_ = 	snop  }
0x3b: {  	_ = 	snop  }
0x3c: {  	p2 =	seq.s32 s10, $0x1;
	s10 =	sld [smem:$0x3FBA]  }
0x3d: {  	_ =	shalt  }
0x3e: {  	_ =	shalt  }
0x3f: {  	_ =	shalt  }
0x40: {  	_ =	shalt  }
0x41: {  	_ =	shalt  }
0x42: {  	_ =	shalt  }
0x43: {  	_ =	shalt  }
0x44: {  	_ =	shalt  }
0x45: {  	_ =	shalt  }
0x46: {  	_ =	shalt  }
0x47: {  	_ =	shalt  }
0x48: {  	_ =	shalt  }
0x49: {  	_ =	shalt  }
0x4a: {  	_ =	shalt  }
0x4b: {  	_ =	shalt  }
0x4c: {  	_ =	shalt  }
0x4d: {  	_ =	shalt  }
0x4e: {  	_ =	shalt  }
0x4f: {  	_ =	shalt  }
0x50: {  	_ =	shalt  }
0x51: {  	_ =	shalt  }
0x52: {  	_ =	shalt  }
0x53: {  	_ =	shalt  }
0x54: {  	_ =	shalt  }
0x55: {  	_ =	shalt  }
0x56: {  	_ =	shalt  }
0x57: {  	_ =	shalt  }
0x58: {  	_ =	shalt  }
0x59: {  	_ =	shalt  }
0x5a: {  	_ =	shalt  }
0x5b: {  	_ =	shalt  }
0x5c: {  	_ =	shalt  }
0x5d: {  	_ =	shalt  }
0x5e: {  	_ =	shalt  }
0x5f: {  	_ =	shalt  }
0x60: {  	_ =	shalt  }
0x61: {  	_ =	shalt  }
0x62: {  	_ =	shalt  }
0x63: {  	_ =	shalt  }
0x64: {  	_ =	shalt  }
0x65: {  	_ =	shalt  }
0x66: {  	_ =	shalt  }
0x67: {  	_ =	shalt  }
0x68: {  	_ =	shalt  }
0x69: {  	_ =	shalt  }
0x6a: {  	_ =	shalt  }
0x6b: {  	_ =	shalt  }
0x6c: {  	_ =	shalt  }
0x6d: {  	_ =	shalt  }
0x6e: {  	_ =	shalt  }
0x6f: {  	_ =	shalt  }
0x70: {  	_ =	shalt  }
0x71: {  	_ =	shalt  }
0x72: {  	_ =	shalt  }
0x73: {  	_ =	shalt  }
0x74: {  	_ =	shalt  }
0x75: {  	_ =	shalt  }
0x76: {  	_ =	shalt  }
0x77: {  	_ =	shalt  }
0x78: {  	_ =	shalt  }
0x79: {  	_ =	shalt  }
0x7a: {  	_ =	shalt  }
0x7b: {  	_ =	shalt  }
0x7c: {  	_ =	shalt  }
0x7d: {  	_ =	shalt  }
0x7e: {  	_ =	shalt  }
0x7f: {  	_ =	shalt  }
0x80: {  	_ =	shalt  }
0x81: {  	_ =	shalt  }
0x82: {  	_ =	shalt  }
0x83: {  	_ =	shalt  }
0x84: {  	_ =	shalt  }
0x85: {  	_ =	shalt  }
0x86: {  	_ =	shalt  }
0x87: {  	_ =	shalt  }
.Lfunc_end0:
.L_simem_size_0:
called_computation_lowered:
.L_overlay_start_0:
0x88: {  	s0 =	sld [smem:$0x3FD9]  }
0x89: {  	s1 =	sld [smem:$0x3FFE];
	_ =	sdelay $0x3  }
0x8a: {  	s0 =	sadd.s32 s1, s0  }
0x8b: {  	[smem:$0x3FC6] =	sst s0  }
0x8c: {  	_ = 	snop  }
0x8d: {  	s0 =	sld [smem:$0x3FD0];
	_ =	sdelay $0x1  }
0x8e: {  	s14 =	sld [smem:$0x3FC9]  }
0x8f: {  	s3 =	simm.s32 $0xA;
	s4 =	simm.s32 $0x10;
	s2 =	sld [smem:$0x3FC8]  }
0x90: {  	[smem:s4], [sflag:s3] =	dma.local [hbm:s0], $0x1  }
0x91: {  	_ =	swait.eq [sflag:s3], $0x1  }
0x92: {  	[sflag:s3] =	ssyncset.done $0x0  }
0x93: {  	s15 =	sld [smem:$0x10];
	[sflag:s3] =	ssyncadd.s32 $0xFFFFFFFF  }
0x94: {  	s16 =	sld [smem:$0x11];
	(tm) =	ssettm $0x1  }
0x95: {  	s17 =	sld [smem:$0x3FFB];
	_ =	sdelay $0x3  }
0x96: {  	_ =	strace s17  }
0x97: {  	s4 =	sld [smem:$0x3FFC];
	_ =	sdelay $0x3  }
0x98: {  	_ =	strace s4  }
0x99: {  	s4 =	sld [smem:$0x3FFD];
	_ =	sdelay $0x3  }
0x9a: {  	_ =	strace s4  }
0x9b: {  	_ =	strace $0x8FFFFFFF  }
0x9c: {  	s18 =	sld [smem:$0x3FDB];
	_ =	sdelay $0x1  }
0x9d: {  	s5 =	simm.s32 $_scs_section_size  }
0x9e: {  	s6 =	simm.s32 $_size__tile_overlayer_lowered;
	s7 =	simm.s32 $_tile_overlayer_lowered  }
0x9f: {  	s21 =	simm.s32 $0x1BFF;
	s20 =	sshll.u32 s7, $0x1;
	s4 =	sadd.s32 s5, s18  }
0xa0: {  	s8 =	simm.s32 $0x0;
	s19 =	sshll.u32 s6, $0x1;
	s6 =	sadd.s32 s20, s4  }
0xa1: {  	[timem:s8], [sflag:s21] =	dma.local [hbm:s6], s19  }
0xa2: {  	_ =	swait.ge [sflag:s21], s19  }
0xa3: {  	s5 =	ssub.s32 $0x0, s19;
	[sflag:s21] =	ssyncset.done $0x0  }
0xa4: {  	[sflag:s21] =	ssyncadd.s32 s5;
	_ =	sdelay $0x1  }
0xa5: {  	s22 =	simm.s32 $0x1B8B  }
0xa6: {  	_ =	swait.ge [sflag:s22], $0x1  }
0xa7: {  	[sflag:s22] =	ssyncset.done $0x0  }
0xa8: {  	s23 =	simm.s32 $0x1B8E;
	[sflag:s22] =	ssyncadd.s32 $0xFFFFFFFF  }
0xa9: {  	s24 =	simm.s32 $execute0_lowered;
	[smem:$0x3FD2] =	sst s23  }
0xaa: {  	s5 =	sshll.u32 s24, $0x1;
	_ =	strace $0x80000046;
	[dreg:$0x1] =	wrdreg $0xFFFFFFFF  }
0xab: {  	s25 =	simm.s32 $_size_execute0_lowered;
	s4 =	sadd.s32 s4, s5;
	[dreg:$0x0] =	wrdreg $0x0  }
0xac: {  	s5 =	sshll.u32 s25, $0x1;
	[dreg:$0x2] =	wrdreg s4  }
0xad: {  	[dreg:$0x3] =	wrdreg s5  }
0xae: {  	[dreg:$0x4] =	wrdreg $0xC0  }
0xaf: {  	_ =	task [dreg:s8], $0x5FFFF  }
0xb0: {  	[dreg:$0x1] =	wrdreg $0xFFFFFFFF  }
0xb1: {  	[dreg:$0x0] =	wrdreg $0x60  }
0xb2: {  	[dreg:$0x2] =	wrdreg s14  }
0xb3: {  	[dreg:$0x3] =	wrdreg s2  }
0xb4: {  	[dreg:$0x4] =	wrdreg s15  }
0xb5: {  	[dreg:$0x5] =	wrdreg s16  }
0xb6: {  	[dreg:$0x6] =	wrdreg $0x9  }
0xb7: {  	_ =	task.clear_ibuf [dreg:s8], $0x7FFFF;
	_ =	strace $0x90000046  }
0xb8: {  	s26 =	simm.s32 $0x9;
	_ =	strace $0x80000048  }
0xb9: {  	_ =	swait.ge [sflag:s26], $0x1  }
0xba: {  	[sflag:s26] =	ssyncadd.s32 $0xFFFFFFFF  }
0xbb: {  	_ =	strace $0x90000048  }
0xbc: {  	_ =	sfence  }
0xbd: {  	s28 =	sld [smem:$0x0];
	_ =	sdelay $0x1  }
0xbe: {  	s29 =	srdreg.scid  }
0xbf: {  	s30 =	sshll.u32 s29, $0xD;
	s31 =	sshrl.u32 s29, $0x2  }
0xc0: {  	s1 =	sand.u32 $0x1, s29;
	s2 =	sand.u32 $0x4000, s30;
	s0 =	sadd.s32 s31, s28  }
0xc1: {  	s1 =	sor.u32 s2, s1;
	s0 =	sshll.u32 s0, $0x11  }
0xc2: {  	s0 =	sor.u32 s0, s1  }
0xc3: {  	s0 =	sadd.s32 $0x8F2B, s0  }
0xc4: {  	[sflag:s0] =	ssyncadd.remote.s32 $0x1  }
0xc5: {  	_ =	sfence.sel $0xFFFF  }
0xc6: {  	[dreg:$0x0] =	wrdreg $0xFFFFFFFF;
	(pc) =	sbr.abs _section_cstart, $3  }
0xc7: {  	[dreg:$0x1] =	wrdreg $0xFFFFFFFF  }
0xc8: {  	_ =	task.clear_ibuf [dreg:s8], $0x2FFFF;
	_ =	strace $0x9FFFFFFF  }
0xc9: {  	(tm) =	ssettm $0x7FFFFFFF  }
tec
execute0_lowered:
.L_overlay_start_1:
0x0: {  	(tag) =	ssettag $0x1  }
0x1: {  	s4 =	rddreg [dreg:$0x0]  }
0x2: {  	s5 =	rddreg [dreg:$0x1]  }
0x3: {  	s1 =	rddreg [dreg:$0x2]  }
0x4: {  	s2 =	rddreg [dreg:$0x3];
	s3 =	stileid.u32  }
0x5: {  	s0 =	rddreg [dreg:$0x4];
	_ =	strace $0x80000047;
	p0 =	sne.s32 s3, $0x0  }
0x6: {  	_ =	sfence.sel @p0 $0x180000  }
0x7: {  	[bflag:$0x0] =	sbarrier.arrive @p0 $0xFFFF  }
0x8: {  	_ =	strace @p0 $0x90000047  }
0x9: {  	[bflag:$0x2] =	sbarrier.arrive @p0 $0xFFFF  }
0xa: {  	_ =	shalt @p0  }
.LBB2_1:
0xb: {  	v18 =	vimm.s32 $0x0  }
0xc: {  	s3 =	simm.s32 $0x0;
	s25 =	simm.s32 $0x3;
	[tilespmem:$0x10] =	vst v18  }
0xd: {  	[tilespmem:s3], [sflag:$0x3] =	stream.linear.gather [hbm4b:s5+s3], $0x1E, $0x38;
	[tilespmem:$0x200] =	vst v63  }
0xe: {  	_ =	swait.ge [sflag:s25], $0x1E  }
0xf: {  	s26 =	simm.s32 $0x20;
	[sflag:s25] =	ssyncset.done $0x0  }
0x10: {  	s6 =	simm.s32 $0x80;
	s28 =	simm.s32 $0x1;
	[sflag:s25] =	ssyncadd.s32 $0xFFFFFFE2  }
0x11: {  	[tilespmem:s6], [sflag:$0x1] =	stream.indirect.gather [hbm4b:s4+s26], $0x1, s3, s26, $0xb8;
	[tilespmem:$0x200] =	vst v63  }
0x12: {  	_ =	swait.ge [sflag:s28], $0x20  }
0x13: {  	[sflag:s28] =	ssyncset.done $0x0  }
0x14: {  	[sflag:s28] =	ssyncadd.s32 $0xFFFFFFE0  }
0x15: {  	v40 =	vimm.s32 $0x1;
	v19 =	vld [tilespmem:$0x0]  }
0x16: {  	vm8 =	vcmask $0x3F04;
	vm11 =	vcmask $0x3F08;
	v44 =	vimm.s32 $0x2  }
0x17: {  	vm4 =	vcmask $0x3F0C;
	v48 =	vimm.s32 $0x3;
	vm15 =	vcmask $0x3F10  }
0x18: {  	v51 =	vimm.s32 $0x4;
	vm12 =	vcmask $0x3F14;
	v0 =	vimm.s32 $0x5  }
0x19: {  	v21 =	vimm.s32 $0x5;
	v7 =	vimm.s32 $0x6;
	v20 =	vimm.s32 $0x6  }
0x1a: {  	v8 =	vimm.s32 $0x7;
	v16 =	vimm.s32 $0x8;
	v15 =	vperm.xlane v19, v18  }
0x1b: {  	v22 =	vimm.s32 $0x9;
	v14 =	vperm.xlane v19, v40;
	v13 =	vperm.xlane v19, v44  }
0x1c: {  	v23 =	vimm.s32 $0xA;
	v12 =	vperm.xlane v19, v48;
	v11 =	vperm.xlane v19, v51  }
0x1d: {  	v24 =	vimm.s32 $0xB;
	v2 =	vld [tilespmem:$0x10];
	v10 =	vperm.xlane v19, v0;
	v9 =	vperm.xlane v19, v7  }
0x1e: {  	v25 =	vimm.s32 $0xC;
	v3 =	vperm.xlane v19, v8;
	v4 =	vperm.xlane v19, v16  }
0x1f: {  	v1 =	vimm.s32 $0xD;
	v63 =	vperm.xlane v19, v22;
	v61 =	vperm.xlane v19, v23  }
0x20: {  	v60 =	vimm.s32 $0xF;
	v57 =	vperm.xlane v19, v24;
	v52 =	vperm.xlane v19, v25  }
0x21: {  	v17 =	vimm.s32 $0x7;
	v47 =	vperm.xlane v19, v1;
	v36 =	vperm.xlane v19, v60  }
0x22: {  	v6 =	vimm.s32 $0x9;
	v32 =	vperm.xlane v2, v18;
	v31 =	vperm.xlane v2, v40  }
0x23: {  	v5 =	vimm.s32 $0xA;
	v30 =	vperm.xlane v2, v44;
	v29 =	vperm.xlane v2, v48  }
0x24: {  	v16 =	vimm.s32 $0x8;
	v28 =	vperm.xlane v2, v51;
	v35 =	vperm.xlane v2, v21  }
0x25: {  	v8 =	vimm.s32 $0xB;
	v45 =	vperm.xlane v2, v20;
	v46 =	vperm.xlane v2, v17  }
0x26: {  	v0 =	vimm.s32 $0xE;
	v6 =	vperm.xlane v2, v6;
	v26 =	vperm.xlane v2, v5  }
0x27: {  	v7 =	vimm.s32 $0xC;
	v41 =	vperm.xlane v19, v0;
	v56 =	vperm.xlane v2, v16  }
0x28: {  	v8 =	vperm.xlane v2, v8;
	v33 =	vperm.xlane v2, v7;
	vm0 =	veq.s32 v19, v15  }
0x29: {  	vm1 =	veq.s32 v19, v14;
	vm2 =	veq.s32 v2, v15;
	vm13 =	veq.s32 v19, v13  }
0x2a: {  	vm3 =	veq.s32 v2, v14;
	vm14 =	veq.s32 v19, v12;
	vm9 =	veq.s32 v2, v13  }
0x2b: {  	vm10 =	veq.s32 v19, v11;
	vm6 =	veq.s32 v2, v11;
	vm7 =	veq.s32 v19, v9  }
0x2c: {  	v5 =	vld [tilespmem:$0x80];
	vm5 =	veq.s32 v2, v52;
	vm0 =	vmand vm0, vm8;
	vm1 =	vmand vm1, vm11  }
0x2d: {  	vm2 =	vmor vm2, vm3;
	vm3 =	veq.s32 v19, v61;
	vm0 =	vmor vm0, vm1  }
0x2e: {  	vm1 =	vmand vm13, vm4;
	vm2 =	vmor vm2, vm9;
	vm13 =	veq.s32 v2, v12  }
0x2f: {  	vm9 =	veq.s32 v2, v10;
	vm4 =	veq.s32 v2, v57;
	vm0 =	vmor vm0, vm1  }
0x30: {  	vm1 =	vmand vm14, vm15;
	vm2 =	vmor vm2, vm13;
	vm14 =	veq.s32 v19, v10  }
0x31: {  	vm15 =	vcmask $0x3F18;
	vm13 =	vcmask $0x3F1C;
	v34 =	vperm.xlane v5, v18  }
0x32: {  	v39 =	vperm.xlane v5, v40;
	vm0 =	vmor vm0, vm1;
	vm1 =	vmand vm10, vm12  }
0x33: {  	vm2 =	vmor vm2, vm6;
	vm10 =	veq.s32 v19, v3;
	vm12 =	vcmask $0x3F20  }
0x34: {  	vm6 =	veq.s32 v2, v3;
	vm0 =	vmor vm0, vm1;
	vm1 =	vmand vm14, vm15  }
0x35: {  	vm2 =	vmor vm2, vm9;
	vm14 =	veq.s32 v2, v9;
	vm15 =	veq.s32 v19, v4  }
0x36: {  	vm9 =	vcmask $0x3F24;
	vm0 =	vmor vm0, vm1;
	vm1 =	vmand vm7, vm13  }
0x37: {  	vm2 =	vmor vm2, vm14;
	vm7 =	veq.s32 v19, v63;
	vm14 =	veq.s32 v2, v4  }
0x38: {  	vm0 =	vmor vm0, vm1;
	vm1 =	vmand vm10, vm12;
	vm2 =	vmor vm2, vm6  }
0x39: {  	vm10 =	vcmask $0x3F28;
	vm6 =	vcmask $0x3F2C;
	vm0 =	vmor vm0, vm1  }
0x3a: {  	vm1 =	vmand vm15, vm9;
	vm2 =	vmor vm2, vm14;
	vm15 =	veq.s32 v2, v63  }
0x3b: {  	vm14 =	veq.s32 v2, v61;
	vm0 =	vmor vm0, vm1;
	vm1 =	vmand vm7, vm10  }
0x3c: {  	vm3 =	vmand vm3, vm6;
	vm0 =	vmor vm0, vm1;
	vm1 =	vmor vm2, vm15  }
0x3d: {  	vm7 =	veq.s32 v2, v47;
	vm15 =	veq.s32 v19, v57;
	vm1 =	vmor vm1, vm14  }
0x3e: {  	vm2 =	veq.s32 v2, v31;
	vm0 =	vmor vm0, vm3;
	vm1 =	vmor vm1, vm4  }
0x3f: {  	vm3 =	veq.s32 v2, v36;
	vm4 =	vcmask $0x3F30;
	vm1 =	vmor vm1, vm5  }
0x40: {  	vm5 =	veq.s32 v2, v41;
	vm15 =	vmand vm15, vm4;
	vm1 =	vmor vm1, vm7  }
0x41: {  	vm7 =	veq.s32 v2, v32;
	vm0 =	vmor vm0, vm15;
	vm15 =	veq.s32 v19, v52  }
0x42: {  	vm1 =	vmor vm1, vm5;
	vm14 =	vmand vm7, vm8;
	vm5 =	vcmask $0x3F34  }
0x43: {  	vm7 =	vcmask $0x3F0C;
	vm1 =	vmor vm1, vm3;
	vm3 =	veq.s32 v2, v30  }
0x44: {  	vm15 =	vmand vm15, vm5;
	vm1 =	vmor vm1, vm14;
	vm14 =	vmand vm2, vm11  }
0x45: {  	vm2 =	vmor vm0, vm15;
	vm1 =	vmor vm1, vm14;
	vm14 =	vmand vm3, vm7  }
0x46: {  	vm15 =	vcmask $0x3F10;
	vm1 =	vmor vm1, vm14;
	vm14 =	veq.s32 v2, v29  }
0x47: {  	v53 =	vperm.xlane v5, v44;
	v20 =	vperm.xlane v5, v48;
	vm14 =	vmand vm14, vm15  }
0x48: {  	vm15 =	veq.s32 v2, v28;
	vm1 =	vmor vm1, vm14;
	vm14 =	vcmask $0x3F14  }
0x49: {  	vm3 =	vmand vm15, vm14;
	vm14 =	veq.s32 v2, v35;
	vm15 =	vcmask $0x3F18  }
0x4a: {  	vm1 =	vmor vm1, vm3;
	vm14 =	vmand vm14, vm15;
	vm15 =	veq.s32 v2, v45  }
0x4b: {  	vm1 =	vmor vm1, vm14;
	vm0 =	vmand vm15, vm13;
	vm15 =	veq.s32 v2, v46  }
0x4c: {  	vm13 =	vmmov vm12;
	vm1 =	vmor vm1, vm0;
	vm3 =	vmand vm15, vm12  }
0x4d: {  	vm15 =	veq.s32 v2, v56;
	vm12 =	vmmov vm9;
	vm1 =	vmor vm1, vm3  }
0x4e: {  	vm14 =	vmand vm15, vm9;
	vm15 =	veq.s32 v19, v47;
	vm9 =	vcmask $0x3F38  }
0x4f: {  	v27 =	vld [tilespmem:$0x90];
	vm1 =	vmor vm1, vm14;
	vm14 =	vmand vm15, vm9;
	vm9 =	veq.s32 v2, v6  }
0x50: {  	vm15 =	vmand vm9, vm10;
	vm9 =	vmmov vm10;
	vm10 =	veq.s32 v2, v26  }
0x51: {  	vm3 =	vmor vm2, vm14;
	vm14 =	vcmask $0x3F3C;
	vm2 =	vmor vm1, vm15  }
0x52: {  	vm1 =	vmand vm10, vm6;
	vm15 =	veq.s32 v19, v41;
	vm10 =	veq.s32 v2, v8  }
0x53: {  	vm1 =	vmor vm2, vm1;
	vm0 =	vmand vm10, vm4;
	vm10 =	vmmov $0x3fff  }
0x54: {  	vm2 =	vmand vm15, vm14;
	vm15 =	veq.s32 v2, v33;
	v7 =	vnsel vm10, $0xFF800000, v27  }
0x55: {  	vm2 =	vmor vm3, vm2;
	vm0 =	vmor vm1, vm0;
	vm10 =	veq.f32 v34, v5  }
0x56: {  	vm1 =	vmand vm15, vm5;
	vm15 =	vmmov vm5;
	vm5 =	vmmov vm8  }
0x57: {  	[tilespmem:$0x1FFA0] =	vst v6;
	v6 =	vsel vm2, $0xFF800000, v5;
	vm2 =	vmand vm10, vm8;
	vm8 =	vgt.f32 v34, v5  }
0x58: {  	[tilespmem:$0x1FFB0] =	vst v26;
	v26 =	vperm.xlane v5, v51;
	vm0 =	vmor vm0, vm1;
	vm10 =	vmor vm8, vm2  }
0x59: {  	[tilespmem:$0x1FFC0] =	vst v8;
	v37 =	vperm.xlane v6, v18;
	v8 =	vsel vm0, $0xFF800000, v7;
	vm8 =	vge.f32 v34, v7  }
0x5a: {  	v43 =	vperm.xlane v6, v40;
	v55 =	vperm.xlane v6, v44;
	v38 =	vsel vm10, $0x1, v18  }
0x5b: {  	v16 =	vsel vm8, $0x1, v18;
	vm8 =	vlt.s32 v15, v19;
	vm10 =	veq.f32 v37, v6  }
0x5c: {  	v22 =	vperm.xlane v6, v48;
	vm0 =	vmand vm8, vm10;
	vm10 =	vgt.f32 v37, v6  }
0x5d: {  	vm8 =	veq.f32 v37, v8;
	vm0 =	vmor vm10, vm0;
	vm10 =	vlt.s32 v15, v2  }
0x5e: {  	vm1 =	vmand vm10, vm8;
	vm8 =	vgt.f32 v37, v8;
	vm10 =	veq.f32 v39, v5  }
0x5f: {  	vm1 =	vmor vm8, vm1;
	vm2 =	vmand vm10, vm11;
	vm8 =	vgt.f32 v39, v5  }
0x60: {  	[tilespmem:$0x1FFF0] =	vst v33;
	v33 =	vperm.xlane v6, v51;
	vm10 =	vmmov vm11;
	vm11 =	vmor vm8, vm2  }
0x61: {  	v42 =	vsel vm0, $0x1, v18;
	vm8 =	vge.f32 v39, v7;
	v50 =	vsel vm11, $0x1, v18  }
0x62: {  	[tilespmem:$0x1FE10] =	vst v16;
	v16 =	vsel vm8, $0x1, v18;
	vm11 =	veq.f32 v43, v6;
	vm8 =	vlt.s32 v14, v19  }
0x63: {  	v49 =	vsel vm1, $0x1, v18;
	vm0 =	vmand vm8, vm11;
	vm11 =	vgt.f32 v43, v6  }
0x64: {  	vm8 =	veq.f32 v43, v8;
	vm0 =	vmor vm11, vm0;
	vm11 =	vlt.s32 v14, v2  }
0x65: {  	vm1 =	vmand vm11, vm8;
	vm8 =	vgt.f32 v43, v8;
	vm11 =	veq.f32 v53, v5  }
0x66: {  	vm1 =	vmor vm8, vm1;
	vm2 =	vmand vm11, vm7;
	vm8 =	vgt.f32 v53, v5  }
0x67: {  	v39 =	vimm.s32 $0x5;
	vm11 =	vmmov vm7;
	vm7 =	vmor vm8, vm2  }
0x68: {  	[tilespmem:$0x1FE30] =	vst v42;
	v42 =	vperm.xlane v5, v39;
	vm8 =	vge.f32 v53, v7;
	v59 =	vsel vm7, $0x1, v18  }
0x69: {  	v62 =	vsel vm8, $0x1, v18;
	vm7 =	veq.f32 v55, v6;
	vm8 =	vlt.s32 v13, v19  }
0x6a: {  	v54 =	vsel vm0, $0x1, v18;
	vm0 =	vmand vm8, vm7;
	vm7 =	vgt.f32 v55, v6  }
0x6b: {  	vm8 =	veq.f32 v55, v8;
	vm0 =	vmor vm7, vm0;
	vm7 =	vlt.s32 v13, v2  }
0x6c: {  	[tilespmem:$0x1FE50] =	vst v49;
	v49 =	vperm.xlane v6, v39;
	v58 =	vsel vm1, $0x1, v18;
	vm1 =	vmand vm7, vm8  }
0x6d: {  	vm8 =	vgt.f32 v55, v8;
	vm7 =	veq.f32 v20, v5;
	v21 =	vsel vm0, $0x1, v18  }
0x6e: {  	[tilespmem:$0x1FE60] =	vst v58;
	v55 =	vimm.s32 $0x6;
	vm1 =	vmor vm8, vm1;
	vm8 =	vcmask $0x3F10  }
0x6f: {  	[tilespmem:$0x1FE80] =	vst v62;
	v58 =	vperm.xlane v5, v55;
	vm2 =	vmand vm7, vm8;
	vm7 =	vgt.f32 v20, v5  }
0x70: {  	[tilespmem:$0x1FE90] =	vst v21;
	v62 =	vperm.xlane v6, v55;
	v21 =	vimm.s32 $0x7;
	vm8 =	vmor vm7, vm2  }
0x71: {  	v23 =	vsel vm1, $0x1, v18;
	vm7 =	vge.f32 v20, v7;
	v24 =	vsel vm8, $0x1, v18  }
0x72: {  	v25 =	vsel vm7, $0x1, v18;
	vm8 =	veq.f32 v22, v6;
	vm7 =	vlt.s32 v12, v19  }
0x73: {  	vm0 =	vmand vm7, vm8;
	vm8 =	vgt.f32 v22, v6;
	vm7 =	veq.f32 v22, v8  }
0x74: {  	[tilespmem:$0x1FEB0] =	vst v24;
	v24 =	vperm.xlane v6, v21;
	vm0 =	vmor vm8, vm0;
	vm8 =	vlt.s32 v12, v2  }
0x75: {  	[tilespmem:$0x1FEC0] =	vst v25;
	v25 =	vimm.s32 $0x8;
	vm1 =	vmand vm8, vm7;
	vm7 =	vgt.f32 v22, v8  }
0x76: {  	vm8 =	veq.f32 v26, v5;
	vm1 =	vmor vm7, vm1;
	vm7 =	vcmask $0x3F14  }
0x77: {  	v12 =	vimm.s32 $0xA;
	vm2 =	vmand vm8, vm7;
	vm8 =	vgt.f32 v26, v5  }
0x78: {  	v27 =	vsel vm0, $0x1, v18;
	v22 =	vperm.xlane v5, v21;
	vm7 =	vmor vm8, vm2  }
0x79: {  	v13 =	vperm.xlane v5, v12;
	vm8 =	vge.f32 v26, v7;
	v37 =	vsel vm7, $0x1, v18  }
0x7a: {  	[tilespmem:$0x1FDF0] =	vst v38;
	v38 =	vsel vm8, $0x1, v18;
	vm7 =	veq.f32 v33, v6;
	vm8 =	vlt.s32 v11, v19  }
0x7b: {  	v14 =	vperm.xlane v6, v12;
	vm0 =	vmand vm8, vm7;
	vm7 =	vgt.f32 v33, v6  }
0x7c: {  	vm8 =	veq.f32 v33, v8;
	vm0 =	vmor vm7, vm0;
	vm7 =	vlt.s32 v11, v2  }
0x7d: {  	v34 =	vsel vm1, $0x1, v18;
	vm1 =	vmand vm7, vm8;
	vm8 =	vgt.f32 v33, v8  }
0x7e: {  	vm7 =	veq.f32 v42, v5;
	vm1 =	vmor vm8, vm1;
	vm8 =	vcmask $0x3F18  }
0x7f: {  	[tilespmem:$0x1FED0] =	vst v27;
	v27 =	vperm.xlane v6, v25;
	vm2 =	vmand vm7, vm8;
	vm7 =	vgt.f32 v42, v5  }
0x80: {  	v26 =	vperm.xlane v5, v25;
	v43 =	vsel vm0, $0x1, v18;
	vm8 =	vmor vm7, vm2  }
0x81: {  	v33 =	vimm.s32 $0x9;
	vm7 =	vge.f32 v42, v7;
	v53 =	vsel vm8, $0x1, v18  }
0x82: {  	[tilespmem:$0x1FE40] =	vst v54;
	v54 =	vsel vm7, $0x1, v18;
	vm8 =	veq.f32 v49, v6;
	vm7 =	vlt.s32 v10, v19  }
0x83: {  	[tilespmem:$0x1FEE0] =	vst v34;
	v34 =	vperm.xlane v5, v33;
	vm0 =	vmand vm7, vm8;
	vm8 =	vgt.f32 v49, v6  }
0x84: {  	vm7 =	veq.f32 v49, v8;
	vm0 =	vmor vm8, vm0;
	vm8 =	vlt.s32 v10, v2  }
0x85: {  	[tilespmem:$0x1FE00] =	vst v50;
	v50 =	vsel vm1, $0x1, v18;
	vm1 =	vmand vm8, vm7;
	vm7 =	vgt.f32 v49, v8  }
0x86: {  	vm8 =	veq.f32 v58, v5;
	vm1 =	vmor vm7, vm1;
	vm7 =	vcmask $0x3F1C  }
0x87: {  	v55 =	vperm.xlane v6, v33;
	vm2 =	vmand vm8, vm7;
	vm8 =	vgt.f32 v58, v5  }
0x88: {  	v42 =	vimm.s32 $0xC;
	v10 =	vperm.xlane v8, v18;
	vm7 =	vmor vm8, vm2  }
0x89: {  	[tilespmem:$0x1FE70] =	vst v59;
	v59 =	vsel vm0, $0x1, v18;
	vm8 =	vge.f32 v58, v7;
	v17 =	vsel vm7, $0x1, v18  }
0x8a: {  	v20 =	vsel vm8, $0x1, v18;
	vm7 =	veq.f32 v62, v6;
	vm8 =	vlt.s32 v9, v19  }
0x8b: {  	[tilespmem:$0x1FE20] =	vst v16;
	v16 =	vsel vm1, $0x1, v18;
	vm0 =	vmand vm8, vm7;
	vm7 =	vgt.f32 v62, v6  }
0x8c: {  	vm8 =	veq.f32 v62, v8;
	vm0 =	vmor vm7, vm0;
	vm7 =	vlt.s32 v9, v2  }
0x8d: {  	vm1 =	vmand vm7, vm8;
	vm8 =	vgt.f32 v62, v8;
	vm7 =	veq.f32 v22, v5  }
0x8e: {  	vm1 =	vmor vm8, vm1;
	vm8 =	vmand vm7, vm13;
	vm13 =	vgt.f32 v22, v5  }
0x8f: {  	[tilespmem:$0x1FEA0] =	vst v23;
	v9 =	vperm.xlane v7, v18;
	v23 =	vsel vm0, $0x1, v18;
	vm7 =	vmor vm13, vm8  }
0x90: {  	v62 =	vsel vm1, $0x1, v18;
	vm8 =	vge.f32 v22, v7;
	vm13 =	veq.f32 v24, v6  }
0x91: {  	[tilespmem:$0x1FF50] =	vst v59;
	v22 =	vimm.s32 $0xB;
	v59 =	vsel vm7, $0x1, v18;
	v58 =	vsel vm8, $0x1, v18  }
0x92: {  	[tilespmem:$0x1FF90] =	vst v23;
	vm7 =	vlt.s32 v3, v19;
	vm8 =	vgt.f32 v24, v6;
	v23 =	vperm.xlane v5, v22  }
0x93: {  	vm0 =	vmand vm7, vm13;
	vm13 =	veq.f32 v24, v8;
	vm7 =	vlt.s32 v3, v2  }
0x94: {  	vm0 =	vmor vm8, vm0;
	vm1 =	vmand vm7, vm13;
	vm8 =	vgt.f32 v24, v8  }
0x95: {  	v3 =	vperm.xlane v5, v60;
	vm13 =	veq.f32 v26, v5;
	vm1 =	vmor vm8, vm1  }
0x96: {  	[tilespmem:$0x1FF40] =	vst v54;
	vm7 =	vmand vm13, vm12;
	vm8 =	vgt.f32 v26, v5;
	v54 =	vsel vm0, $0x1, v18  }
0x97: {  	[tilespmem:$0x1FF30] =	vst v53;
	vm13 =	vge.f32 v26, v7;
	vm12 =	vmor vm8, vm7;
	v53 =	vsel vm1, $0x1, v18  }
0x98: {  	v49 =	vsel vm13, $0x1, v18;
	vm7 =	veq.f32 v27, v6;
	vm8 =	vlt.s32 v4, v19  }
0x99: {  	[tilespmem:$0x1FF20] =	vst v50;
	vm13 =	veq.f32 v27, v8;
	v50 =	vsel vm12, $0x1, v18;
	vm0 =	vmand vm8, vm7  }
0x9a: {  	vm12 =	vgt.f32 v27, v6;
	vm7 =	vlt.s32 v4, v2;
	vm8 =	vgt.f32 v27, v8  }
0x9b: {  	vm0 =	vmor vm12, vm0;
	vm1 =	vmand vm7, vm13;
	vm12 =	veq.f32 v34, v5  }
0x9c: {  	vm7 =	vge.f32 v34, v7;
	vm1 =	vmor vm8, vm1;
	vm13 =	vmand vm12, vm9  }
0x9d: {  	[tilespmem:$0x1FF10] =	vst v43;
	vm8 =	vmmov vm9;
	vm12 =	vgt.f32 v34, v5;
	v43 =	vsel vm0, $0x1, v18  }
0x9e: {  	[tilespmem:$0x1FEF0] =	vst v37;
	v37 =	vsel vm7, $0x1, v18;
	vm9 =	veq.f32 v55, v6;
	vm7 =	veq.f32 v55, v8  }
0x9f: {  	v34 =	vperm.xlane v6, v22;
	v22 =	vperm.xlane v5, v1;
	vm13 =	vmor vm12, vm13  }
0xa0: {  	[tilespmem:$0x1FF00] =	vst v38;
	v38 =	vsel vm1, $0x1, v18;
	vm12 =	vlt.s32 v63, v19;
	v39 =	vsel vm13, $0x1, v18  }
0xa1: {  	vm0 =	vmand vm12, vm9;
	vm13 =	vgt.f32 v55, v6;
	vm9 =	vlt.s32 v63, v2  }
0xa2: {  	vm12 =	vgt.f32 v55, v8;
	v55 =	vperm.xlane v5, v42;
	v63 =	vperm.xlane v6, v1  }
0xa3: {  	v1 =	vperm.xlane v6, v0;
	vm0 =	vmor vm13, vm0;
	vm1 =	vmand vm9, vm7  }
0xa4: {  	vm13 =	veq.f32 v13, v5;
	vm9 =	vgt.f32 v13, v5;
	vm1 =	vmor vm12, vm1  }
0xa5: {  	vm7 =	vmand vm13, vm6;
	v33 =	vsel vm0, $0x1, v18;
	vm13 =	vge.f32 v13, v7  }
0xa6: {  	vm3 =	vgt.f32 v1, v6;
	vm12 =	vmor vm9, vm7;
	v24 =	vsel vm1, $0x1, v18  }
0xa7: {  	[tilespmem:$0x1FF70] =	vst v17;
	v17 =	vsel vm13, $0x1, v18;
	vm7 =	veq.f32 v14, v6;
	vm9 =	vlt.s32 v61, v19  }
0xa8: {  	[tilespmem:$0x1FF80] =	vst v20;
	vm13 =	veq.f32 v14, v8;
	v20 =	vsel vm12, $0x1, v18;
	vm0 =	vmand vm9, vm7  }
0xa9: {  	vm12 =	vgt.f32 v14, v6;
	vm7 =	vlt.s32 v61, v2;
	vm9 =	vgt.f32 v14, v8  }
0xaa: {  	v61 =	vperm.xlane v6, v42;
	vm0 =	vmor vm12, vm0;
	vm1 =	vmand vm7, vm13  }
0xab: {  	vm12 =	veq.f32 v23, v5;
	vm7 =	vmmov vm4;
	vm1 =	vmor vm9, vm1  }
0xac: {  	vm13 =	vmand vm12, vm4;
	vm9 =	vgt.f32 v23, v5;
	v13 =	vsel vm0, $0x1, v18  }
0xad: {  	vm4 =	veq.f32 v34, v6;
	vm12 =	vmor vm9, vm13;
	v12 =	vsel vm1, $0x1, v18  }
0xae: {  	vm13 =	vge.f32 v23, v7;
	vm9 =	vlt.s32 v57, v19;
	v26 =	vsel vm12, $0x1, v18  }
0xaf: {  	v23 =	vsel vm13, $0x1, v18;
	vm0 =	vmand vm9, vm4;
	vm12 =	vgt.f32 v34, v6  }
0xb0: {  	vm13 =	veq.f32 v34, v8;
	vm4 =	vlt.s32 v57, v2;
	vm9 =	vgt.f32 v34, v8  }
0xb1: {  	vm0 =	vmor vm12, vm0;
	vm1 =	vmand vm4, vm13;
	vm12 =	veq.f32 v55, v5  }
0xb2: {  	vm4 =	vgt.f32 v61, v6;
	vm1 =	vmor vm9, vm1;
	vm13 =	vmand vm12, vm15  }
0xb3: {  	vm15 =	vgt.f32 v55, v5;
	v21 =	vsel vm0, $0x1, v18;
	vm12 =	vge.f32 v55, v7  }
0xb4: {  	v55 =	vperm.xlane v5, v0;
	vm9 =	vmor vm15, vm13;
	v14 =	vsel vm1, $0x1, v18  }
0xb5: {  	v11 =	vsel vm12, $0x1, v18;
	vm13 =	veq.f32 v61, v6;
	vm15 =	vlt.s32 v52, v19  }
0xb6: {  	[tilespmem:$0x1FF60] =	vst v16;
	vm12 =	vlt.s32 v52, v2;
	v16 =	vsel vm9, $0x1, v18;
	vm0 =	vmand vm15, vm13  }
0xb7: {  	vm9 =	veq.f32 v61, v8;
	vm13 =	vgt.f32 v61, v8;
	vm15 =	veq.f32 v22, v5  }
0xb8: {  	vm0 =	vmor vm4, vm0;
	vm1 =	vmand vm12, vm9;
	vm4 =	vcmask $0x3F38  }
0xb9: {  	vm9 =	vgt.f32 v22, v5;
	vm1 =	vmor vm13, vm1;
	vm2 =	vmand vm15, vm4  }
0xba: {  	v15 =	vsel vm0, $0x1, v18;
	vm13 =	vge.f32 v22, v7;
	vm15 =	veq.f32 v63, v6  }
0xbb: {  	vm4 =	vlt.s32 v47, v19;
	vm12 =	vmor vm9, vm2;
	v25 =	vsel vm1, $0x1, v18  }
0xbc: {  	v42 =	vsel vm13, $0x1, v18;
	vm0 =	vmand vm4, vm15;
	vm1 =	vgt.f32 v63, v6  }
0xbd: {  	vm2 =	veq.f32 v63, v8;
	vm9 =	vlt.s32 v47, v2;
	vm4 =	veq.f32 v55, v5  }
0xbe: {  	vm13 =	vlt.s32 v41, v19;
	vm15 =	vlt.s32 v41, v2;
	v27 =	vsel vm12, $0x1, v18  }
0xbf: {  	vm0 =	vmor vm1, vm0;
	vm1 =	vmand vm9, vm2;
	vm2 =	vmand vm4, vm14  }
0xc0: {  	vm9 =	vgt.f32 v63, v8;
	vm4 =	vgt.f32 v55, v5;
	vm12 =	veq.f32 v1, v6  }
0xc1: {  	vm14 =	veq.f32 v1, v8;
	vm1 =	vmor vm9, vm1;
	v34 =	vsel vm0, $0x1, v18  }
0xc2: {  	vm9 =	vmor vm4, vm2;
	vm0 =	vmand vm13, vm12;
	vm2 =	vge.f32 v55, v7  }
0xc3: {  	v55 =	vperm.xlane v6, v60;
	vm4 =	vgt.f32 v3, v5;
	vm13 =	vlt.s32 v36, v19  }
0xc4: {  	v22 =	vsel vm1, $0x1, v18;
	v61 =	vsel vm9, $0x1, v18;
	vm1 =	vmand vm15, vm14  }
0xc5: {  	vm9 =	vgt.f32 v1, v8;
	v57 =	vsel vm2, $0x1, v18;
	vm0 =	vmor vm3, vm0  }
0xc6: {  	v60 =	vsel vm4, $0x1, v18;
	vm15 =	vlt.s32 v36, v2;
	vm1 =	vmor vm9, vm1  }
0xc7: {  	v52 =	vsel vm0, $0x1, v18;
	vm9 =	vge.f32 v3, v7;
	vm12 =	veq.f32 v55, v6  }
0xc8: {  	vm14 =	veq.f32 v55, v8;
	vm2 =	vgt.f32 v55, v6;
	v3 =	vperm.xlane v7, v40  }
0xc9: {  	vm3 =	vgt.f32 v55, v8;
	v40 =	vperm.xlane v8, v40;
	v55 =	vperm.xlane v7, v44  }
0xca: {  	v44 =	vperm.xlane v8, v44;
	v47 =	vsel vm1, $0x1, v18;
	v4 =	vsel vm9, $0x1, v18  }
0xcb: {  	vm0 =	vmand vm13, vm12;
	vm1 =	vmand vm15, vm14;
	vm9 =	veq.f32 v9, v7  }
0xcc: {  	vm14 =	veq.f32 v10, v6;
	vm15 =	vlt.s32 v32, v19;
	vm13 =	vgt.f32 v9, v5  }
0xcd: {  	vm0 =	vmor vm2, vm0;
	vm1 =	vmor vm3, vm1;
	vm2 =	vmand vm9, vm5  }
0xce: {  	vm3 =	vgt.f32 v9, v7;
	vm9 =	vgt.f32 v10, v6;
	v36 =	vsel vm13, $0x1, v18  }
0xcf: {  	vm5 =	veq.f32 v40, v6;
	vm4 =	vgt.f32 v3, v7;
	v9 =	vperm.xlane v7, v51  }
0xd0: {  	v51 =	vperm.xlane v8, v51;
	v41 =	vsel vm0, $0x1, v18;
	vm0 =	vmand vm15, vm14  }
0xd1: {  	vm2 =	vmor vm3, vm2;
	vm14 =	veq.f32 v10, v8;
	vm15 =	vlt.s32 v32, v2  }
0xd2: {  	vm3 =	veq.f32 v3, v7;
	[tilespmem:$0x1FFE0] =	vst v41;
	vm0 =	vmor vm9, vm0;
	v41 =	vsel vm1, $0x1, v18  }
0xd3: {  	vm1 =	vmand vm15, vm14;
	v63 =	vsel vm2, $0x1, v18;
	vm2 =	vgt.f32 v10, v8  }
0xd4: {  	vm9 =	vlt.s32 v31, v19;
	v10 =	vperm.xlane v7, v48;
	v48 =	vperm.xlane v8, v48  }
0xd5: {  	vm2 =	vmor vm2, vm1;
	vm1 =	vmand vm3, vm10;
	vm3 =	vmand vm9, vm5  }
0xd6: {  	v32 =	vsel vm0, $0x1, v18;
	vm5 =	vgt.f32 v40, v6;
	vm9 =	veq.f32 v40, v8  }
0xd7: {  	vm10 =	vlt.s32 v31, v2;
	vm0 =	veq.f32 v44, v6;
	vm13 =	vmor vm4, vm1  }
0xd8: {  	vm3 =	vmor vm5, vm3;
	vm5 =	vmand vm10, vm9;
	vm9 =	vgt.f32 v40, v8  }
0xd9: {  	vm10 =	veq.f32 v55, v7;
	vm4 =	vgt.f32 v55, v7;
	v31 =	vsel vm2, $0x1, v18  }
0xda: {  	vm2 =	vlt.s32 v30, v19;
	vm12 =	veq.f32 v10, v7;
	vm15 =	vmor vm9, vm5  }
0xdb: {  	vm14 =	vmand vm10, vm11;
	vm5 =	veq.f32 v44, v8;
	vm10 =	vlt.s32 v30, v2  }
0xdc: {  	vm0 =	vmand vm2, vm0;
	vm9 =	vlt.s32 v29, v19;
	v30 =	vsel vm13, $0x1, v18  }
0xdd: {  	vm4 =	vmor vm4, vm14;
	vm2 =	vmand vm10, vm5;
	vm5 =	vgt.f32 v44, v6  }
0xde: {  	vm10 =	vgt.f32 v44, v8;
	vm14 =	vcmask $0x3F10;
	vm1 =	vmor vm5, vm0  }
0xdf: {  	vm11 =	vmor vm10, vm2;
	vm2 =	vmand vm12, vm14;
	vm5 =	veq.f32 v48, v6  }
0xe0: {  	vm0 =	vgt.f32 v10, v7;
	vm10 =	vmand vm9, vm5;
	vm5 =	vgt.f32 v48, v6  }
0xe1: {  	vm9 =	veq.f32 v48, v8;
	vm10 =	vmor vm5, vm10;
	vm5 =	vlt.s32 v29, v2  }
0xe2: {  	vm12 =	vmor vm0, vm2;
	vm0 =	vmand vm5, vm9;
	vm9 =	vgt.f32 v48, v8  }
0xe3: {  	vm5 =	veq.f32 v9, v7;
	vm13 =	vmor vm9, vm0;
	vm9 =	vcmask $0x3F14  }
0xe4: {  	vm14 =	vgt.f32 v9, v7;
	vm0 =	vmand vm5, vm9  }
0xe5: {  	vm5 =	veq.f32 v51, v6;
	vm9 =	vmor vm14, vm0;
	vm14 =	vlt.s32 v28, v19  }
0xe6: {  	[tilespmem:$0x1FFD0] =	vst v4;
	v4 =	vld [tilespmem:$0x1FE00];
	vm0 =	vmand vm14, vm5  }
0xe7: {  	vm5 =	vlt.s32 v28, v2;
	v28 =	vsel vm3, $0x1, v18;
	vm3 =	vgt.f32 v55, v5;
	v55 =	vld [tilespmem:$0x1FDF0];
	_ =	sdelay $0x3  }
0xe8: {  	v1 =	vld [tilespmem:$0x1FE10]  }
0xe9: {  	v0 =	vadd.s32 v55, v4;
	v55 =	vld [tilespmem:$0x1FE20];
	_ =	sdelay $0x4  }
0xea: {  	vm2 =	vgt.f32 v3, v5;
	v3 =	vadd.s32 v1, v55;
	v1 =	vld [tilespmem:$0x1FE30]  }
0xeb: {  	v55 =	vld [tilespmem:$0x1FE40];
	_ =	sdelay $0x3  }
0xec: {  	v4 =	vld [tilespmem:$0x1FE50]  }
0xed: {  	v1 =	vadd.s32 v1, v55;
	v55 =	vld [tilespmem:$0x1FE60];
	_ =	sdelay $0x4  }
0xee: {  	v4 =	vadd.s32 v55, v4;
	v55 =	vld [tilespmem:$0x1FE70];
	_ =	sdelay $0x4  }
0xef: {  	v0 =	vadd.s32 v55, v0;
	v55 =	vld [tilespmem:$0x1FE80];
	_ =	sdelay $0x4  }
0xf0: {  	v3 =	vadd.s32 v55, v3;
	v55 =	vld [tilespmem:$0x1FE90];
	_ =	sdelay $0x4  }
0xf1: {  	v1 =	vadd.s32 v55, v1;
	v55 =	vld [tilespmem:$0x1FEA0];
	_ =	sdelay $0x4  }
0xf2: {  	v4 =	vadd.s32 v55, v4;
	v55 =	vld [tilespmem:$0x1FEB0];
	_ =	sdelay $0x4  }
0xf3: {  	v0 =	vadd.s32 v55, v0;
	v55 =	vld [tilespmem:$0x1FEC0];
	_ =	sdelay $0x4  }
0xf4: {  	v3 =	vadd.s32 v55, v3;
	v55 =	vld [tilespmem:$0x1FED0];
	_ =	sdelay $0x4  }
0xf5: {  	v1 =	vadd.s32 v55, v1;
	v55 =	vld [tilespmem:$0x1FEE0];
	_ =	sdelay $0x4  }
0xf6: {  	v4 =	vadd.s32 v55, v4;
	v55 =	vld [tilespmem:$0x1FEF0];
	_ =	sdelay $0x4  }
0xf7: {  	v0 =	vadd.s32 v55, v0;
	v55 =	vld [tilespmem:$0x1FF00];
	_ =	sdelay $0x4  }
0xf8: {  	v3 =	vadd.s32 v55, v3;
	v55 =	vld [tilespmem:$0x1FF10];
	_ =	sdelay $0x4  }
0xf9: {  	v1 =	vadd.s32 v55, v1;
	v55 =	vld [tilespmem:$0x1FF20];
	_ =	sdelay $0x4  }
0xfa: {  	v4 =	vadd.s32 v55, v4;
	v55 =	vld [tilespmem:$0x1FF30];
	_ =	sdelay $0x4  }
0xfb: {  	v0 =	vadd.s32 v55, v0;
	v55 =	vld [tilespmem:$0x1FF40];
	_ =	sdelay $0x4  }
0xfc: {  	v3 =	vadd.s32 v55, v3;
	v55 =	vld [tilespmem:$0x1FF50];
	_ =	sdelay $0x4  }
0xfd: {  	v1 =	vadd.s32 v55, v1;
	v55 =	vld [tilespmem:$0x1FF60];
	_ =	sdelay $0x3  }
0xfe: {  	v40 =	vsel vm15, $0x1, v18;
	vm15 =	vgt.f32 v10, v5  }
0xff: {  	v44 =	vsel vm1, $0x1, v18;
	v29 =	vsel vm2, $0x1, v18;
	v4 =	vadd.s32 v55, v4;
	v55 =	vld [tilespmem:$0x1FF70]  }
0x100: {  	vm2 =	veq.f32 v51, v8;
	vm14 =	vgt.f32 v51, v6;
	v10 =	vsel vm9, $0x1, v18  }
0x101: {  	vm9 =	vcmask $0x3F18;
	vm2 =	vmand vm5, vm2;
	v4 =	vadd.s32 v62, v4  }
0x102: {  	vm5 =	vgt.f32 v51, v8;
	vm0 =	vmor vm14, vm0;
	v4 =	vadd.s32 v53, v4  }
0x103: {  	v48 =	vsel vm3, $0x1, v18;
	v51 =	vsel vm4, $0x1, v18;
	v4 =	vadd.s32 v38, v4  }
0x104: {  	vm4 =	vgt.f32 v9, v5;
	v4 =	vadd.s32 v24, v4;
	v0 =	vadd.s32 v55, v0;
	v55 =	vld [tilespmem:$0x1FF80]  }
0x105: {  	vm14 =	vmor vm5, vm2;
	v4 =	vadd.s32 v12, v4;
	v0 =	vadd.s32 v59, v0  }
0x106: {  	v12 =	vsel vm10, $0x1, v18;
	v53 =	vadd.s32 v14, v4;
	v0 =	vadd.s32 v50, v0  }
0x107: {  	v4 =	vsel vm14, $0x1, v18;
	v62 =	vadd.s32 v25, v53;
	v0 =	vadd.s32 v39, v0  }
0x108: {  	v53 =	vimm.s32 $0x9;
	v22 =	vadd.s32 v22, v62;
	v20 =	vadd.s32 v20, v0  }
0x109: {  	v0 =	vsel vm15, $0x1, v18;
	v22 =	vadd.s32 v47, v22;
	v3 =	vadd.s32 v55, v3;
	v55 =	vld [tilespmem:$0x1FF90]  }
0x10a: {  	v22 =	vadd.s32 v41, v22;
	v3 =	vadd.s32 v58, v3;
	v58 =	vimm.s32 $0x6  }
0x10b: {  	v22 =	vadd.s32 v31, v22;
	v3 =	vadd.s32 v49, v3;
	v49 =	vimm.s32 $0x5  }
0x10c: {  	v59 =	vperm.xlane v7, v58;
	v3 =	vadd.s32 v37, v3;
	v50 =	vperm.xlane v7, v49  }
0x10d: {  	v22 =	vadd.s32 v40, v22;
	v3 =	vadd.s32 v17, v3;
	v17 =	vsel vm11, $0x1, v18  }
0x10e: {  	v1 =	vadd.s32 v55, v1;
	v3 =	vadd.s32 v23, v3;
	vm5 =	veq.f32 v50, v7  }
0x10f: {  	v55 =	vperm.xlane v8, v49;
	vm10 =	vgt.f32 v50, v7;
	vm11 =	vgt.f32 v50, v5  }
0x110: {  	v17 =	vadd.s32 v17, v22;
	v1 =	vadd.s32 v54, v1;
	v54 =	vadd.s32 v11, v3  }
0x111: {  	v3 =	vsel vm0, $0x1, v18;
	vm0 =	vmand vm5, vm9;
	v9 =	vsel vm11, $0x1, v18  }
0x112: {  	vm5 =	vlt.s32 v35, v2;
	vm11 =	vgt.f32 v59, v5;
	v1 =	vadd.s32 v43, v1  }
0x113: {  	v43 =	vadd.s32 v26, v20;
	v20 =	vsel vm4, $0x1, v18;
	vm0 =	vmor vm10, vm0  }
0x114: {  	vm15 =	vgt.f32 v55, v6;
	vm4 =	veq.f32 v55, v8;
	vm9 =	vgt.f32 v55, v8  }
0x115: {  	vm10 =	veq.f32 v59, v7;
	v24 =	vsel vm11, $0x1, v18;
	v1 =	vadd.s32 v33, v1  }
0x116: {  	v16 =	vadd.s32 v16, v43;
	v14 =	vsel vm0, $0x1, v18;
	vm1 =	vmand vm5, vm4  }
0x117: {  	v33 =	vadd.s32 v42, v54;
	v54 =	vperm.xlane v7, v53;
	v39 =	vadd.s32 v13, v1  }
0x118: {  	v13 =	vsel vm12, $0x1, v18;
	v1 =	vsel vm13, $0x1, v18;
	vm12 =	veq.f32 v55, v6  }
0x119: {  	vm13 =	vlt.s32 v35, v19;
	vm1 =	vmor vm9, vm1;
	v35 =	vperm.xlane v8, v58  }
0x11a: {  	v27 =	vadd.s32 v27, v16;
	v33 =	vadd.s32 v57, v33;
	v21 =	vadd.s32 v21, v39  }
0x11b: {  	vm14 =	vmand vm13, vm12;
	v23 =	vsel vm1, $0x1, v18;
	vm12 =	vgt.f32 v59, v7  }
0x11c: {  	vm13 =	vcmask $0x3F1C;
	v39 =	vimm.s32 $0x7;
	v27 =	vadd.s32 v61, v27  }
0x11d: {  	v61 =	vimm.s32 $0xB;
	v1 =	vadd.s32 v1, v17;
	vm0 =	vmor vm15, vm14  }
0x11e: {  	v21 =	vadd.s32 v15, v21;
	vm14 =	veq.f32 v35, v6;
	vm15 =	vlt.s32 v45, v19  }
0x11f: {  	v43 =	vperm.xlane v7, v39;
	v62 =	vperm.xlane v7, v61;
	v27 =	vadd.s32 v60, v27  }
0x120: {  	v1 =	vadd.s32 v4, v1;
	v11 =	vsel vm0, $0x1, v18;
	vm0 =	vmand vm10, vm13  }
0x121: {  	vm9 =	vmand vm15, vm14;
	vm10 =	vgt.f32 v35, v6;
	vm13 =	vlt.s32 v45, v2  }
0x122: {  	vm14 =	vgt.f32 v35, v8;
	v45 =	vperm.xlane v8, v39;
	v21 =	vadd.s32 v34, v21  }
0x123: {  	v27 =	vadd.s32 v36, v27;
	v1 =	vadd.s32 v23, v1;
	vm0 =	vmor vm12, vm0  }
0x124: {  	vm11 =	vmor vm10, vm9;
	vm12 =	veq.f32 v35, v8;
	vm15 =	veq.f32 v43, v7  }
0x125: {  	vm9 =	vgt.f32 v43, v7;
	vm10 =	vcmask $0x3F20;
	v21 =	vadd.s32 v52, v21  }
0x126: {  	v27 =	vadd.s32 v29, v27;
	v15 =	vsel vm0, $0x1, v18;
	vm1 =	vmand vm13, vm12  }
0x127: {  	v16 =	vsel vm11, $0x1, v18;
	vm0 =	vmand vm15, vm10;
	vm11 =	vgt.f32 v43, v5  }
0x128: {  	vm12 =	veq.f32 v45, v6;
	vm13 =	vlt.s32 v46, v19;
	vm15 =	vlt.s32 v46, v2  }
0x129: {  	vm5 =	veq.f32 v45, v8;
	v46 =	vimm.s32 $0x8;
	v27 =	vadd.s32 v48, v27  }
0x12a: {  	vm1 =	vmor vm14, vm1;
	vm0 =	vmor vm9, vm0;
	v26 =	vsel vm11, $0x1, v18  }
0x12b: {  	vm14 =	vgt.f32 v45, v6;
	vm9 =	vgt.f32 v45, v8;
	v49 =	vperm.xlane v7, v46  }
0x12c: {  	v50 =	vperm.xlane v8, v46;
	vm11 =	vcmask $0x3F24;
	v46 =	vperm.xlane v8, v53  }
0x12d: {  	v0 =	vadd.s32 v0, v27;
	v25 =	vsel vm1, $0x1, v18;
	vm1 =	vmand vm13, vm12  }
0x12e: {  	v38 =	vsel vm0, $0x1, v18;
	v0 =	vadd.s32 v20, v0;
	vm4 =	vmor vm14, vm1  }
0x12f: {  	vm1 =	vmand vm15, vm5;
	vm10 =	veq.f32 v49, v7;
	vm12 =	vgt.f32 v49, v7  }
0x130: {  	vm13 =	vgt.f32 v49, v5;
	vm14 =	veq.f32 v50, v6;
	vm15 =	vlt.s32 v56, v19  }
0x131: {  	vm5 =	veq.f32 v50, v8;
	v0 =	vadd.s32 v9, v0;
	v1 =	vadd.s32 v25, v1  }
0x132: {  	v55 =	vld [tilespmem:$0x1FFA0];
	vm1 =	vmor vm9, vm1;
	v34 =	vsel vm4, $0x1, v18;
	vm0 =	vmand vm10, vm11  }
0x133: {  	v35 =	vsel vm13, $0x1, v18;
	vm4 =	vgt.f32 v50, v6;
	vm9 =	vlt.s32 v56, v2  }
0x134: {  	vm10 =	vgt.f32 v50, v8;
	vm11 =	veq.f32 v54, v7;
	vm13 =	vgt.f32 v54, v7  }
0x135: {  	v56 =	vimm.s32 $0xA;
	v0 =	vadd.s32 v24, v0;
	v39 =	vsel vm1, $0x1, v18  }
0x136: {  	vm0 =	vmor vm12, vm0;
	vm1 =	vmand vm15, vm14;
	vm12 =	vgt.f32 v54, v5  }
0x137: {  	vm14 =	veq.f32 v46, v6;
	vm15 =	vlt.s32 v55, v19;
	v57 =	vperm.xlane v7, v56  }
0x138: {  	v58 =	vperm.xlane v8, v56;
	v56 =	vperm.xlane v8, v61;
	v0 =	vadd.s32 v26, v0  }
0x139: {  	v42 =	vsel vm0, $0x1, v18;
	vm0 =	vmor vm4, vm1;
	vm1 =	vmand vm9, vm5  }
0x13a: {  	v37 =	vsel vm12, $0x1, v18;
	vm4 =	vmand vm15, vm14;
	vm5 =	vgt.f32 v46, v6  }
0x13b: {  	vm9 =	veq.f32 v46, v8;
	v1 =	vadd.s32 v39, v1;
	v0 =	vadd.s32 v35, v0  }
0x13c: {  	vm1 =	vmor vm10, vm1;
	v43 =	vsel vm0, $0x1, v18;
	vm0 =	vmand vm11, vm8  }
0x13d: {  	v59 =	vld [tilespmem:$0x1FFB0];
	vm8 =	vmor vm5, vm4;
	vm10 =	vlt.s32 v55, v2;
	vm11 =	vgt.f32 v46, v8  }
0x13e: {  	vm12 =	veq.f32 v57, v7;
	vm14 =	vgt.f32 v57, v5;
	vm15 =	vgt.f32 v58, v6  }
0x13f: {  	vm5 =	veq.f32 v58, v6;
	v0 =	vadd.s32 v37, v0;
	vm4 =	vcmask $0x3F34  }
0x140: {  	v45 =	vsel vm1, $0x1, v18;
	vm0 =	vmor vm13, vm0;
	vm1 =	vmand vm10, vm9  }
0x141: {  	v46 =	vsel vm8, $0x1, v18;
	vm13 =	vgt.f32 v57, v7;
	vm2 =	vmand vm12, vm6  }
0x142: {  	v52 =	vsel vm14, $0x1, v18;
	vm6 =	vlt.s32 v59, v19;
	vm8 =	veq.f32 v58, v8  }
0x143: {  	v61 =	vld [tilespmem:$0x1FFD0];
	vm9 =	vlt.s32 v59, v2;
	vm10 =	vgt.f32 v58, v8;
	vm12 =	veq.f32 v62, v7  }
0x144: {  	vm14 =	vgt.f32 v62, v7;
	v49 =	vsel vm0, $0x1, v18;
	vm1 =	vmor vm11, vm1  }
0x145: {  	vm0 =	vmor vm13, vm2;
	vm2 =	vmand vm9, vm8;
	vm13 =	vgt.f32 v62, v5  }
0x146: {  	vm9 =	veq.f32 v56, v8;
	v1 =	vadd.s32 v45, v1;
	v0 =	vadd.s32 v52, v0  }
0x147: {  	v55 =	vld [tilespmem:$0x1FFC0];
	v50 =	vsel vm1, $0x1, v18;
	v53 =	vsel vm0, $0x1, v18;
	vm1 =	vmand vm6, vm5  }
0x148: {  	vm11 =	vmor vm10, vm2;
	v57 =	vsel vm13, $0x1, v18;
	v33 =	vadd.s32 v61, v33  }
0x149: {  	vm13 =	vgt.f32 v56, v8;
	vm0 =	vmor vm15, vm1;
	v47 =	vsel vm11, $0x1, v18  }
0x14a: {  	vm15 =	vgt.f32 v56, v6;
	v33 =	vadd.s32 v63, v33;
	v1 =	vadd.s32 v50, v1  }
0x14b: {  	v62 =	vld [tilespmem:$0x1FFE0];
	v0 =	vadd.s32 v57, v0;
	v54 =	vsel vm0, $0x1, v18;
	vm0 =	vmand vm12, vm7  }
0x14c: {  	vm7 =	veq.f32 v56, v6;
	vm8 =	vlt.s32 v55, v19;
	vm10 =	vlt.s32 v55, v2  }
0x14d: {  	v36 =	vadd.s32 v30, v33;
	v1 =	vadd.s32 v47, v1;
	v47 =	vimm.s32 $0xC  }
0x14e: {  	vm0 =	vmor vm14, vm0;
	vm2 =	vmand vm8, vm7;
	vm12 =	vmand vm10, vm9  }
0x14f: {  	v41 =	vadd.s32 v51, v36;
	v48 =	vperm.xlane v7, v47;
	v60 =	vsel vm0, $0x1, v18  }
0x150: {  	v51 =	vld [tilespmem:$0x1FFF0];
	vm11 =	vmor vm15, vm2;
	v21 =	vadd.s32 v62, v21;
	v13 =	vadd.s32 v13, v41  }
0x151: {  	vm0 =	vmor vm13, vm12;
	v21 =	vadd.s32 v32, v21;
	v10 =	vadd.s32 v10, v13  }
0x152: {  	vm14 =	veq.f32 v48, v7;
	vm15 =	vgt.f32 v48, v5;
	v21 =	vadd.s32 v28, v21  }
0x153: {  	vm5 =	vgt.f32 v48, v7;
	v50 =	vsel vm15, $0x1, v18;
	v21 =	vadd.s32 v44, v21  }
0x154: {  	v44 =	vadd.s32 v14, v10;
	v0 =	vadd.s32 v50, v0;
	v12 =	vadd.s32 v12, v21  }
0x155: {  	v4 =	vadd.s32 v15, v44;
	vm7 =	vlt.s32 v51, v19;
	v3 =	vadd.s32 v3, v12  }
0x156: {  	vm10 =	vlt.s32 v51, v2;
	v4 =	vadd.s32 v38, v4;
	v3 =	vadd.s32 v11, v3  }
0x157: {  	v4 =	vadd.s32 v42, v4;
	v11 =	vperm.xlane v8, v47;
	v3 =	vadd.s32 v16, v3  }
0x158: {  	v4 =	vadd.s32 v49, v4;
	v49 =	vsel vm0, $0x1, v18;
	vm0 =	vmand vm14, vm4  }
0x159: {  	vm14 =	vcmask $0x3F38;
	v3 =	vadd.s32 v34, v3;
	v4 =	vadd.s32 v53, v4  }
0x15a: {  	v1 =	vadd.s32 v49, v1;
	vm0 =	vmor vm5, vm0;
	vm6 =	veq.f32 v11, v6  }
0x15b: {  	vm8 =	vgt.f32 v11, v6;
	vm9 =	veq.f32 v11, v8;
	v3 =	vadd.s32 v43, v3  }
0x15c: {  	v4 =	vadd.s32 v60, v4;
	v52 =	vsel vm0, $0x1, v18;
	vm1 =	vmand vm7, vm6  }
0x15d: {  	v3 =	vadd.s32 v46, v3;
	v46 =	vsel vm11, $0x1, v18;
	vm0 =	vmor vm8, vm1  }
0x15e: {  	v4 =	vadd.s32 v52, v4;
	vm1 =	vmand vm10, vm9;
	vm11 =	vgt.f32 v11, v8  }
0x15f: {  	v3 =	vadd.s32 v54, v3;
	vm1 =	vmor vm11, vm1;
	v54 =	vimm.s32 $0xD  }
0x160: {  	v53 =	vsel vm0, $0x1, v18;
	v3 =	vadd.s32 v46, v3;
	v55 =	vperm.xlane v7, v54  }
0x161: {  	v56 =	vperm.xlane v8, v54;
	v11 =	vperm.xlane v2, v54;
	v57 =	vsel vm1, $0x1, v18  }
0x162: {  	v3 =	vadd.s32 v53, v3;
	v1 =	vadd.s32 v57, v1;
	vm12 =	vgt.f32 v55, v7  }
0x163: {  	vm13 =	veq.f32 v55, v7;
	vm15 =	veq.f32 v56, v6;
	vm6 =	vlt.s32 v11, v19  }
0x164: {  	vm7 =	vgt.f32 v56, v6;
	vm8 =	veq.f32 v56, v8;
	vm9 =	vlt.s32 v11, v2  }
0x165: {  	vm10 =	vgt.f32 v56, v8;
	vm1 =	vmand vm13, vm14;
	vm2 =	vmand vm15, vm6  }
0x166: {  	vm0 =	vmor vm12, vm1;
	vm1 =	vmor vm7, vm2;
	vm2 =	vmand vm8, vm9  }
0x167: {  	vm11 =	vgt.f32 v55, v5;
	vm2 =	vmor vm10, vm2;
	v58 =	vsel vm1, $0x1, v18  }
0x168: {  	v59 =	vsel vm11, $0x1, v18;
	v3 =	vadd.s32 v58, v3;
	v60 =	vsel vm2, $0x1, v18  }
0x169: {  	v0 =	vadd.s32 v59, v0;
	v1 =	vadd.s32 v60, v1;
	vm12 =	vlt.u32 v3, $0x14  }
0x16a: {  	v61 =	vsel vm0, $0x1, v18;
	v3 =	vmin.u32 v3, $0x13;
	vm13 =	vlt.u32 v1, $0x14  }
0x16b: {  	vm14 =	vlt.u32 v0, $0x14;
	v4 =	vadd.s32 v61, v4;
	v1 =	vmin.u32 v1, $0x13  }
0x16c: {  	v0 =	vmin.u32 v0, $0x13;
	vm15 =	vlt.u32 v4, $0x14  }
0x16d: {  	v4 =	vmin.u32 v4, $0x13  }
0x16e: {  	s29 =	simm.s32 $0x100  }
0x16f: {  	[tilespmem:v3+s29+$0x0] =	vst.idx.msk vm12, v19  }
0x170: {  	s30 =	simm.s32 $0x180;
	v62 =	vlaneseq.u32;
	[tilespmem:v1+s29+$0x0] =	vst.idx.msk vm13, v2  }
0x171: {  	v63 =	vor.u32 $0x10, v62;
	[tilespmem:v0+s30+$0x0] =	vst.idx.msk vm14, v62  }
0x172: {  	[tilespmem:v4+s30+$0x0] =	vst.idx.msk vm15, v63  }
0x173: {  	[hbm4b:s1+s3] =	stream.linear.scatter [tilespmem:s29], [sflag:$0x1], $0x80, $0x38;
	[tilespmem:$0x200] =	vst v63  }
0x174: {  	_ = 	snop  }
0x175: {  	[hbm4b:s2+s3] =	stream.linear.scatter [tilespmem:s30], [sflag:$0x2], $0x80, $0x38;
	[tilespmem:$0x200] =	vst v63  }
0x176: {  	_ =	swait.ge [sflag:s28], $0x80  }
0x177: {  	[sflag:s28] =	ssyncset.done $0x0  }
0x178: {  	s31 =	simm.s32 $0x2;
	[sflag:s28] =	ssyncadd.s32 $0xFFFFFF80  }
0x179: {  	_ =	swait.ge [sflag:s31], $0x80  }
0x17a: {  	[sflag:s31] =	ssyncset.done $0x0  }
0x17b: {  	[sflag:s31] =	ssyncadd.s32 $0xFFFFFF80  }
0x17c: {  	_ =	sfence.sel $0x180000  }
0x17d: {  	[bflag:$0x0] =	sbarrier.arrive $0xFFFF  }
0x17e: {  	_ =	strace $0x90000047  }
0x17f: {  	s0 =	sadd.s32 $0x100000, s0;
	[bflag:$0x2] =	sbarrier.arrive $0xFFFF  }
0x180: {  	[sflag:s0] =	ssyncadd.tile.s32 $0x1;
	_ =	shalt  }
.Lfunc_end2:
_tile_overlayer_lowered:
.L_overlay_start_2:
0x181: {  	(tag) =	ssettag $0x2  }
0x182: {  	s0 =	rddreg [dreg:$0x0];
	s2 =	stileid.u32  }
0x183: {  	s1 =	rddreg [dreg:$0x1];
	p0 =	sne.s32 s2, $0x0  }
0x184: {  	s3 =	rddreg [dreg:$0x2];
	[bflag:$0x3] =	sbarrier.arrive $0xFFFF;
	s2 =	simm.s32 @!p0 $0x1C03  }
0x185: {  	[timem:s3], [sflag:s2] =	dma.local @!p0 [hbm:s0], s1  }
0x186: {  	s0 =	simm.s32 @!p0 $0x3  }
0x187: {  	_ =	swait.ge @!p0 [sflag:s0], s1  }
0x188: {  	s1 =	ssub.s32 @!p0 $0x0, s1;
	[sflag:s0] =	ssyncset.done @!p0 $0x0  }
0x189: {  	[sflag:s0] =	ssyncadd.s32 @!p0 s1  }
0x18a: {  	[bflag:$0x3] =	sbarrier.arrive $0xFFFF  }
0x18b: {  	_ =	shalt  }

</sc_bundles>
